<compile_context>
chip_gen: v7x
topology: tpu7x:2x2x1
jax: 0.10.2.dev20260603
libtpu: 0.0.44.dev20260713+nightly
codegen_flags: <defaults>
</compile_context>

<pallas_src>
import dataclasses
import functools

import jax
import jax.numpy as jnp
import numpy as np
from jax import lax
from jax.experimental import pallas as pl
from jax.experimental.pallas import tpu as pltpu
from jax.experimental.pallas import tpu_sc as plsc

CUTOFF = 10.0

NC = 2
NS = 16
LANES = 16


def _ssp(x):
    return jnp.maximum(x, 0.0) + jnp.log1p(jnp.exp(-jnp.abs(x))) - 0.6931471805599453


def _h_body(x_ref, w_ref, b_ref, o_ref):
    o_ref[...] = (
        jnp.dot(x_ref[...], w_ref[...], preferred_element_type=jnp.float32)
        + b_ref[...]
    )


def _compute_h(x, w_t, b, block_n):
    n, f = x.shape
    return pl.pallas_call(
        _h_body,
        grid=(n // block_n,),
        in_specs=[
            pl.BlockSpec((block_n, f), lambda i: (i, 0)),
            pl.BlockSpec((f, f), lambda i: (0, 0)),
            pl.BlockSpec((1, f), lambda i: (0, 0)),
        ],
        out_specs=pl.BlockSpec((block_n, f), lambda i: (i, 0)),
        out_shape=jax.ShapeDtypeStruct((n, f), jnp.float32),
    )(x, w_t, b)


def _filters_body(g_count, nb, lane, d_ref, w1_ref, b1_ref, w2_ref, b2_ref,
                  o_ref):
    step = CUTOFF / (g_count - 1)
    coeff = -0.5 / step**2
    f = w1_ref.shape[0]
    o_col = (lax.broadcasted_iota(jnp.int32, (g_count, 1), 0)
             .astype(jnp.float32) * step)
    for r in range(nb):
        d_row = d_ref[pl.ds(r, 1), :]
        exp_t = jnp.exp(coeff * (d_row - o_col) ** 2).astype(jnp.bfloat16)
        t1_t = (
            jax.lax.dot_general(
                w1_ref[...], exp_t, (((1,), (0,)), ((), ())),
                preferred_element_type=jnp.float32,
            )
            + b1_ref[...]
        )
        ssp_l = jnp.log(1.0 + jnp.exp(t1_t)) - 0.6931471805599453
        blk = (
            jax.lax.dot_general(
                ssp_l, w2_ref[...], (((0,), (0,)), ((), ())),
                preferred_element_type=jnp.float32,
            )
            + b2_ref[...]
        )
        u = jax.lax.bitcast_convert_type(blk, jnp.int32) + 32768
        half = f // 2
        lo_bits = (u[:, :half] >> 16) & 65535
        hi_bits = u[:, half:] & (-65536)
        o_ref[pl.ds(r * lane, lane), :] = lo_bits | hi_bits


def _compute_filters(d_t, w1_s, b1_col, w2_s, b2_row, nb):
    n_rows, lane = d_t.shape
    g = w1_s.shape[1]
    f = w1_s.shape[0]
    return pl.pallas_call(
        functools.partial(_filters_body, g, nb, lane),
        grid=(n_rows // nb,),
        in_specs=[
            pl.BlockSpec((nb, lane), lambda i: (i, 0)),
            pl.BlockSpec((f, g), lambda i: (0, 0)),
            pl.BlockSpec((f, 1), lambda i: (0, 0)),
            pl.BlockSpec((f, f), lambda i: (0, 0)),
            pl.BlockSpec((1, f), lambda i: (0, 0)),
        ],
        out_specs=pl.BlockSpec((nb * lane, f // 2), lambda i: (i, 0)),
        out_shape=jax.ShapeDtypeStruct((n_rows * lane, f // 2), jnp.int32),
    )(d_t, w1_s, b1_col, w2_s, b2_row)


def _cfconv_sc(nbr3, h, filters, zeros_nf, c0, n_take):
    n_out, f = zeros_nf.shape
    _, _, ch = nbr3.shape
    hi_chunk = c0 + n_take
    nw = NC * NS
    rows_main = (n_out // NS) // 8 * 8
    tail = n_out - rows_main * NS
    mesh = plsc.VectorSubcoreMesh(core_axis_name="c", subcore_axis_name="s")
    cp = pltpu.CompilerParams()
    if "needs_layout_passes" in pltpu.CompilerParams.__dataclass_fields__:
        cp = dataclasses.replace(cp, needs_layout_passes=False)

    @functools.partial(
        pl.kernel,
        out_type=jax.ShapeDtypeStruct((NC, n_out, f), jnp.float32),
        mesh=mesh,
        compiler_params=cp,
        scratch_types=[
            pltpu.VMEM((2, 1, ch), jnp.int32),
            pltpu.VMEM((2, 1, ch), jnp.int32),
            pltpu.VMEM((ch, f), jnp.float32),
            pltpu.VMEM((ch, f), jnp.float32),
            pltpu.VMEM((ch, f // 2), jnp.int32),
            pltpu.VMEM_SHARED((n_out, f), jnp.float32),
            pltpu.SemaphoreType.DMA,
            pltpu.SemaphoreType.DMA,
            pltpu.SemaphoreType.DMA,
        ],
    )
    def sc_kernel(nbr_hbm, h_hbm, filt_hbm, zero_hbm, out_hbm,
                  idx0, idx1, rows0, rows1, filt_v, acc_shared,
                  gsem0, gsem1, fsem):
        cid = lax.axis_index("c")
        sid = lax.axis_index("s")
        wid = sid * NC + cid

        row0 = sid * rows_main

        def drain_copy(src_ref, dst_ref):
            pltpu.sync_copy(src_ref.at[pl.ds(row0, rows_main)],
                            dst_ref.at[pl.ds(row0, rows_main)])

            if tail > 0:
                @pl.when(sid == NS - 1)
                def _():
                    pltpu.sync_copy(src_ref.at[pl.ds(rows_main * NS, tail)],
                                    dst_ref.at[pl.ds(rows_main * NS, tail)])

        drain_copy(zero_hbm, acc_shared)
        plsc.subcore_barrier()

        def fetch(c, idx_v, rows_v, gsem):
            pltpu.sync_copy(nbr_hbm.at[:, pl.ds(c, 1), :], idx_v)
            pltpu.async_copy(h_hbm.at[idx_v.at[0, 0]], rows_v, gsem)

        def process(c, c_nf, idx_v, rows_v, gsem):
            pltpu.make_async_copy(h_hbm.at[idx_v.at[0, 0]], rows_v, gsem).wait()
            pltpu.make_async_copy(filt_hbm.at[pl.ds((c - c0) * ch, ch)],
                                  filt_v, fsem).wait()

            @pl.loop(0, ch)
            def _(r):
                for m in range(0, f, 2 * LANES):
                    w = filt_v[r, pl.ds(m // 2, LANES)]
                    lo = plsc.bitcast(lax.shift_left(w, 16), jnp.float32)
                    hi = plsc.bitcast(w & jnp.int32(-65536), jnp.float32)
                    rows_v[r, pl.ds(m, LANES)] = (
                        rows_v[r, pl.ds(m, LANES)] * lo
                    )
                    rows_v[r, pl.ds(m + LANES, LANES)] = (
                        rows_v[r, pl.ds(m + LANES, LANES)] * hi
                    )

            @pl.when(c_nf < hi_chunk)
            def _():
                pltpu.async_copy(filt_hbm.at[pl.ds((c_nf - c0) * ch, ch)],
                                 filt_v, fsem)

            pltpu.sync_copy(rows_v, acc_shared.at[idx_v.at[1, 0]], add=True)

        fetch(c0 + wid, idx0, rows0, gsem0)
        pltpu.async_copy(filt_hbm.at[pl.ds(wid * ch, ch)], filt_v, fsem)

        @pl.loop(0, (n_take + 2 * nw - 1) // (2 * nw))
        def _(i):
            c_a = c0 + wid + i * 2 * nw
            c_b = c_a + nw
            c_n = c_a + 2 * nw

            @pl.when(c_b < hi_chunk)
            def _():
                fetch(c_b, idx1, rows1, gsem1)

            @pl.when(c_a < hi_chunk)
            def _():
                process(c_a, c_b, idx0, rows0, gsem0)

            @pl.when(c_n < hi_chunk)
            def _():
                fetch(c_n, idx0, rows0, gsem0)

            @pl.when(c_b < hi_chunk)
            def _():
                process(c_b, c_n, idx1, rows1, gsem1)

        plsc.subcore_barrier()
        drain_copy(acc_shared, out_hbm.at[cid])

    return sc_kernel(nbr3, h, filters, zeros_nf)


def _out_body(p_ref, q_ref, w1_ref, b1_ref, w2_ref, b2_ref, o_ref):
    agg = (p_ref[0] + p_ref[1]) + (q_ref[0] + q_ref[1])
    t = _ssp(
        jnp.dot(agg, w1_ref[...], preferred_element_type=jnp.float32)
        + b1_ref[...]
    )
    o_ref[...] = (
        jnp.dot(t, w2_ref[...], preferred_element_type=jnp.float32) + b2_ref[...]
    )


def _compute_out(partials, partials2, n, w1_t, b1, w2_t, b2, block_n):
    _, _, f = partials.shape
    return pl.pallas_call(
        _out_body,
        grid=(n // block_n,),
        in_specs=[
            pl.BlockSpec((NC, block_n, f), lambda i: (0, i, 0)),
            pl.BlockSpec((NC, block_n, f), lambda i: (0, i, 0)),
            pl.BlockSpec((f, f), lambda i: (0, 0)),
            pl.BlockSpec((1, f), lambda i: (0, 0)),
            pl.BlockSpec((f, f), lambda i: (0, 0)),
            pl.BlockSpec((1, f), lambda i: (0, 0)),
        ],
        out_specs=pl.BlockSpec((block_n, f), lambda i: (i, 0)),
        out_shape=jax.ShapeDtypeStruct((n, f), jnp.float32),
    )(partials, partials2, w1_t, b1, w2_t, b2)


def kernel(neighbour_index, neighbour_distances, node_features,
           W_lin, b_lin, W_f1, b_f1, W_f2, b_f2, W_m1, b_m1, W_m2, b_m2):
    n, f = node_features.shape
    e = neighbour_distances.shape[0]
    ch = 128
    ln2 = 0.6931471805599453

    h = _compute_h(node_features, W_lin.T, b_lin.reshape(1, f), block_n=1000)

    a = np.arange(f).reshape(-1, 2, LANES)
    perm = np.concatenate([a[:, 0, :].ravel(), a[:, 1, :].ravel()])
    w2_s = W_f2.T[:, perm]
    b2_row = b_f2[perm].reshape(1, f)
    nb = 8
    lane = 256
    e_half = e // 2
    w1_bf = W_f1.astype(jnp.bfloat16)
    b1_col = b_f1.reshape(f, 1)

    def filters_for(d_half):
        rows = e_half // lane
        rows_pad = (rows + nb - 1) // nb * nb
        d_pad = jnp.concatenate(
            [d_half, jnp.zeros((rows_pad * lane - e_half,), jnp.float32)])
        return _compute_filters(
            d_pad.reshape(rows_pad, lane), w1_bf, b1_col, w2_s, b2_row, nb=nb)

    filters1 = filters_for(neighbour_distances[:e_half])
    filters2 = filters_for(neighbour_distances[e_half:])
    nbr3 = neighbour_index.reshape(2, e // ch, ch)
    zeros_nf = jnp.zeros((n, f), jnp.float32)
    chunks_half = e_half // ch
    partials1 = _cfconv_sc(nbr3, h, filters1, zeros_nf, 0, chunks_half)
    partials2 = _cfconv_sc(nbr3, h, filters2, zeros_nf, chunks_half,
                           chunks_half)
    return _compute_out(
        partials1, partials2, n,
        W_m1.T, b_m1.reshape(1, f), W_m2.T, b_m2.reshape(1, f),
        block_n=1000,
    )

# --- scband reference (transcript-rebuilt; emitter-appended) ---
"""Pipeline reference for scband-sch-net-interaction-4002909520406 (READ-ONLY COPY).

The authoritative reference and input builder live on the scoring server;
editing this copy changes nothing except your own understanding.
"""

import jax, jax.numpy as jnp
import numpy as np

N = 10000
E = 320000
F = 128
G = 50
CUTOFF = 10.0


def ssp(x):
    return jax.nn.softplus(x) - jnp.log(2.0)


def setup_inputs(seed: int = 0) -> dict:
    key = jax.random.key(seed)
    ks = jax.random.split(key, 14)
    inp = {}
    inp["neighbour_index"] = jax.random.randint(ks[0], (2, E), 0, N, dtype=jnp.int32)
    inp["neighbour_distances"] = jax.random.uniform(ks[1], (E,), minval=0.0, maxval=CUTOFF, dtype=jnp.float32)
    inp["node_features"] = jax.random.normal(ks[2], (N, F), dtype=jnp.float32)
    s = lambda fan: 1.0 / np.sqrt(fan)
    inp["W_lin"] = jax.random.normal(ks[3], (F, F), dtype=jnp.float32) * s(F)
    inp["b_lin"] = jnp.zeros((F,), dtype=jnp.float32)
    inp["W_f1"] = jax.random.normal(ks[4], (F, G), dtype=jnp.float32) * s(G)
    inp["b_f1"] = jnp.zeros((F,), dtype=jnp.float32)
    inp["W_f2"] = jax.random.normal(ks[5], (F, F), dtype=jnp.float32) * s(F)
    inp["b_f2"] = jnp.zeros((F,), dtype=jnp.float32)
    inp["W_m1"] = jax.random.normal(ks[6], (F, F), dtype=jnp.float32) * s(F)
    inp["b_m1"] = jnp.zeros((F,), dtype=jnp.float32)
    inp["W_m2"] = jax.random.normal(ks[7], (F, F), dtype=jnp.float32) * s(F)
    inp["b_m2"] = jnp.zeros((F,), dtype=jnp.float32)
    return inp


def reference(neighbour_index, neighbour_distances, node_features, W_lin, b_lin, W_f1, b_f1, W_f2, b_f2, W_m1, b_m1, W_m2, b_m2):
    # h = W x  (linear transform of node features)
    h = node_features @ W_lin.T + b_lin
    # GaussianSmearing: expand distances into G radial basis features
    offset = jnp.linspace(0.0, CUTOFF, G)
    coeff = -0.5 / (offset[1] - offset[0]) ** 2
    expanded = jnp.exp(coeff * (neighbour_distances[:, None] - offset[None, :]) ** 2)
    # filter MLP: Linear(G->F) -> ShiftedSoftplus -> Linear(F->F)
    filters = ssp(expanded @ W_f1.T + b_f1) @ W_f2.T + b_f2
    # CFConv message passing: m_ij = h_j * F(r_ij), aggregated with add at dst
    src = neighbour_index[0]
    dst = neighbour_index[1]
    msg = h[src] * filters
    agg = jax.ops.segment_sum(msg, dst, num_segments=N)
    # output MLP: Linear(F->F) -> ShiftedSoftplus -> Linear(F->F)
    out = ssp(agg @ W_m1.T + b_m1) @ W_m2.T + b_m2
    return out

if __name__ == "__main__":
    import jax
    _d = setup_inputs()
    print(jax.jit(kernel)(*tuple(_d.values())))

</pallas_src>

<mosaic_0001>
#map = affine_map<(d0, d1) -> (0, 0, 0)>
#map1 = affine_map<(d0, d1) -> (0, 0)>
module attributes {stable_mosaic.version = 14 : i64} {
  func.func @sc_kernel(%arg0: i32, %arg1: i32, %arg2: memref<2x2500x128xi32, #tpu.memory_space<hbm>>, %arg3: memref<10000x128xf32, #tpu.memory_space<hbm>>, %arg4: memref<161792x64xi32, #tpu.memory_space<hbm>>, %arg5: memref<10000x128xf32, #tpu.memory_space<hbm>>, %arg6: memref<2x10000x128xf32, #tpu.memory_space<hbm>>, %arg7: memref<2x1x128xi32, #tpu.memory_space<vmem>>, %arg8: memref<2x1x128xi32, #tpu.memory_space<vmem>>, %arg9: memref<128x128xf32, #tpu.memory_space<vmem>>, %arg10: memref<128x128xf32, #tpu.memory_space<vmem>>, %arg11: memref<128x64xi32, #tpu.memory_space<vmem>>, %arg12: memref<10000x128xf32, #tpu.memory_space<vmem_shared>>, %arg13: memref<!tpu.dma_semaphore, #tpu.memory_space<semaphore_mem>>, %arg14: memref<!tpu.dma_semaphore, #tpu.memory_space<semaphore_mem>>, %arg15: memref<!tpu.dma_semaphore, #tpu.memory_space<semaphore_mem>>) attributes {dimension_semantics = [#tpu.dimension_semantics<core_parallel>, #tpu.dimension_semantics<subcore_parallel>], iteration_bounds = array<i64: 2, 16>, scalar_prefetch = 0 : i64, scratch_operands = 9 : i64, tpu.core_type = #tpu.core_type<sc_vector_subcore>, window_params = [{transform_indices = #map}, {transform_indices = #map1}, {transform_indices = #map1}, {transform_indices = #map1}, {transform_indices = #map}]} {
    %mul3A = arith.constant 2 : i32
    %mul3A_0 = arith.muli %arg1, %mul3A : i32
    %add3A = arith.addi %mul3A_0, %arg0 : i32
    %mul3A_1 = arith.constant 624 : i32
    %mul3A_2 = arith.muli %arg1, %mul3A_1 : i32
    "tpu.region"() ({
      %run_scoped3A = tpu.sem_alloc : memref<!tpu.dma_semaphore, #tpu.memory_space<semaphore_mem>>
      %dma_start3A_30 = arith.constant 0 : i32
      %dma_start3A_31 = tpu.memref_slice %arg12[%mul3A_2, %dma_start3A_30] : memref<10000x128xf32, #tpu.memory_space<vmem_shared>> -> memref<624x128xf32, #tpu.memory_space<vmem_shared>>
      %dma_start3A_32 = arith.constant 0 : i32
      %dma_start3A_33 = tpu.memref_slice %arg5[%mul3A_2, %dma_start3A_32] : memref<10000x128xf32, #tpu.memory_space<hbm>> -> memref<624x128xf32, #tpu.memory_space<hbm>>
      tpu.enqueue_dma source(%dma_start3A_33 : memref<624x128xf32, #tpu.memory_space<hbm>>) target(%dma_start3A_31 : memref<624x128xf32, #tpu.memory_space<vmem_shared>>) target_semaphore(%run_scoped3A : memref<!tpu.dma_semaphore, #tpu.memory_space<semaphore_mem>>)
      %dma_wait3A = arith.constant 0 : i32
      %dma_wait3A_34 = tpu.memref_slice %arg12[%mul3A_2, %dma_wait3A] : memref<10000x128xf32, #tpu.memory_space<vmem_shared>> -> memref<624x128xf32, #tpu.memory_space<vmem_shared>>
      %dma_wait3A_35 = arith.constant 0 : i32
      %dma_wait3A_36 = tpu.memref_slice %arg5[%mul3A_2, %dma_wait3A_35] : memref<10000x128xf32, #tpu.memory_space<hbm>> -> memref<624x128xf32, #tpu.memory_space<hbm>>
      tpu.wait_dma2 semaphore(%run_scoped3A : memref<!tpu.dma_semaphore, #tpu.memory_space<semaphore_mem>>) src(%dma_wait3A_36 : memref<624x128xf32, #tpu.memory_space<hbm>>) dst(%dma_wait3A_34 : memref<624x128xf32, #tpu.memory_space<vmem_shared>>)
      tpu.yield
    }) : () -> ()
    %eq3A = arith.constant 15 : i32
    %eq3A_3 = arith.cmpi eq, %arg1, %eq3A : i32
    %convert_element_type3A = arith.extui %eq3A_3 : i1 to i32
    %cond3A = arith.constant 0 : i32
    %cond3A_4 = arith.cmpi ne, %convert_element_type3A, %cond3A : i32
    scf.if %cond3A_4 {
      "tpu.region"() ({
        %run_scoped3A = tpu.sem_alloc : memref<!tpu.dma_semaphore, #tpu.memory_space<semaphore_mem>>
        %dma_start3A_30 = arith.constant 9984 : i32
        %dma_start3A_31 = arith.constant 0 : i32
        %dma_start3A_32 = tpu.memref_slice %arg12[%dma_start3A_30, %dma_start3A_31] : memref<10000x128xf32, #tpu.memory_space<vmem_shared>> -> memref<16x128xf32, #tpu.memory_space<vmem_shared>>
        %dma_start3A_33 = arith.constant 9984 : i32
        %dma_start3A_34 = arith.constant 0 : i32
        %dma_start3A_35 = tpu.memref_slice %arg5[%dma_start3A_33, %dma_start3A_34] : memref<10000x128xf32, #tpu.memory_space<hbm>> -> memref<16x128xf32, #tpu.memory_space<hbm>>
        tpu.enqueue_dma source(%dma_start3A_35 : memref<16x128xf32, #tpu.memory_space<hbm>>) target(%dma_start3A_32 : memref<16x128xf32, #tpu.memory_space<vmem_shared>>) target_semaphore(%run_scoped3A : memref<!tpu.dma_semaphore, #tpu.memory_space<semaphore_mem>>)
        %dma_wait3A = arith.constant 9984 : i32
        %dma_wait3A_36 = arith.constant 0 : i32
        %dma_wait3A_37 = tpu.memref_slice %arg12[%dma_wait3A, %dma_wait3A_36] : memref<10000x128xf32, #tpu.memory_space<vmem_shared>> -> memref<16x128xf32, #tpu.memory_space<vmem_shared>>
        %dma_wait3A_38 = arith.constant 9984 : i32
        %dma_wait3A_39 = arith.constant 0 : i32
        %dma_wait3A_40 = tpu.memref_slice %arg5[%dma_wait3A_38, %dma_wait3A_39] : memref<10000x128xf32, #tpu.memory_space<hbm>> -> memref<16x128xf32, #tpu.memory_space<hbm>>
        tpu.wait_dma2 semaphore(%run_scoped3A : memref<!tpu.dma_semaphore, #tpu.memory_space<semaphore_mem>>) src(%dma_wait3A_40 : memref<16x128xf32, #tpu.memory_space<hbm>>) dst(%dma_wait3A_37 : memref<16x128xf32, #tpu.memory_space<vmem_shared>>)
        tpu.yield
      }) : () -> ()
    } else {
    }
    %barrier3A = arith.constant 0 : index
    tpu.barrier barrier_id(%barrier3A)
    %add3A_5 = arith.constant 1250 : i32
    %add3A_6 = arith.addi %add3A_5, %add3A : i32
    "tpu.region"() ({
      %run_scoped3A = tpu.sem_alloc : memref<!tpu.dma_semaphore, #tpu.memory_space<semaphore_mem>>
      %dma_start3A_30 = arith.constant 0 : i32
      %dma_start3A_31 = arith.constant 0 : i32
      %dma_start3A_32 = tpu.memref_slice %arg2[%dma_start3A_30, %add3A_6, %dma_start3A_31] : memref<2x2500x128xi32, #tpu.memory_space<hbm>> -> memref<2x1x128xi32, #tpu.memory_space<hbm>>
      %dma_start3A_33 = arith.constant 0 : i32
      %dma_start3A_34 = arith.constant 0 : i32
      %dma_start3A_35 = tpu.memref_slice %arg2[%dma_start3A_33, %add3A_6, %dma_start3A_34] : memref<2x2500x128xi32, #tpu.memory_space<hbm>> -> memref<2x1x128xi32, #tpu.memory_space<hbm>>
      tpu.enqueue_dma source(%dma_start3A_35 : memref<2x1x128xi32, #tpu.memory_space<hbm>>) target(%arg7 : memref<2x1x128xi32, #tpu.memory_space<vmem>>) target_semaphore(%run_scoped3A : memref<!tpu.dma_semaphore, #tpu.memory_space<semaphore_mem>>)
      %dma_wait3A = arith.constant 0 : i32
      %dma_wait3A_36 = arith.constant 0 : i32
      %dma_wait3A_37 = tpu.memref_slice %arg2[%dma_wait3A, %add3A_6, %dma_wait3A_36] : memref<2x2500x128xi32, #tpu.memory_space<hbm>> -> memref<2x1x128xi32, #tpu.memory_space<hbm>>
      %dma_wait3A_38 = arith.constant 0 : i32
      %dma_wait3A_39 = arith.constant 0 : i32
      %dma_wait3A_40 = tpu.memref_slice %arg2[%dma_wait3A_38, %add3A_6, %dma_wait3A_39] : memref<2x2500x128xi32, #tpu.memory_space<hbm>> -> memref<2x1x128xi32, #tpu.memory_space<hbm>>
      tpu.wait_dma2 semaphore(%run_scoped3A : memref<!tpu.dma_semaphore, #tpu.memory_space<semaphore_mem>>) src(%dma_wait3A_40 : memref<2x1x128xi32, #tpu.memory_space<hbm>>) dst(%arg7 : memref<2x1x128xi32, #tpu.memory_space<vmem>>)
      tpu.yield
    }) : () -> ()
    %dma_start3A = arith.constant 0 : i32
    %dma_start3A_7 = arith.constant 0 : i32
    %dma_start3A_8 = arith.constant 0 : i32
    %dma_start3A_9 = tpu.memref_slice %arg7[%dma_start3A, %dma_start3A_7, %dma_start3A_8] : memref<2x1x128xi32, #tpu.memory_space<vmem>> -> memref<1x1x128xi32, #tpu.memory_space<vmem>>
    %dma_start3A_10 = tpu.memref_squeeze %dma_start3A_9 : memref<1x1x128xi32, #tpu.memory_space<vmem>> -> memref<128xi32, #tpu.memory_space<vmem>>
    %dma_start3A_11 = arith.constant 0 : i32
    %dma_start3A_12 = arith.constant 0 : i32
    %dma_start3A_13 = tpu.memref_slice %arg3[%dma_start3A_11, %dma_start3A_12] : memref<10000x128xf32, #tpu.memory_space<hbm>> -> memref<10000x128xf32, #tpu.memory_space<hbm>>
    tpu.enqueue_indirect_dma source(%dma_start3A_13 : memref<10000x128xf32, #tpu.memory_space<hbm>>) target(%arg9 : memref<128x128xf32, #tpu.memory_space<vmem>>) offsets(%dma_start3A_10 : memref<128xi32, #tpu.memory_space<vmem>>) semaphore(%arg13 : memref<!tpu.dma_semaphore, #tpu.memory_space<semaphore_mem>>)
    %mul3A_14 = arith.constant 128 : i32
    %mul3A_15 = arith.muli %add3A, %mul3A_14 : i32
    %dma_start3A_16 = arith.constant 0 : i32
    %dma_start3A_17 = tpu.memref_slice %arg4[%mul3A_15, %dma_start3A_16] : memref<161792x64xi32, #tpu.memory_space<hbm>> -> memref<128x64xi32, #tpu.memory_space<hbm>>
    %dma_start3A_18 = arith.constant 0 : i32
    %dma_start3A_19 = tpu.memref_slice %arg4[%mul3A_15, %dma_start3A_18] : memref<161792x64xi32, #tpu.memory_space<hbm>> -> memref<128x64xi32, #tpu.memory_space<hbm>>
    tpu.enqueue_dma source(%dma_start3A_19 : memref<128x64xi32, #tpu.memory_space<hbm>>) target(%arg11 : memref<128x64xi32, #tpu.memory_space<vmem>>) target_semaphore(%arg15 : memref<!tpu.dma_semaphore, #tpu.memory_space<semaphore_mem>>)
    %scan3A = arith.constant 0 : i32
    %scan3A_20 = arith.constant 20 : i32
    %scan3A_21 = arith.addi %scan3A, %scan3A_20 : i32
    %scan3A_22 = arith.constant 1 : i32
    scf.for %scan3A_30 = %scan3A to %scan3A_21 step %scan3A_22  : i32 {
      %mul3A_31 = arith.constant 1 : i32
      %mul3A_32 = arith.muli %scan3A_30, %mul3A_31 : i32
      %add3A_33 = arith.constant 0 : i32
      %add3A_34 = arith.addi %add3A_33, %mul3A_32 : i32
      %add3A_35 = arith.constant 1250 : i32
      %add3A_36 = arith.addi %add3A_35, %add3A : i32
      %mul3A_37 = arith.constant 2 : i32
      %mul3A_38 = arith.muli %add3A_34, %mul3A_37 : i32
      %mul3A_39 = arith.constant 32 : i32
      %mul3A_40 = arith.muli %mul3A_38, %mul3A_39 : i32
      %add3A_41 = arith.addi %add3A_36, %mul3A_40 : i32
      %add3A_42 = arith.constant 32 : i32
      %add3A_43 = arith.addi %add3A_41, %add3A_42 : i32
      %add3A_44 = arith.constant 64 : i32
      %add3A_45 = arith.addi %add3A_41, %add3A_44 : i32
      %lt3A = arith.constant 2500 : i32
      %lt3A_46 = arith.cmpi slt, %add3A_43, %lt3A : i32
      %convert_element_type3A_47 = arith.extui %lt3A_46 : i1 to i32
      %cond3A_48 = arith.constant 0 : i32
      %cond3A_49 = arith.cmpi ne, %convert_element_type3A_47, %cond3A_48 : i32
      scf.if %cond3A_49 {
        "tpu.region"() ({
          %run_scoped3A = tpu.sem_alloc : memref<!tpu.dma_semaphore, #tpu.memory_space<semaphore_mem>>
          %dma_start3A_73 = arith.constant 0 : i32
          %dma_start3A_74 = arith.constant 0 : i32
          %dma_start3A_75 = tpu.memref_slice %arg2[%dma_start3A_73, %add3A_43, %dma_start3A_74] : memref<2x2500x128xi32, #tpu.memory_space<hbm>> -> memref<2x1x128xi32, #tpu.memory_space<hbm>>
          %dma_start3A_76 = arith.constant 0 : i32
          %dma_start3A_77 = arith.constant 0 : i32
          %dma_start3A_78 = tpu.memref_slice %arg2[%dma_start3A_76, %add3A_43, %dma_start3A_77] : memref<2x2500x128xi32, #tpu.memory_space<hbm>> -> memref<2x1x128xi32, #tpu.memory_space<hbm>>
          tpu.enqueue_dma source(%dma_start3A_78 : memref<2x1x128xi32, #tpu.memory_space<hbm>>) target(%arg8 : memref<2x1x128xi32, #tpu.memory_space<vmem>>) target_semaphore(%run_scoped3A : memref<!tpu.dma_semaphore, #tpu.memory_space<semaphore_mem>>)
          %dma_wait3A = arith.constant 0 : i32
          %dma_wait3A_79 = arith.constant 0 : i32
          %dma_wait3A_80 = tpu.memref_slice %arg2[%dma_wait3A, %add3A_43, %dma_wait3A_79] : memref<2x2500x128xi32, #tpu.memory_space<hbm>> -> memref<2x1x128xi32, #tpu.memory_space<hbm>>
          %dma_wait3A_81 = arith.constant 0 : i32
          %dma_wait3A_82 = arith.constant 0 : i32
          %dma_wait3A_83 = tpu.memref_slice %arg2[%dma_wait3A_81, %add3A_43, %dma_wait3A_82] : memref<2x2500x128xi32, #tpu.memory_space<hbm>> -> memref<2x1x128xi32, #tpu.memory_space<hbm>>
          tpu.wait_dma2 semaphore(%run_scoped3A : memref<!tpu.dma_semaphore, #tpu.memory_space<semaphore_mem>>) src(%dma_wait3A_83 : memref<2x1x128xi32, #tpu.memory_space<hbm>>) dst(%arg8 : memref<2x1x128xi32, #tpu.memory_space<vmem>>)
          tpu.yield
        }) : () -> ()
        %dma_start3A_65 = arith.constant 0 : i32
        %dma_start3A_66 = arith.constant 0 : i32
        %dma_start3A_67 = arith.constant 0 : i32
        %dma_start3A_68 = tpu.memref_slice %arg8[%dma_start3A_65, %dma_start3A_66, %dma_start3A_67] : memref<2x1x128xi32, #tpu.memory_space<vmem>> -> memref<1x1x128xi32, #tpu.memory_space<vmem>>
        %dma_start3A_69 = tpu.memref_squeeze %dma_start3A_68 : memref<1x1x128xi32, #tpu.memory_space<vmem>> -> memref<128xi32, #tpu.memory_space<vmem>>
        %dma_start3A_70 = arith.constant 0 : i32
        %dma_start3A_71 = arith.constant 0 : i32
        %dma_start3A_72 = tpu.memref_slice %arg3[%dma_start3A_70, %dma_start3A_71] : memref<10000x128xf32, #tpu.memory_space<hbm>> -> memref<10000x128xf32, #tpu.memory_space<hbm>>
        tpu.enqueue_indirect_dma source(%dma_start3A_72 : memref<10000x128xf32, #tpu.memory_space<hbm>>) target(%arg10 : memref<128x128xf32, #tpu.memory_space<vmem>>) offsets(%dma_start3A_69 : memref<128xi32, #tpu.memory_space<vmem>>) semaphore(%arg14 : memref<!tpu.dma_semaphore, #tpu.memory_space<semaphore_mem>>)
      } else {
      }
      %lt3A_50 = arith.constant 2500 : i32
      %lt3A_51 = arith.cmpi slt, %add3A_41, %lt3A_50 : i32
      %convert_element_type3A_52 = arith.extui %lt3A_51 : i1 to i32
      %cond3A_53 = arith.constant 0 : i32
      %cond3A_54 = arith.cmpi ne, %convert_element_type3A_52, %cond3A_53 : i32
      scf.if %cond3A_54 {
        %dma_wait3A = arith.constant 0 : i32
        %dma_wait3A_65 = arith.constant 0 : i32
        %dma_wait3A_66 = arith.constant 0 : i32
        %dma_wait3A_67 = tpu.memref_slice %arg7[%dma_wait3A, %dma_wait3A_65, %dma_wait3A_66] : memref<2x1x128xi32, #tpu.memory_space<vmem>> -> memref<1x1x128xi32, #tpu.memory_space<vmem>>
        %dma_wait3A_68 = tpu.memref_squeeze %dma_wait3A_67 : memref<1x1x128xi32, #tpu.memory_space<vmem>> -> memref<128xi32, #tpu.memory_space<vmem>>
        %dma_wait3A_69 = arith.constant 0 : i32
        %dma_wait3A_70 = arith.constant 0 : i32
        %dma_wait3A_71 = tpu.memref_slice %arg3[%dma_wait3A_69, %dma_wait3A_70] : memref<10000x128xf32, #tpu.memory_space<hbm>> -> memref<10000x128xf32, #tpu.memory_space<hbm>>
        tpu.wait_indirect_dma semaphore(%arg13 : memref<!tpu.dma_semaphore, #tpu.memory_space<semaphore_mem>>) src(%dma_wait3A_71 : memref<10000x128xf32, #tpu.memory_space<hbm>>) dst(%arg9 : memref<128x128xf32, #tpu.memory_space<vmem>>)
        %sub3A = arith.constant 1250 : i32
        %sub3A_72 = arith.subi %add3A_41, %sub3A : i32
        %mul3A_73 = arith.constant 128 : i32
        %mul3A_74 = arith.muli %sub3A_72, %mul3A_73 : i32
        %dma_wait3A_75 = arith.constant 0 : i32
        %dma_wait3A_76 = tpu.memref_slice %arg4[%mul3A_74, %dma_wait3A_75] : memref<161792x64xi32, #tpu.memory_space<hbm>> -> memref<128x64xi32, #tpu.memory_space<hbm>>
        %dma_wait3A_77 = arith.constant 0 : i32
        %dma_wait3A_78 = tpu.memref_slice %arg4[%mul3A_74, %dma_wait3A_77] : memref<161792x64xi32, #tpu.memory_space<hbm>> -> memref<128x64xi32, #tpu.memory_space<hbm>>
        tpu.wait_dma2 semaphore(%arg15 : memref<!tpu.dma_semaphore, #tpu.memory_space<semaphore_mem>>) src(%dma_wait3A_78 : memref<128x64xi32, #tpu.memory_space<hbm>>) dst(%arg11 : memref<128x64xi32, #tpu.memory_space<vmem>>)
        %scan3A_79 = arith.constant 0 : i32
        %scan3A_80 = arith.constant 128 : i32
        %scan3A_81 = arith.addi %scan3A_79, %scan3A_80 : i32
        %scan3A_82 = arith.constant 1 : i32
        scf.for %scan3A_90 = %scan3A_79 to %scan3A_81 step %scan3A_82  : i32 {
          %mul3A_91 = arith.constant 1 : i32
          %mul3A_92 = arith.muli %scan3A_90, %mul3A_91 : i32
          %add3A_93 = arith.constant 0 : i32
          %add3A_94 = arith.addi %add3A_93, %mul3A_92 : i32
          %get3A = arith.index_cast %add3A_94 : i32 to index
          %get3A_95 = arith.constant 0 : index
          %get3A_96 = tpu.vector_load %arg11[%get3A, %get3A_95] {strides = array<i32>} : memref<128x64xi32, #tpu.memory_space<vmem>>, vector<16xi32>,
          %shift_left3A = arith.constant 16 : i32
          %shift_left3A_97 = vector.broadcast %shift_left3A : i32 to vector<16xi32>
          %shift_left3A_98 = arith.shli %get3A_96, %shift_left3A_97 : vector<16xi32>
          %bitcast3A = vector.bitcast %shift_left3A_98 : vector<16xi32> to vector<16xf32>
          %and3A = arith.constant -65536 : i32
          %and3A_99 = vector.broadcast %and3A : i32 to vector<16xi32>
          %and3A_100 = arith.andi %get3A_96, %and3A_99 : vector<16xi32>
          %bitcast3A_101 = vector.bitcast %and3A_100 : vector<16xi32> to vector<16xf32>
          %get3A_102 = arith.index_cast %add3A_94 : i32 to index
          %get3A_103 = arith.constant 0 : index
          %get3A_104 = tpu.vector_load %arg9[%get3A_102, %get3A_103] {strides = array<i32>} : memref<128x128xf32, #tpu.memory_space<vmem>>, vector<16xf32>,
          %mul3A_105 = arith.mulf %get3A_104, %bitcast3A : vector<16xf32>
          %swap3A = arith.index_cast %add3A_94 : i32 to index
          %swap3A_106 = arith.constant 0 : index
          %swap3A_107 = tpu.vector_load %arg9[%swap3A, %swap3A_106] {strides = array<i32>} : memref<128x128xf32, #tpu.memory_space<vmem>>, vector<16xf32>,
          tpu.vector_store %arg9[%swap3A, %swap3A_106], %mul3A_105 {strides = array<i32>} : memref<128x128xf32, #tpu.memory_space<vmem>>, vector<16xf32>,
          %get3A_108 = arith.index_cast %add3A_94 : i32 to index
          %get3A_109 = arith.constant 16 : index
          %get3A_110 = tpu.vector_load %arg9[%get3A_108, %get3A_109] {strides = array<i32>} : memref<128x128xf32, #tpu.memory_space<vmem>>, vector<16xf32>,
          %mul3A_111 = arith.mulf %get3A_110, %bitcast3A_101 : vector<16xf32>
          %swap3A_112 = arith.index_cast %add3A_94 : i32 to index
          %swap3A_113 = arith.constant 16 : index
          %swap3A_114 = tpu.vector_load %arg9[%swap3A_112, %swap3A_113] {strides = array<i32>} : memref<128x128xf32, #tpu.memory_space<vmem>>, vector<16xf32>,
          tpu.vector_store %arg9[%swap3A_112, %swap3A_113], %mul3A_111 {strides = array<i32>} : memref<128x128xf32, #tpu.memory_space<vmem>>, vector<16xf32>,
          %get3A_115 = arith.index_cast %add3A_94 : i32 to index
          %get3A_116 = arith.constant 16 : index
          %get3A_117 = tpu.vector_load %arg11[%get3A_115, %get3A_116] {strides = array<i32>} : memref<128x64xi32, #tpu.memory_space<vmem>>, vector<16xi32>,
          %shift_left3A_118 = arith.constant 16 : i32
          %shift_left3A_119 = vector.broadcast %shift_left3A_118 : i32 to vector<16xi32>
          %shift_left3A_120 = arith.shli %get3A_117, %shift_left3A_119 : vector<16xi32>
          %bitcast3A_121 = vector.bitcast %shift_left3A_120 : vector<16xi32> to vector<16xf32>
          %and3A_122 = arith.constant -65536 : i32
          %and3A_123 = vector.broadcast %and3A_122 : i32 to vector<16xi32>
          %and3A_124 = arith.andi %get3A_117, %and3A_123 : vector<16xi32>
          %bitcast3A_125 = vector.bitcast %and3A_124 : vector<16xi32> to vector<16xf32>
          %get3A_126 = arith.index_cast %add3A_94 : i32 to index
          %get3A_127 = arith.constant 32 : index
          %get3A_128 = tpu.vector_load %arg9[%get3A_126, %get3A_127] {strides = array<i32>} : memref<128x128xf32, #tpu.memory_space<vmem>>, vector<16xf32>,
          %mul3A_129 = arith.mulf %get3A_128, %bitcast3A_121 : vector<16xf32>
          %swap3A_130 = arith.index_cast %add3A_94 : i32 to index
          %swap3A_131 = arith.constant 32 : index
          %swap3A_132 = tpu.vector_load %arg9[%swap3A_130, %swap3A_131] {strides = array<i32>} : memref<128x128xf32, #tpu.memory_space<vmem>>, vector<16xf32>,
          tpu.vector_store %arg9[%swap3A_130, %swap3A_131], %mul3A_129 {strides = array<i32>} : memref<128x128xf32, #tpu.memory_space<vmem>>, vector<16xf32>,
          %get3A_133 = arith.index_cast %add3A_94 : i32 to index
          %get3A_134 = arith.constant 48 : index
          %get3A_135 = tpu.vector_load %arg9[%get3A_133, %get3A_134] {strides = array<i32>} : memref<128x128xf32, #tpu.memory_space<vmem>>, vector<16xf32>,
          %mul3A_136 = arith.mulf %get3A_135, %bitcast3A_125 : vector<16xf32>
          %swap3A_137 = arith.index_cast %add3A_94 : i32 to index
          %swap3A_138 = arith.constant 48 : index
          %swap3A_139 = tpu.vector_load %arg9[%swap3A_137, %swap3A_138] {strides = array<i32>} : memref<128x128xf32, #tpu.memory_space<vmem>>, vector<16xf32>,
          tpu.vector_store %arg9[%swap3A_137, %swap3A_138], %mul3A_136 {strides = array<i32>} : memref<128x128xf32, #tpu.memory_space<vmem>>, vector<16xf32>,
          %get3A_140 = arith.index_cast %add3A_94 : i32 to index
          %get3A_141 = arith.constant 32 : index
          %get3A_142 = tpu.vector_load %arg11[%get3A_140, %get3A_141] {strides = array<i32>} : memref<128x64xi32, #tpu.memory_space<vmem>>, vector<16xi32>,
          %shift_left3A_143 = arith.constant 16 : i32
          %shift_left3A_144 = vector.broadcast %shift_left3A_143 : i32 to vector<16xi32>
          %shift_left3A_145 = arith.shli %get3A_142, %shift_left3A_144 : vector<16xi32>
          %bitcast3A_146 = vector.bitcast %shift_left3A_145 : vector<16xi32> to vector<16xf32>
          %and3A_147 = arith.constant -65536 : i32
          %and3A_148 = vector.broadcast %and3A_147 : i32 to vector<16xi32>
          %and3A_149 = arith.andi %get3A_142, %and3A_148 : vector<16xi32>
          %bitcast3A_150 = vector.bitcast %and3A_149 : vector<16xi32> to vector<16xf32>
          %get3A_151 = arith.index_cast %add3A_94 : i32 to index
          %get3A_152 = arith.constant 64 : index
          %get3A_153 = tpu.vector_load %arg9[%get3A_151, %get3A_152] {strides = array<i32>} : memref<128x128xf32, #tpu.memory_space<vmem>>, vector<16xf32>,
          %mul3A_154 = arith.mulf %get3A_153, %bitcast3A_146 : vector<16xf32>
          %swap3A_155 = arith.index_cast %add3A_94 : i32 to index
          %swap3A_156 = arith.constant 64 : index
          %swap3A_157 = tpu.vector_load %arg9[%swap3A_155, %swap3A_156] {strides = array<i32>} : memref<128x128xf32, #tpu.memory_space<vmem>>, vector<16xf32>,
          tpu.vector_store %arg9[%swap3A_155, %swap3A_156], %mul3A_154 {strides = array<i32>} : memref<128x128xf32, #tpu.memory_space<vmem>>, vector<16xf32>,
          %get3A_158 = arith.index_cast %add3A_94 : i32 to index
          %get3A_159 = arith.constant 80 : index
          %get3A_160 = tpu.vector_load %arg9[%get3A_158, %get3A_159] {strides = array<i32>} : memref<128x128xf32, #tpu.memory_space<vmem>>, vector<16xf32>,
          %mul3A_161 = arith.mulf %get3A_160, %bitcast3A_150 : vector<16xf32>
          %swap3A_162 = arith.index_cast %add3A_94 : i32 to index
          %swap3A_163 = arith.constant 80 : index
          %swap3A_164 = tpu.vector_load %arg9[%swap3A_162, %swap3A_163] {strides = array<i32>} : memref<128x128xf32, #tpu.memory_space<vmem>>, vector<16xf32>,
          tpu.vector_store %arg9[%swap3A_162, %swap3A_163], %mul3A_161 {strides = array<i32>} : memref<128x128xf32, #tpu.memory_space<vmem>>, vector<16xf32>,
          %get3A_165 = arith.index_cast %add3A_94 : i32 to index
          %get3A_166 = arith.constant 48 : index
          %get3A_167 = tpu.vector_load %arg11[%get3A_165, %get3A_166] {strides = array<i32>} : memref<128x64xi32, #tpu.memory_space<vmem>>, vector<16xi32>,
          %shift_left3A_168 = arith.constant 16 : i32
          %shift_left3A_169 = vector.broadcast %shift_left3A_168 : i32 to vector<16xi32>
          %shift_left3A_170 = arith.shli %get3A_167, %shift_left3A_169 : vector<16xi32>
          %bitcast3A_171 = vector.bitcast %shift_left3A_170 : vector<16xi32> to vector<16xf32>
          %and3A_172 = arith.constant -65536 : i32
          %and3A_173 = vector.broadcast %and3A_172 : i32 to vector<16xi32>
          %and3A_174 = arith.andi %get3A_167, %and3A_173 : vector<16xi32>
          %bitcast3A_175 = vector.bitcast %and3A_174 : vector<16xi32> to vector<16xf32>
          %get3A_176 = arith.index_cast %add3A_94 : i32 to index
          %get3A_177 = arith.constant 96 : index
          %get3A_178 = tpu.vector_load %arg9[%get3A_176, %get3A_177] {strides = array<i32>} : memref<128x128xf32, #tpu.memory_space<vmem>>, vector<16xf32>,
          %mul3A_179 = arith.mulf %get3A_178, %bitcast3A_171 : vector<16xf32>
          %swap3A_180 = arith.index_cast %add3A_94 : i32 to index
          %swap3A_181 = arith.constant 96 : index
          %swap3A_182 = tpu.vector_load %arg9[%swap3A_180, %swap3A_181] {strides = array<i32>} : memref<128x128xf32, #tpu.memory_space<vmem>>, vector<16xf32>,
          tpu.vector_store %arg9[%swap3A_180, %swap3A_181], %mul3A_179 {strides = array<i32>} : memref<128x128xf32, #tpu.memory_space<vmem>>, vector<16xf32>,
          %get3A_183 = arith.index_cast %add3A_94 : i32 to index
          %get3A_184 = arith.constant 112 : index
          %get3A_185 = tpu.vector_load %arg9[%get3A_183, %get3A_184] {strides = array<i32>} : memref<128x128xf32, #tpu.memory_space<vmem>>, vector<16xf32>,
          %mul3A_186 = arith.mulf %get3A_185, %bitcast3A_175 : vector<16xf32>
          %swap3A_187 = arith.index_cast %add3A_94 : i32 to index
          %swap3A_188 = arith.constant 112 : index
          %swap3A_189 = tpu.vector_load %arg9[%swap3A_187, %swap3A_188] {strides = array<i32>} : memref<128x128xf32, #tpu.memory_space<vmem>>, vector<16xf32>,
          tpu.vector_store %arg9[%swap3A_187, %swap3A_188], %mul3A_186 {strides = array<i32>} : memref<128x128xf32, #tpu.memory_space<vmem>>, vector<16xf32>,
        }
        %scan3A_83 = arith.constant 128 : i32
        %lt3A_84 = arith.constant 2500 : i32
        %lt3A_85 = arith.cmpi slt, %add3A_43, %lt3A_84 : i32
        %convert_element_type3A_86 = arith.extui %lt3A_85 : i1 to i32
        %cond3A_87 = arith.constant 0 : i32
        %cond3A_88 = arith.cmpi ne, %convert_element_type3A_86, %cond3A_87 : i32
        scf.if %cond3A_88 {
          %sub3A_90 = arith.constant 1250 : i32
          %sub3A_91 = arith.subi %add3A_43, %sub3A_90 : i32
          %mul3A_92 = arith.constant 128 : i32
          %mul3A_93 = arith.muli %sub3A_91, %mul3A_92 : i32
          %dma_start3A_94 = arith.constant 0 : i32
          %dma_start3A_95 = tpu.memref_slice %arg4[%mul3A_93, %dma_start3A_94] : memref<161792x64xi32, #tpu.memory_space<hbm>> -> memref<128x64xi32, #tpu.memory_space<hbm>>
          %dma_start3A_96 = arith.constant 0 : i32
          %dma_start3A_97 = tpu.memref_slice %arg4[%mul3A_93, %dma_start3A_96] : memref<161792x64xi32, #tpu.memory_space<hbm>> -> memref<128x64xi32, #tpu.memory_space<hbm>>
          tpu.enqueue_dma source(%dma_start3A_97 : memref<128x64xi32, #tpu.memory_space<hbm>>) target(%arg11 : memref<128x64xi32, #tpu.memory_space<vmem>>) target_semaphore(%arg15 : memref<!tpu.dma_semaphore, #tpu.memory_space<semaphore_mem>>)
        } else {
        }
        %run_scoped3A = arith.constant 1 : i32
        %run_scoped3A_89 = arith.constant 0 : i32
        "tpu.region"() ({
          %run_scoped3A_90 = tpu.sem_alloc : memref<!tpu.dma_semaphore, #tpu.memory_space<semaphore_mem>>
          %dma_start3A_91 = arith.constant 0 : i32
          %dma_start3A_92 = tpu.memref_slice %arg7[%run_scoped3A, %run_scoped3A_89, %dma_start3A_91] : memref<2x1x128xi32, #tpu.memory_space<vmem>> -> memref<1x1x128xi32, #tpu.memory_space<vmem>>
          %dma_start3A_93 = tpu.memref_squeeze %dma_start3A_92 : memref<1x1x128xi32, #tpu.memory_space<vmem>> -> memref<128xi32, #tpu.memory_space<vmem>>
          %dma_start3A_94 = arith.constant 0 : i32
          %dma_start3A_95 = arith.constant 0 : i32
          %dma_start3A_96 = tpu.memref_slice %arg12[%dma_start3A_94, %dma_start3A_95] : memref<10000x128xf32, #tpu.memory_space<vmem_shared>> -> memref<10000x128xf32, #tpu.memory_space<vmem_shared>>
          tpu.enqueue_indirect_dma source(%arg9 : memref<128x128xf32, #tpu.memory_space<vmem>>) target(%dma_start3A_96 : memref<10000x128xf32, #tpu.memory_space<vmem_shared>>) offsets(%dma_start3A_93 : memref<128xi32, #tpu.memory_space<vmem>>) semaphore(%run_scoped3A_90 : memref<!tpu.dma_semaphore, #tpu.memory_space<semaphore_mem>>) {add = true}
          %dma_wait3A_97 = arith.constant 0 : i32
          %dma_wait3A_98 = tpu.memref_slice %arg7[%run_scoped3A, %run_scoped3A_89, %dma_wait3A_97] : memref<2x1x128xi32, #tpu.memory_space<vmem>> -> memref<1x1x128xi32, #tpu.memory_space<vmem>>
          %dma_wait3A_99 = tpu.memref_squeeze %dma_wait3A_98 : memref<1x1x128xi32, #tpu.memory_space<vmem>> -> memref<128xi32, #tpu.memory_space<vmem>>
          %dma_wait3A_100 = arith.constant 0 : i32
          %dma_wait3A_101 = arith.constant 0 : i32
          %dma_wait3A_102 = tpu.memref_slice %arg12[%dma_wait3A_100, %dma_wait3A_101] : memref<10000x128xf32, #tpu.memory_space<vmem_shared>> -> memref<10000x128xf32, #tpu.memory_space<vmem_shared>>
          tpu.wait_indirect_dma semaphore(%run_scoped3A_90 : memref<!tpu.dma_semaphore, #tpu.memory_space<semaphore_mem>>) src(%arg9 : memref<128x128xf32, #tpu.memory_space<vmem>>) dst(%dma_wait3A_102 : memref<10000x128xf32, #tpu.memory_space<vmem_shared>>)
          tpu.yield
        }) : () -> ()
      } else {
      }
      %lt3A_55 = arith.constant 2500 : i32
      %lt3A_56 = arith.cmpi slt, %add3A_45, %lt3A_55 : i32
      %convert_element_type3A_57 = arith.extui %lt3A_56 : i1 to i32
      %cond3A_58 = arith.constant 0 : i32
      %cond3A_59 = arith.cmpi ne, %convert_element_type3A_57, %cond3A_58 : i32
      scf.if %cond3A_59 {
        "tpu.region"() ({
          %run_scoped3A = tpu.sem_alloc : memref<!tpu.dma_semaphore, #tpu.memory_space<semaphore_mem>>
          %dma_start3A_73 = arith.constant 0 : i32
          %dma_start3A_74 = arith.constant 0 : i32
          %dma_start3A_75 = tpu.memref_slice %arg2[%dma_start3A_73, %add3A_45, %dma_start3A_74] : memref<2x2500x128xi32, #tpu.memory_space<hbm>> -> memref<2x1x128xi32, #tpu.memory_space<hbm>>
          %dma_start3A_76 = arith.constant 0 : i32
          %dma_start3A_77 = arith.constant 0 : i32
          %dma_start3A_78 = tpu.memref_slice %arg2[%dma_start3A_76, %add3A_45, %dma_start3A_77] : memref<2x2500x128xi32, #tpu.memory_space<hbm>> -> memref<2x1x128xi32, #tpu.memory_space<hbm>>
          tpu.enqueue_dma source(%dma_start3A_78 : memref<2x1x128xi32, #tpu.memory_space<hbm>>) target(%arg7 : memref<2x1x128xi32, #tpu.memory_space<vmem>>) target_semaphore(%run_scoped3A : memref<!tpu.dma_semaphore, #tpu.memory_space<semaphore_mem>>)
          %dma_wait3A = arith.constant 0 : i32
          %dma_wait3A_79 = arith.constant 0 : i32
          %dma_wait3A_80 = tpu.memref_slice %arg2[%dma_wait3A, %add3A_45, %dma_wait3A_79] : memref<2x2500x128xi32, #tpu.memory_space<hbm>> -> memref<2x1x128xi32, #tpu.memory_space<hbm>>
          %dma_wait3A_81 = arith.constant 0 : i32
          %dma_wait3A_82 = arith.constant 0 : i32
          %dma_wait3A_83 = tpu.memref_slice %arg2[%dma_wait3A_81, %add3A_45, %dma_wait3A_82] : memref<2x2500x128xi32, #tpu.memory_space<hbm>> -> memref<2x1x128xi32, #tpu.memory_space<hbm>>
          tpu.wait_dma2 semaphore(%run_scoped3A : memref<!tpu.dma_semaphore, #tpu.memory_space<semaphore_mem>>) src(%dma_wait3A_83 : memref<2x1x128xi32, #tpu.memory_space<hbm>>) dst(%arg7 : memref<2x1x128xi32, #tpu.memory_space<vmem>>)
          tpu.yield
        }) : () -> ()
        %dma_start3A_65 = arith.constant 0 : i32
        %dma_start3A_66 = arith.constant 0 : i32
        %dma_start3A_67 = arith.constant 0 : i32
        %dma_start3A_68 = tpu.memref_slice %arg7[%dma_start3A_65, %dma_start3A_66, %dma_start3A_67] : memref<2x1x128xi32, #tpu.memory_space<vmem>> -> memref<1x1x128xi32, #tpu.memory_space<vmem>>
        %dma_start3A_69 = tpu.memref_squeeze %dma_start3A_68 : memref<1x1x128xi32, #tpu.memory_space<vmem>> -> memref<128xi32, #tpu.memory_space<vmem>>
        %dma_start3A_70 = arith.constant 0 : i32
        %dma_start3A_71 = arith.constant 0 : i32
        %dma_start3A_72 = tpu.memref_slice %arg3[%dma_start3A_70, %dma_start3A_71] : memref<10000x128xf32, #tpu.memory_space<hbm>> -> memref<10000x128xf32, #tpu.memory_space<hbm>>
        tpu.enqueue_indirect_dma source(%dma_start3A_72 : memref<10000x128xf32, #tpu.memory_space<hbm>>) target(%arg9 : memref<128x128xf32, #tpu.memory_space<vmem>>) offsets(%dma_start3A_69 : memref<128xi32, #tpu.memory_space<vmem>>) semaphore(%arg13 : memref<!tpu.dma_semaphore, #tpu.memory_space<semaphore_mem>>)
      } else {
      }
      %lt3A_60 = arith.constant 2500 : i32
      %lt3A_61 = arith.cmpi slt, %add3A_43, %lt3A_60 : i32
      %convert_element_type3A_62 = arith.extui %lt3A_61 : i1 to i32
      %cond3A_63 = arith.constant 0 : i32
      %cond3A_64 = arith.cmpi ne, %convert_element_type3A_62, %cond3A_63 : i32
      scf.if %cond3A_64 {
        %dma_wait3A = arith.constant 0 : i32
        %dma_wait3A_65 = arith.constant 0 : i32
        %dma_wait3A_66 = arith.constant 0 : i32
        %dma_wait3A_67 = tpu.memref_slice %arg8[%dma_wait3A, %dma_wait3A_65, %dma_wait3A_66] : memref<2x1x128xi32, #tpu.memory_space<vmem>> -> memref<1x1x128xi32, #tpu.memory_space<vmem>>
        %dma_wait3A_68 = tpu.memref_squeeze %dma_wait3A_67 : memref<1x1x128xi32, #tpu.memory_space<vmem>> -> memref<128xi32, #tpu.memory_space<vmem>>
        %dma_wait3A_69 = arith.constant 0 : i32
        %dma_wait3A_70 = arith.constant 0 : i32
        %dma_wait3A_71 = tpu.memref_slice %arg3[%dma_wait3A_69, %dma_wait3A_70] : memref<10000x128xf32, #tpu.memory_space<hbm>> -> memref<10000x128xf32, #tpu.memory_space<hbm>>
        tpu.wait_indirect_dma semaphore(%arg14 : memref<!tpu.dma_semaphore, #tpu.memory_space<semaphore_mem>>) src(%dma_wait3A_71 : memref<10000x128xf32, #tpu.memory_space<hbm>>) dst(%arg10 : memref<128x128xf32, #tpu.memory_space<vmem>>)
        %sub3A = arith.constant 1250 : i32
        %sub3A_72 = arith.subi %add3A_43, %sub3A : i32
        %mul3A_73 = arith.constant 128 : i32
        %mul3A_74 = arith.muli %sub3A_72, %mul3A_73 : i32
        %dma_wait3A_75 = arith.constant 0 : i32
        %dma_wait3A_76 = tpu.memref_slice %arg4[%mul3A_74, %dma_wait3A_75] : memref<161792x64xi32, #tpu.memory_space<hbm>> -> memref<128x64xi32, #tpu.memory_space<hbm>>
        %dma_wait3A_77 = arith.constant 0 : i32
        %dma_wait3A_78 = tpu.memref_slice %arg4[%mul3A_74, %dma_wait3A_77] : memref<161792x64xi32, #tpu.memory_space<hbm>> -> memref<128x64xi32, #tpu.memory_space<hbm>>
        tpu.wait_dma2 semaphore(%arg15 : memref<!tpu.dma_semaphore, #tpu.memory_space<semaphore_mem>>) src(%dma_wait3A_78 : memref<128x64xi32, #tpu.memory_space<hbm>>) dst(%arg11 : memref<128x64xi32, #tpu.memory_space<vmem>>)
        %scan3A_79 = arith.constant 0 : i32
        %scan3A_80 = arith.constant 128 : i32
        %scan3A_81 = arith.addi %scan3A_79, %scan3A_80 : i32
        %scan3A_82 = arith.constant 1 : i32
        scf.for %scan3A_90 = %scan3A_79 to %scan3A_81 step %scan3A_82  : i32 {
          %mul3A_91 = arith.constant 1 : i32
          %mul3A_92 = arith.muli %scan3A_90, %mul3A_91 : i32
          %add3A_93 = arith.constant 0 : i32
          %add3A_94 = arith.addi %add3A_93, %mul3A_92 : i32
          %get3A = arith.index_cast %add3A_94 : i32 to index
          %get3A_95 = arith.constant 0 : index
          %get3A_96 = tpu.vector_load %arg11[%get3A, %get3A_95] {strides = array<i32>} : memref<128x64xi32, #tpu.memory_space<vmem>>, vector<16xi32>,
          %shift_left3A = arith.constant 16 : i32
          %shift_left3A_97 = vector.broadcast %shift_left3A : i32 to vector<16xi32>
          %shift_left3A_98 = arith.shli %get3A_96, %shift_left3A_97 : vector<16xi32>
          %bitcast3A = vector.bitcast %shift_left3A_98 : vector<16xi32> to vector<16xf32>
          %and3A = arith.constant -65536 : i32
          %and3A_99 = vector.broadcast %and3A : i32 to vector<16xi32>
          %and3A_100 = arith.andi %get3A_96, %and3A_99 : vector<16xi32>
          %bitcast3A_101 = vector.bitcast %and3A_100 : vector<16xi32> to vector<16xf32>
          %get3A_102 = arith.index_cast %add3A_94 : i32 to index
          %get3A_103 = arith.constant 0 : index
          %get3A_104 = tpu.vector_load %arg10[%get3A_102, %get3A_103] {strides = array<i32>} : memref<128x128xf32, #tpu.memory_space<vmem>>, vector<16xf32>,
          %mul3A_105 = arith.mulf %get3A_104, %bitcast3A : vector<16xf32>
          %swap3A = arith.index_cast %add3A_94 : i32 to index
          %swap3A_106 = arith.constant 0 : index
          %swap3A_107 = tpu.vector_load %arg10[%swap3A, %swap3A_106] {strides = array<i32>} : memref<128x128xf32, #tpu.memory_space<vmem>>, vector<16xf32>,
          tpu.vector_store %arg10[%swap3A, %swap3A_106], %mul3A_105 {strides = array<i32>} : memref<128x128xf32, #tpu.memory_space<vmem>>, vector<16xf32>,
          %get3A_108 = arith.index_cast %add3A_94 : i32 to index
          %get3A_109 = arith.constant 16 : index
          %get3A_110 = tpu.vector_load %arg10[%get3A_108, %get3A_109] {strides = array<i32>} : memref<128x128xf32, #tpu.memory_space<vmem>>, vector<16xf32>,
          %mul3A_111 = arith.mulf %get3A_110, %bitcast3A_101 : vector<16xf32>
          %swap3A_112 = arith.index_cast %add3A_94 : i32 to index
          %swap3A_113 = arith.constant 16 : index
          %swap3A_114 = tpu.vector_load %arg10[%swap3A_112, %swap3A_113] {strides = array<i32>} : memref<128x128xf32, #tpu.memory_space<vmem>>, vector<16xf32>,
          tpu.vector_store %arg10[%swap3A_112, %swap3A_113], %mul3A_111 {strides = array<i32>} : memref<128x128xf32, #tpu.memory_space<vmem>>, vector<16xf32>,
          %get3A_115 = arith.index_cast %add3A_94 : i32 to index
          %get3A_116 = arith.constant 16 : index
          %get3A_117 = tpu.vector_load %arg11[%get3A_115, %get3A_116] {strides = array<i32>} : memref<128x64xi32, #tpu.memory_space<vmem>>, vector<16xi32>,
          %shift_left3A_118 = arith.constant 16 : i32
          %shift_left3A_119 = vector.broadcast %shift_left3A_118 : i32 to vector<16xi32>
          %shift_left3A_120 = arith.shli %get3A_117, %shift_left3A_119 : vector<16xi32>
          %bitcast3A_121 = vector.bitcast %shift_left3A_120 : vector<16xi32> to vector<16xf32>
          %and3A_122 = arith.constant -65536 : i32
          %and3A_123 = vector.broadcast %and3A_122 : i32 to vector<16xi32>
          %and3A_124 = arith.andi %get3A_117, %and3A_123 : vector<16xi32>
          %bitcast3A_125 = vector.bitcast %and3A_124 : vector<16xi32> to vector<16xf32>
          %get3A_126 = arith.index_cast %add3A_94 : i32 to index
          %get3A_127 = arith.constant 32 : index
          %get3A_128 = tpu.vector_load %arg10[%get3A_126, %get3A_127] {strides = array<i32>} : memref<128x128xf32, #tpu.memory_space<vmem>>, vector<16xf32>,
          %mul3A_129 = arith.mulf %get3A_128, %bitcast3A_121 : vector<16xf32>
          %swap3A_130 = arith.index_cast %add3A_94 : i32 to index
          %swap3A_131 = arith.constant 32 : index
          %swap3A_132 = tpu.vector_load %arg10[%swap3A_130, %swap3A_131] {strides = array<i32>} : memref<128x128xf32, #tpu.memory_space<vmem>>, vector<16xf32>,
          tpu.vector_store %arg10[%swap3A_130, %swap3A_131], %mul3A_129 {strides = array<i32>} : memref<128x128xf32, #tpu.memory_space<vmem>>, vector<16xf32>,
          %get3A_133 = arith.index_cast %add3A_94 : i32 to index
          %get3A_134 = arith.constant 48 : index
          %get3A_135 = tpu.vector_load %arg10[%get3A_133, %get3A_134] {strides = array<i32>} : memref<128x128xf32, #tpu.memory_space<vmem>>, vector<16xf32>,
          %mul3A_136 = arith.mulf %get3A_135, %bitcast3A_125 : vector<16xf32>
          %swap3A_137 = arith.index_cast %add3A_94 : i32 to index
          %swap3A_138 = arith.constant 48 : index
          %swap3A_139 = tpu.vector_load %arg10[%swap3A_137, %swap3A_138] {strides = array<i32>} : memref<128x128xf32, #tpu.memory_space<vmem>>, vector<16xf32>,
          tpu.vector_store %arg10[%swap3A_137, %swap3A_138], %mul3A_136 {strides = array<i32>} : memref<128x128xf32, #tpu.memory_space<vmem>>, vector<16xf32>,
          %get3A_140 = arith.index_cast %add3A_94 : i32 to index
          %get3A_141 = arith.constant 32 : index
          %get3A_142 = tpu.vector_load %arg11[%get3A_140, %get3A_141] {strides = array<i32>} : memref<128x64xi32, #tpu.memory_space<vmem>>, vector<16xi32>,
          %shift_left3A_143 = arith.constant 16 : i32
          %shift_left3A_144 = vector.broadcast %shift_left3A_143 : i32 to vector<16xi32>
          %shift_left3A_145 = arith.shli %get3A_142, %shift_left3A_144 : vector<16xi32>
          %bitcast3A_146 = vector.bitcast %shift_left3A_145 : vector<16xi32> to vector<16xf32>
          %and3A_147 = arith.constant -65536 : i32
          %and3A_148 = vector.broadcast %and3A_147 : i32 to vector<16xi32>
          %and3A_149 = arith.andi %get3A_142, %and3A_148 : vector<16xi32>
          %bitcast3A_150 = vector.bitcast %and3A_149 : vector<16xi32> to vector<16xf32>
          %get3A_151 = arith.index_cast %add3A_94 : i32 to index
          %get3A_152 = arith.constant 64 : index
          %get3A_153 = tpu.vector_load %arg10[%get3A_151, %get3A_152] {strides = array<i32>} : memref<128x128xf32, #tpu.memory_space<vmem>>, vector<16xf32>,
          %mul3A_154 = arith.mulf %get3A_153, %bitcast3A_146 : vector<16xf32>
          %swap3A_155 = arith.index_cast %add3A_94 : i32 to index
          %swap3A_156 = arith.constant 64 : index
          %swap3A_157 = tpu.vector_load %arg10[%swap3A_155, %swap3A_156] {strides = array<i32>} : memref<128x128xf32, #tpu.memory_space<vmem>>, vector<16xf32>,
          tpu.vector_store %arg10[%swap3A_155, %swap3A_156], %mul3A_154 {strides = array<i32>} : memref<128x128xf32, #tpu.memory_space<vmem>>, vector<16xf32>,
          %get3A_158 = arith.index_cast %add3A_94 : i32 to index
          %get3A_159 = arith.constant 80 : index
          %get3A_160 = tpu.vector_load %arg10[%get3A_158, %get3A_159] {strides = array<i32>} : memref<128x128xf32, #tpu.memory_space<vmem>>, vector<16xf32>,
          %mul3A_161 = arith.mulf %get3A_160, %bitcast3A_150 : vector<16xf32>
          %swap3A_162 = arith.index_cast %add3A_94 : i32 to index
          %swap3A_163 = arith.constant 80 : index
          %swap3A_164 = tpu.vector_load %arg10[%swap3A_162, %swap3A_163] {strides = array<i32>} : memref<128x128xf32, #tpu.memory_space<vmem>>, vector<16xf32>,
          tpu.vector_store %arg10[%swap3A_162, %swap3A_163], %mul3A_161 {strides = array<i32>} : memref<128x128xf32, #tpu.memory_space<vmem>>, vector<16xf32>,
          %get3A_165 = arith.index_cast %add3A_94 : i32 to index
          %get3A_166 = arith.constant 48 : index
          %get3A_167 = tpu.vector_load %arg11[%get3A_165, %get3A_166] {strides = array<i32>} : memref<128x64xi32, #tpu.memory_space<vmem>>, vector<16xi32>,
          %shift_left3A_168 = arith.constant 16 : i32
          %shift_left3A_169 = vector.broadcast %shift_left3A_168 : i32 to vector<16xi32>
          %shift_left3A_170 = arith.shli %get3A_167, %shift_left3A_169 : vector<16xi32>
          %bitcast3A_171 = vector.bitcast %shift_left3A_170 : vector<16xi32> to vector<16xf32>
          %and3A_172 = arith.constant -65536 : i32
          %and3A_173 = vector.broadcast %and3A_172 : i32 to vector<16xi32>
          %and3A_174 = arith.andi %get3A_167, %and3A_173 : vector<16xi32>
          %bitcast3A_175 = vector.bitcast %and3A_174 : vector<16xi32> to vector<16xf32>
          %get3A_176 = arith.index_cast %add3A_94 : i32 to index
          %get3A_177 = arith.constant 96 : index
          %get3A_178 = tpu.vector_load %arg10[%get3A_176, %get3A_177] {strides = array<i32>} : memref<128x128xf32, #tpu.memory_space<vmem>>, vector<16xf32>,
          %mul3A_179 = arith.mulf %get3A_178, %bitcast3A_171 : vector<16xf32>
          %swap3A_180 = arith.index_cast %add3A_94 : i32 to index
          %swap3A_181 = arith.constant 96 : index
          %swap3A_182 = tpu.vector_load %arg10[%swap3A_180, %swap3A_181] {strides = array<i32>} : memref<128x128xf32, #tpu.memory_space<vmem>>, vector<16xf32>,
          tpu.vector_store %arg10[%swap3A_180, %swap3A_181], %mul3A_179 {strides = array<i32>} : memref<128x128xf32, #tpu.memory_space<vmem>>, vector<16xf32>,
          %get3A_183 = arith.index_cast %add3A_94 : i32 to index
          %get3A_184 = arith.constant 112 : index
          %get3A_185 = tpu.vector_load %arg10[%get3A_183, %get3A_184] {strides = array<i32>} : memref<128x128xf32, #tpu.memory_space<vmem>>, vector<16xf32>,
          %mul3A_186 = arith.mulf %get3A_185, %bitcast3A_175 : vector<16xf32>
          %swap3A_187 = arith.index_cast %add3A_94 : i32 to index
          %swap3A_188 = arith.constant 112 : index
          %swap3A_189 = tpu.vector_load %arg10[%swap3A_187, %swap3A_188] {strides = array<i32>} : memref<128x128xf32, #tpu.memory_space<vmem>>, vector<16xf32>,
          tpu.vector_store %arg10[%swap3A_187, %swap3A_188], %mul3A_186 {strides = array<i32>} : memref<128x128xf32, #tpu.memory_space<vmem>>, vector<16xf32>,
        }
        %scan3A_83 = arith.constant 128 : i32
        %lt3A_84 = arith.constant 2500 : i32
        %lt3A_85 = arith.cmpi slt, %add3A_45, %lt3A_84 : i32
        %convert_element_type3A_86 = arith.extui %lt3A_85 : i1 to i32
        %cond3A_87 = arith.constant 0 : i32
        %cond3A_88 = arith.cmpi ne, %convert_element_type3A_86, %cond3A_87 : i32
        scf.if %cond3A_88 {
          %sub3A_90 = arith.constant 1250 : i32
          %sub3A_91 = arith.subi %add3A_45, %sub3A_90 : i32
          %mul3A_92 = arith.constant 128 : i32
          %mul3A_93 = arith.muli %sub3A_91, %mul3A_92 : i32
          %dma_start3A_94 = arith.constant 0 : i32
          %dma_start3A_95 = tpu.memref_slice %arg4[%mul3A_93, %dma_start3A_94] : memref<161792x64xi32, #tpu.memory_space<hbm>> -> memref<128x64xi32, #tpu.memory_space<hbm>>
          %dma_start3A_96 = arith.constant 0 : i32
          %dma_start3A_97 = tpu.memref_slice %arg4[%mul3A_93, %dma_start3A_96] : memref<161792x64xi32, #tpu.memory_space<hbm>> -> memref<128x64xi32, #tpu.memory_space<hbm>>
          tpu.enqueue_dma source(%dma_start3A_97 : memref<128x64xi32, #tpu.memory_space<hbm>>) target(%arg11 : memref<128x64xi32, #tpu.memory_space<vmem>>) target_semaphore(%arg15 : memref<!tpu.dma_semaphore, #tpu.memory_space<semaphore_mem>>)
        } else {
        }
        %run_scoped3A = arith.constant 1 : i32
        %run_scoped3A_89 = arith.constant 0 : i32
        "tpu.region"() ({
          %run_scoped3A_90 = tpu.sem_alloc : memref<!tpu.dma_semaphore, #tpu.memory_space<semaphore_mem>>
          %dma_start3A_91 = arith.constant 0 : i32
          %dma_start3A_92 = tpu.memref_slice %arg8[%run_scoped3A, %run_scoped3A_89, %dma_start3A_91] : memref<2x1x128xi32, #tpu.memory_space<vmem>> -> memref<1x1x128xi32, #tpu.memory_space<vmem>>
          %dma_start3A_93 = tpu.memref_squeeze %dma_start3A_92 : memref<1x1x128xi32, #tpu.memory_space<vmem>> -> memref<128xi32, #tpu.memory_space<vmem>>
          %dma_start3A_94 = arith.constant 0 : i32
          %dma_start3A_95 = arith.constant 0 : i32
          %dma_start3A_96 = tpu.memref_slice %arg12[%dma_start3A_94, %dma_start3A_95] : memref<10000x128xf32, #tpu.memory_space<vmem_shared>> -> memref<10000x128xf32, #tpu.memory_space<vmem_shared>>
          tpu.enqueue_indirect_dma source(%arg10 : memref<128x128xf32, #tpu.memory_space<vmem>>) target(%dma_start3A_96 : memref<10000x128xf32, #tpu.memory_space<vmem_shared>>) offsets(%dma_start3A_93 : memref<128xi32, #tpu.memory_space<vmem>>) semaphore(%run_scoped3A_90 : memref<!tpu.dma_semaphore, #tpu.memory_space<semaphore_mem>>) {add = true}
          %dma_wait3A_97 = arith.constant 0 : i32
          %dma_wait3A_98 = tpu.memref_slice %arg8[%run_scoped3A, %run_scoped3A_89, %dma_wait3A_97] : memref<2x1x128xi32, #tpu.memory_space<vmem>> -> memref<1x1x128xi32, #tpu.memory_space<vmem>>
          %dma_wait3A_99 = tpu.memref_squeeze %dma_wait3A_98 : memref<1x1x128xi32, #tpu.memory_space<vmem>> -> memref<128xi32, #tpu.memory_space<vmem>>
          %dma_wait3A_100 = arith.constant 0 : i32
          %dma_wait3A_101 = arith.constant 0 : i32
          %dma_wait3A_102 = tpu.memref_slice %arg12[%dma_wait3A_100, %dma_wait3A_101] : memref<10000x128xf32, #tpu.memory_space<vmem_shared>> -> memref<10000x128xf32, #tpu.memory_space<vmem_shared>>
          tpu.wait_indirect_dma semaphore(%run_scoped3A_90 : memref<!tpu.dma_semaphore, #tpu.memory_space<semaphore_mem>>) src(%arg10 : memref<128x128xf32, #tpu.memory_space<vmem>>) dst(%dma_wait3A_102 : memref<10000x128xf32, #tpu.memory_space<vmem_shared>>)
          tpu.yield
        }) : () -> ()
      } else {
      }
    }
    %scan3A_23 = arith.constant 20 : i32
    %barrier3A_24 = arith.constant 0 : index
    tpu.barrier barrier_id(%barrier3A_24)
    "tpu.region"() ({
      %run_scoped3A = tpu.sem_alloc : memref<!tpu.dma_semaphore, #tpu.memory_space<semaphore_mem>>
      %dma_start3A_30 = arith.constant 0 : i32
      %dma_start3A_31 = arith.constant 0 : i32
      %dma_start3A_32 = tpu.memref_slice %arg6[%arg0, %dma_start3A_30, %dma_start3A_31] : memref<2x10000x128xf32, #tpu.memory_space<hbm>> -> memref<1x10000x128xf32, #tpu.memory_space<hbm>>
      %dma_start3A_33 = tpu.memref_squeeze %dma_start3A_32 : memref<1x10000x128xf32, #tpu.memory_space<hbm>> -> memref<10000x128xf32, #tpu.memory_space<hbm>>
      %dma_start3A_34 = arith.constant 0 : i32
      %dma_start3A_35 = tpu.memref_slice %dma_start3A_33[%mul3A_2, %dma_start3A_34] : memref<10000x128xf32, #tpu.memory_space<hbm>> -> memref<624x128xf32, #tpu.memory_space<hbm>>
      %dma_start3A_36 = arith.constant 0 : i32
      %dma_start3A_37 = tpu.memref_slice %arg12[%mul3A_2, %dma_start3A_36] : memref<10000x128xf32, #tpu.memory_space<vmem_shared>> -> memref<624x128xf32, #tpu.memory_space<vmem_shared>>
      tpu.enqueue_dma source(%dma_start3A_37 : memref<624x128xf32, #tpu.memory_space<vmem_shared>>) target(%dma_start3A_35 : memref<624x128xf32, #tpu.memory_space<hbm>>) target_semaphore(%run_scoped3A : memref<!tpu.dma_semaphore, #tpu.memory_space<semaphore_mem>>)
      %dma_wait3A = arith.constant 0 : i32
      %dma_wait3A_38 = arith.constant 0 : i32
      %dma_wait3A_39 = tpu.memref_slice %arg6[%arg0, %dma_wait3A, %dma_wait3A_38] : memref<2x10000x128xf32, #tpu.memory_space<hbm>> -> memref<1x10000x128xf32, #tpu.memory_space<hbm>>
      %dma_wait3A_40 = tpu.memref_squeeze %dma_wait3A_39 : memref<1x10000x128xf32, #tpu.memory_space<hbm>> -> memref<10000x128xf32, #tpu.memory_space<hbm>>
      %dma_wait3A_41 = arith.constant 0 : i32
      %dma_wait3A_42 = tpu.memref_slice %dma_wait3A_40[%mul3A_2, %dma_wait3A_41] : memref<10000x128xf32, #tpu.memory_space<hbm>> -> memref<624x128xf32, #tpu.memory_space<hbm>>
      %dma_wait3A_43 = arith.constant 0 : i32
      %dma_wait3A_44 = tpu.memref_slice %arg12[%mul3A_2, %dma_wait3A_43] : memref<10000x128xf32, #tpu.memory_space<vmem_shared>> -> memref<624x128xf32, #tpu.memory_space<vmem_shared>>
      tpu.wait_dma2 semaphore(%run_scoped3A : memref<!tpu.dma_semaphore, #tpu.memory_space<semaphore_mem>>) src(%dma_wait3A_44 : memref<624x128xf32, #tpu.memory_space<vmem_shared>>) dst(%dma_wait3A_42 : memref<624x128xf32, #tpu.memory_space<hbm>>)
      tpu.yield
    }) : () -> ()
    %eq3A_25 = arith.constant 15 : i32
    %eq3A_26 = arith.cmpi eq, %arg1, %eq3A_25 : i32
    %convert_element_type3A_27 = arith.extui %eq3A_26 : i1 to i32
    %cond3A_28 = arith.constant 0 : i32
    %cond3A_29 = arith.cmpi ne, %convert_element_type3A_27, %cond3A_28 : i32
    scf.if %cond3A_29 {
      "tpu.region"() ({
        %run_scoped3A = tpu.sem_alloc : memref<!tpu.dma_semaphore, #tpu.memory_space<semaphore_mem>>
        %dma_start3A_30 = arith.constant 0 : i32
        %dma_start3A_31 = arith.constant 0 : i32
        %dma_start3A_32 = tpu.memref_slice %arg6[%arg0, %dma_start3A_30, %dma_start3A_31] : memref<2x10000x128xf32, #tpu.memory_space<hbm>> -> memref<1x10000x128xf32, #tpu.memory_space<hbm>>
        %dma_start3A_33 = tpu.memref_squeeze %dma_start3A_32 : memref<1x10000x128xf32, #tpu.memory_space<hbm>> -> memref<10000x128xf32, #tpu.memory_space<hbm>>
        %dma_start3A_34 = arith.constant 9984 : i32
        %dma_start3A_35 = arith.constant 0 : i32
        %dma_start3A_36 = tpu.memref_slice %dma_start3A_33[%dma_start3A_34, %dma_start3A_35] : memref<10000x128xf32, #tpu.memory_space<hbm>> -> memref<16x128xf32, #tpu.memory_space<hbm>>
        %dma_start3A_37 = arith.constant 9984 : i32
        %dma_start3A_38 = arith.constant 0 : i32
        %dma_start3A_39 = tpu.memref_slice %arg12[%dma_start3A_37, %dma_start3A_38] : memref<10000x128xf32, #tpu.memory_space<vmem_shared>> -> memref<16x128xf32, #tpu.memory_space<vmem_shared>>
        tpu.enqueue_dma source(%dma_start3A_39 : memref<16x128xf32, #tpu.memory_space<vmem_shared>>) target(%dma_start3A_36 : memref<16x128xf32, #tpu.memory_space<hbm>>) target_semaphore(%run_scoped3A : memref<!tpu.dma_semaphore, #tpu.memory_space<semaphore_mem>>)
        %dma_wait3A = arith.constant 0 : i32
        %dma_wait3A_40 = arith.constant 0 : i32
        %dma_wait3A_41 = tpu.memref_slice %arg6[%arg0, %dma_wait3A, %dma_wait3A_40] : memref<2x10000x128xf32, #tpu.memory_space<hbm>> -> memref<1x10000x128xf32, #tpu.memory_space<hbm>>
        %dma_wait3A_42 = tpu.memref_squeeze %dma_wait3A_41 : memref<1x10000x128xf32, #tpu.memory_space<hbm>> -> memref<10000x128xf32, #tpu.memory_space<hbm>>
        %dma_wait3A_43 = arith.constant 9984 : i32
        %dma_wait3A_44 = arith.constant 0 : i32
        %dma_wait3A_45 = tpu.memref_slice %dma_wait3A_42[%dma_wait3A_43, %dma_wait3A_44] : memref<10000x128xf32, #tpu.memory_space<hbm>> -> memref<16x128xf32, #tpu.memory_space<hbm>>
        %dma_wait3A_46 = arith.constant 9984 : i32
        %dma_wait3A_47 = arith.constant 0 : i32
        %dma_wait3A_48 = tpu.memref_slice %arg12[%dma_wait3A_46, %dma_wait3A_47] : memref<10000x128xf32, #tpu.memory_space<vmem_shared>> -> memref<16x128xf32, #tpu.memory_space<vmem_shared>>
        tpu.wait_dma2 semaphore(%run_scoped3A : memref<!tpu.dma_semaphore, #tpu.memory_space<semaphore_mem>>) src(%dma_wait3A_48 : memref<16x128xf32, #tpu.memory_space<vmem_shared>>) dst(%dma_wait3A_45 : memref<16x128xf32, #tpu.memory_space<hbm>>)
        tpu.yield
      }) : () -> ()
    } else {
    }
    return
  }
}

#map = affine_map<(d0, d1) -> (0, 0, 0)>
#map1 = affine_map<(d0, d1) -> (0, 0)>
module attributes {stable_mosaic.version = 14 : i64} {
  func.func @sc_kernel(%arg0: i32, %arg1: i32, %arg2: memref<2x2500x128xi32, #tpu.memory_space<hbm>>, %arg3: memref<10000x128xf32, #tpu.memory_space<hbm>>, %arg4: memref<161792x64xi32, #tpu.memory_space<hbm>>, %arg5: memref<10000x128xf32, #tpu.memory_space<hbm>>, %arg6: memref<2x10000x128xf32, #tpu.memory_space<hbm>>, %arg7: memref<2x1x128xi32, #tpu.memory_space<vmem>>, %arg8: memref<2x1x128xi32, #tpu.memory_space<vmem>>, %arg9: memref<128x128xf32, #tpu.memory_space<vmem>>, %arg10: memref<128x128xf32, #tpu.memory_space<vmem>>, %arg11: memref<128x64xi32, #tpu.memory_space<vmem>>, %arg12: memref<10000x128xf32, #tpu.memory_space<vmem_shared>>, %arg13: memref<!tpu.dma_semaphore, #tpu.memory_space<semaphore_mem>>, %arg14: memref<!tpu.dma_semaphore, #tpu.memory_space<semaphore_mem>>, %arg15: memref<!tpu.dma_semaphore, #tpu.memory_space<semaphore_mem>>) attributes {dimension_semantics = [#tpu.dimension_semantics<core_parallel>, #tpu.dimension_semantics<subcore_parallel>], iteration_bounds = array<i64: 2, 16>, scalar_prefetch = 0 : i64, scratch_operands = 9 : i64, tpu.core_type = #tpu.core_type<sc_vector_subcore>, window_params = [{transform_indices = #map}, {transform_indices = #map1}, {transform_indices = #map1}, {transform_indices = #map1}, {transform_indices = #map}]} {
    %mul3A = arith.constant 2 : i32
    %mul3A_0 = arith.muli %arg1, %mul3A : i32
    %add3A = arith.addi %mul3A_0, %arg0 : i32
    %mul3A_1 = arith.constant 624 : i32
    %mul3A_2 = arith.muli %arg1, %mul3A_1 : i32
    "tpu.region"() ({
      %run_scoped3A = tpu.sem_alloc : memref<!tpu.dma_semaphore, #tpu.memory_space<semaphore_mem>>
      %dma_start3A_30 = arith.constant 0 : i32
      %dma_start3A_31 = tpu.memref_slice %arg12[%mul3A_2, %dma_start3A_30] : memref<10000x128xf32, #tpu.memory_space<vmem_shared>> -> memref<624x128xf32, #tpu.memory_space<vmem_shared>>
      %dma_start3A_32 = arith.constant 0 : i32
      %dma_start3A_33 = tpu.memref_slice %arg5[%mul3A_2, %dma_start3A_32] : memref<10000x128xf32, #tpu.memory_space<hbm>> -> memref<624x128xf32, #tpu.memory_space<hbm>>
      tpu.enqueue_dma source(%dma_start3A_33 : memref<624x128xf32, #tpu.memory_space<hbm>>) target(%dma_start3A_31 : memref<624x128xf32, #tpu.memory_space<vmem_shared>>) target_semaphore(%run_scoped3A : memref<!tpu.dma_semaphore, #tpu.memory_space<semaphore_mem>>)
      %dma_wait3A = arith.constant 0 : i32
      %dma_wait3A_34 = tpu.memref_slice %arg12[%mul3A_2, %dma_wait3A] : memref<10000x128xf32, #tpu.memory_space<vmem_shared>> -> memref<624x128xf32, #tpu.memory_space<vmem_shared>>
      %dma_wait3A_35 = arith.constant 0 : i32
      %dma_wait3A_36 = tpu.memref_slice %arg5[%mul3A_2, %dma_wait3A_35] : memref<10000x128xf32, #tpu.memory_space<hbm>> -> memref<624x128xf32, #tpu.memory_space<hbm>>
      tpu.wait_dma2 semaphore(%run_scoped3A : memref<!tpu.dma_semaphore, #tpu.memory_space<semaphore_mem>>) src(%dma_wait3A_36 : memref<624x128xf32, #tpu.memory_space<hbm>>) dst(%dma_wait3A_34 : memref<624x128xf32, #tpu.memory_space<vmem_shared>>)
      tpu.yield
    }) : () -> ()
    %eq3A = arith.constant 15 : i32
    %eq3A_3 = arith.cmpi eq, %arg1, %eq3A : i32
    %convert_element_type3A = arith.extui %eq3A_3 : i1 to i32
    %cond3A = arith.constant 0 : i32
    %cond3A_4 = arith.cmpi ne, %convert_element_type3A, %cond3A : i32
    scf.if %cond3A_4 {
      "tpu.region"() ({
        %run_scoped3A = tpu.sem_alloc : memref<!tpu.dma_semaphore, #tpu.memory_space<semaphore_mem>>
        %dma_start3A_30 = arith.constant 9984 : i32
        %dma_start3A_31 = arith.constant 0 : i32
        %dma_start3A_32 = tpu.memref_slice %arg12[%dma_start3A_30, %dma_start3A_31] : memref<10000x128xf32, #tpu.memory_space<vmem_shared>> -> memref<16x128xf32, #tpu.memory_space<vmem_shared>>
        %dma_start3A_33 = arith.constant 9984 : i32
        %dma_start3A_34 = arith.constant 0 : i32
        %dma_start3A_35 = tpu.memref_slice %arg5[%dma_start3A_33, %dma_start3A_34] : memref<10000x128xf32, #tpu.memory_space<hbm>> -> memref<16x128xf32, #tpu.memory_space<hbm>>
        tpu.enqueue_dma source(%dma_start3A_35 : memref<16x128xf32, #tpu.memory_space<hbm>>) target(%dma_start3A_32 : memref<16x128xf32, #tpu.memory_space<vmem_shared>>) target_semaphore(%run_scoped3A : memref<!tpu.dma_semaphore, #tpu.memory_space<semaphore_mem>>)
        %dma_wait3A = arith.constant 9984 : i32
        %dma_wait3A_36 = arith.constant 0 : i32
        %dma_wait3A_37 = tpu.memref_slice %arg12[%dma_wait3A, %dma_wait3A_36] : memref<10000x128xf32, #tpu.memory_space<vmem_shared>> -> memref<16x128xf32, #tpu.memory_space<vmem_shared>>
        %dma_wait3A_38 = arith.constant 9984 : i32
        %dma_wait3A_39 = arith.constant 0 : i32
        %dma_wait3A_40 = tpu.memref_slice %arg5[%dma_wait3A_38, %dma_wait3A_39] : memref<10000x128xf32, #tpu.memory_space<hbm>> -> memref<16x128xf32, #tpu.memory_space<hbm>>
        tpu.wait_dma2 semaphore(%run_scoped3A : memref<!tpu.dma_semaphore, #tpu.memory_space<semaphore_mem>>) src(%dma_wait3A_40 : memref<16x128xf32, #tpu.memory_space<hbm>>) dst(%dma_wait3A_37 : memref<16x128xf32, #tpu.memory_space<vmem_shared>>)
        tpu.yield
      }) : () -> ()
    } else {
    }
    %barrier3A = arith.constant 0 : index
    tpu.barrier barrier_id(%barrier3A)
    %add3A_5 = arith.constant 0 : i32
    %add3A_6 = arith.addi %add3A_5, %add3A : i32
    "tpu.region"() ({
      %run_scoped3A = tpu.sem_alloc : memref<!tpu.dma_semaphore, #tpu.memory_space<semaphore_mem>>
      %dma_start3A_30 = arith.constant 0 : i32
      %dma_start3A_31 = arith.constant 0 : i32
      %dma_start3A_32 = tpu.memref_slice %arg2[%dma_start3A_30, %add3A_6, %dma_start3A_31] : memref<2x2500x128xi32, #tpu.memory_space<hbm>> -> memref<2x1x128xi32, #tpu.memory_space<hbm>>
      %dma_start3A_33 = arith.constant 0 : i32
      %dma_start3A_34 = arith.constant 0 : i32
      %dma_start3A_35 = tpu.memref_slice %arg2[%dma_start3A_33, %add3A_6, %dma_start3A_34] : memref<2x2500x128xi32, #tpu.memory_space<hbm>> -> memref<2x1x128xi32, #tpu.memory_space<hbm>>
      tpu.enqueue_dma source(%dma_start3A_35 : memref<2x1x128xi32, #tpu.memory_space<hbm>>) target(%arg7 : memref<2x1x128xi32, #tpu.memory_space<vmem>>) target_semaphore(%run_scoped3A : memref<!tpu.dma_semaphore, #tpu.memory_space<semaphore_mem>>)
      %dma_wait3A = arith.constant 0 : i32
      %dma_wait3A_36 = arith.constant 0 : i32
      %dma_wait3A_37 = tpu.memref_slice %arg2[%dma_wait3A, %add3A_6, %dma_wait3A_36] : memref<2x2500x128xi32, #tpu.memory_space<hbm>> -> memref<2x1x128xi32, #tpu.memory_space<hbm>>
      %dma_wait3A_38 = arith.constant 0 : i32
      %dma_wait3A_39 = arith.constant 0 : i32
      %dma_wait3A_40 = tpu.memref_slice %arg2[%dma_wait3A_38, %add3A_6, %dma_wait3A_39] : memref<2x2500x128xi32, #tpu.memory_space<hbm>> -> memref<2x1x128xi32, #tpu.memory_space<hbm>>
      tpu.wait_dma2 semaphore(%run_scoped3A : memref<!tpu.dma_semaphore, #tpu.memory_space<semaphore_mem>>) src(%dma_wait3A_40 : memref<2x1x128xi32, #tpu.memory_space<hbm>>) dst(%arg7 : memref<2x1x128xi32, #tpu.memory_space<vmem>>)
      tpu.yield
    }) : () -> ()
    %dma_start3A = arith.constant 0 : i32
    %dma_start3A_7 = arith.constant 0 : i32
    %dma_start3A_8 = arith.constant 0 : i32
    %dma_start3A_9 = tpu.memref_slice %arg7[%dma_start3A, %dma_start3A_7, %dma_start3A_8] : memref<2x1x128xi32, #tpu.memory_space<vmem>> -> memref<1x1x128xi32, #tpu.memory_space<vmem>>
    %dma_start3A_10 = tpu.memref_squeeze %dma_start3A_9 : memref<1x1x128xi32, #tpu.memory_space<vmem>> -> memref<128xi32, #tpu.memory_space<vmem>>
    %dma_start3A_11 = arith.constant 0 : i32
    %dma_start3A_12 = arith.constant 0 : i32
    %dma_start3A_13 = tpu.memref_slice %arg3[%dma_start3A_11, %dma_start3A_12] : memref<10000x128xf32, #tpu.memory_space<hbm>> -> memref<10000x128xf32, #tpu.memory_space<hbm>>
    tpu.enqueue_indirect_dma source(%dma_start3A_13 : memref<10000x128xf32, #tpu.memory_space<hbm>>) target(%arg9 : memref<128x128xf32, #tpu.memory_space<vmem>>) offsets(%dma_start3A_10 : memref<128xi32, #tpu.memory_space<vmem>>) semaphore(%arg13 : memref<!tpu.dma_semaphore, #tpu.memory_space<semaphore_mem>>)
    %mul3A_14 = arith.constant 128 : i32
    %mul3A_15 = arith.muli %add3A, %mul3A_14 : i32
    %dma_start3A_16 = arith.constant 0 : i32
    %dma_start3A_17 = tpu.memref_slice %arg4[%mul3A_15, %dma_start3A_16] : memref<161792x64xi32, #tpu.memory_space<hbm>> -> memref<128x64xi32, #tpu.memory_space<hbm>>
    %dma_start3A_18 = arith.constant 0 : i32
    %dma_start3A_19 = tpu.memref_slice %arg4[%mul3A_15, %dma_start3A_18] : memref<161792x64xi32, #tpu.memory_space<hbm>> -> memref<128x64xi32, #tpu.memory_space<hbm>>
    tpu.enqueue_dma source(%dma_start3A_19 : memref<128x64xi32, #tpu.memory_space<hbm>>) target(%arg11 : memref<128x64xi32, #tpu.memory_space<vmem>>) target_semaphore(%arg15 : memref<!tpu.dma_semaphore, #tpu.memory_space<semaphore_mem>>)
    %scan3A = arith.constant 0 : i32
    %scan3A_20 = arith.constant 20 : i32
    %scan3A_21 = arith.addi %scan3A, %scan3A_20 : i32
    %scan3A_22 = arith.constant 1 : i32
    scf.for %scan3A_30 = %scan3A to %scan3A_21 step %scan3A_22  : i32 {
      %mul3A_31 = arith.constant 1 : i32
      %mul3A_32 = arith.muli %scan3A_30, %mul3A_31 : i32
      %add3A_33 = arith.constant 0 : i32
      %add3A_34 = arith.addi %add3A_33, %mul3A_32 : i32
      %add3A_35 = arith.constant 0 : i32
      %add3A_36 = arith.addi %add3A_35, %add3A : i32
      %mul3A_37 = arith.constant 2 : i32
      %mul3A_38 = arith.muli %add3A_34, %mul3A_37 : i32
      %mul3A_39 = arith.constant 32 : i32
      %mul3A_40 = arith.muli %mul3A_38, %mul3A_39 : i32
      %add3A_41 = arith.addi %add3A_36, %mul3A_40 : i32
      %add3A_42 = arith.constant 32 : i32
      %add3A_43 = arith.addi %add3A_41, %add3A_42 : i32
      %add3A_44 = arith.constant 64 : i32
      %add3A_45 = arith.addi %add3A_41, %add3A_44 : i32
      %lt3A = arith.constant 1250 : i32
      %lt3A_46 = arith.cmpi slt, %add3A_43, %lt3A : i32
      %convert_element_type3A_47 = arith.extui %lt3A_46 : i1 to i32
      %cond3A_48 = arith.constant 0 : i32
      %cond3A_49 = arith.cmpi ne, %convert_element_type3A_47, %cond3A_48 : i32
      scf.if %cond3A_49 {
        "tpu.region"() ({
          %run_scoped3A = tpu.sem_alloc : memref<!tpu.dma_semaphore, #tpu.memory_space<semaphore_mem>>
          %dma_start3A_73 = arith.constant 0 : i32
          %dma_start3A_74 = arith.constant 0 : i32
          %dma_start3A_75 = tpu.memref_slice %arg2[%dma_start3A_73, %add3A_43, %dma_start3A_74] : memref<2x2500x128xi32, #tpu.memory_space<hbm>> -> memref<2x1x128xi32, #tpu.memory_space<hbm>>
          %dma_start3A_76 = arith.constant 0 : i32
          %dma_start3A_77 = arith.constant 0 : i32
          %dma_start3A_78 = tpu.memref_slice %arg2[%dma_start3A_76, %add3A_43, %dma_start3A_77] : memref<2x2500x128xi32, #tpu.memory_space<hbm>> -> memref<2x1x128xi32, #tpu.memory_space<hbm>>
          tpu.enqueue_dma source(%dma_start3A_78 : memref<2x1x128xi32, #tpu.memory_space<hbm>>) target(%arg8 : memref<2x1x128xi32, #tpu.memory_space<vmem>>) target_semaphore(%run_scoped3A : memref<!tpu.dma_semaphore, #tpu.memory_space<semaphore_mem>>)
          %dma_wait3A = arith.constant 0 : i32
          %dma_wait3A_79 = arith.constant 0 : i32
          %dma_wait3A_80 = tpu.memref_slice %arg2[%dma_wait3A, %add3A_43, %dma_wait3A_79] : memref<2x2500x128xi32, #tpu.memory_space<hbm>> -> memref<2x1x128xi32, #tpu.memory_space<hbm>>
          %dma_wait3A_81 = arith.constant 0 : i32
          %dma_wait3A_82 = arith.constant 0 : i32
          %dma_wait3A_83 = tpu.memref_slice %arg2[%dma_wait3A_81, %add3A_43, %dma_wait3A_82] : memref<2x2500x128xi32, #tpu.memory_space<hbm>> -> memref<2x1x128xi32, #tpu.memory_space<hbm>>
          tpu.wait_dma2 semaphore(%run_scoped3A : memref<!tpu.dma_semaphore, #tpu.memory_space<semaphore_mem>>) src(%dma_wait3A_83 : memref<2x1x128xi32, #tpu.memory_space<hbm>>) dst(%arg8 : memref<2x1x128xi32, #tpu.memory_space<vmem>>)
          tpu.yield
        }) : () -> ()
        %dma_start3A_65 = arith.constant 0 : i32
        %dma_start3A_66 = arith.constant 0 : i32
        %dma_start3A_67 = arith.constant 0 : i32
        %dma_start3A_68 = tpu.memref_slice %arg8[%dma_start3A_65, %dma_start3A_66, %dma_start3A_67] : memref<2x1x128xi32, #tpu.memory_space<vmem>> -> memref<1x1x128xi32, #tpu.memory_space<vmem>>
        %dma_start3A_69 = tpu.memref_squeeze %dma_start3A_68 : memref<1x1x128xi32, #tpu.memory_space<vmem>> -> memref<128xi32, #tpu.memory_space<vmem>>
        %dma_start3A_70 = arith.constant 0 : i32
        %dma_start3A_71 = arith.constant 0 : i32
        %dma_start3A_72 = tpu.memref_slice %arg3[%dma_start3A_70, %dma_start3A_71] : memref<10000x128xf32, #tpu.memory_space<hbm>> -> memref<10000x128xf32, #tpu.memory_space<hbm>>
        tpu.enqueue_indirect_dma source(%dma_start3A_72 : memref<10000x128xf32, #tpu.memory_space<hbm>>) target(%arg10 : memref<128x128xf32, #tpu.memory_space<vmem>>) offsets(%dma_start3A_69 : memref<128xi32, #tpu.memory_space<vmem>>) semaphore(%arg14 : memref<!tpu.dma_semaphore, #tpu.memory_space<semaphore_mem>>)
      } else {
      }
      %lt3A_50 = arith.constant 1250 : i32
      %lt3A_51 = arith.cmpi slt, %add3A_41, %lt3A_50 : i32
      %convert_element_type3A_52 = arith.extui %lt3A_51 : i1 to i32
      %cond3A_53 = arith.constant 0 : i32
      %cond3A_54 = arith.cmpi ne, %convert_element_type3A_52, %cond3A_53 : i32
      scf.if %cond3A_54 {
        %dma_wait3A = arith.constant 0 : i32
        %dma_wait3A_65 = arith.constant 0 : i32
        %dma_wait3A_66 = arith.constant 0 : i32
        %dma_wait3A_67 = tpu.memref_slice %arg7[%dma_wait3A, %dma_wait3A_65, %dma_wait3A_66] : memref<2x1x128xi32, #tpu.memory_space<vmem>> -> memref<1x1x128xi32, #tpu.memory_space<vmem>>
        %dma_wait3A_68 = tpu.memref_squeeze %dma_wait3A_67 : memref<1x1x128xi32, #tpu.memory_space<vmem>> -> memref<128xi32, #tpu.memory_space<vmem>>
        %dma_wait3A_69 = arith.constant 0 : i32
        %dma_wait3A_70 = arith.constant 0 : i32
        %dma_wait3A_71 = tpu.memref_slice %arg3[%dma_wait3A_69, %dma_wait3A_70] : memref<10000x128xf32, #tpu.memory_space<hbm>> -> memref<10000x128xf32, #tpu.memory_space<hbm>>
        tpu.wait_indirect_dma semaphore(%arg13 : memref<!tpu.dma_semaphore, #tpu.memory_space<semaphore_mem>>) src(%dma_wait3A_71 : memref<10000x128xf32, #tpu.memory_space<hbm>>) dst(%arg9 : memref<128x128xf32, #tpu.memory_space<vmem>>)
        %sub3A = arith.constant 0 : i32
        %sub3A_72 = arith.subi %add3A_41, %sub3A : i32
        %mul3A_73 = arith.constant 128 : i32
        %mul3A_74 = arith.muli %sub3A_72, %mul3A_73 : i32
        %dma_wait3A_75 = arith.constant 0 : i32
        %dma_wait3A_76 = tpu.memref_slice %arg4[%mul3A_74, %dma_wait3A_75] : memref<161792x64xi32, #tpu.memory_space<hbm>> -> memref<128x64xi32, #tpu.memory_space<hbm>>
        %dma_wait3A_77 = arith.constant 0 : i32
        %dma_wait3A_78 = tpu.memref_slice %arg4[%mul3A_74, %dma_wait3A_77] : memref<161792x64xi32, #tpu.memory_space<hbm>> -> memref<128x64xi32, #tpu.memory_space<hbm>>
        tpu.wait_dma2 semaphore(%arg15 : memref<!tpu.dma_semaphore, #tpu.memory_space<semaphore_mem>>) src(%dma_wait3A_78 : memref<128x64xi32, #tpu.memory_space<hbm>>) dst(%arg11 : memref<128x64xi32, #tpu.memory_space<vmem>>)
        %scan3A_79 = arith.constant 0 : i32
        %scan3A_80 = arith.constant 128 : i32
        %scan3A_81 = arith.addi %scan3A_79, %scan3A_80 : i32
        %scan3A_82 = arith.constant 1 : i32
        scf.for %scan3A_90 = %scan3A_79 to %scan3A_81 step %scan3A_82  : i32 {
          %mul3A_91 = arith.constant 1 : i32
          %mul3A_92 = arith.muli %scan3A_90, %mul3A_91 : i32
          %add3A_93 = arith.constant 0 : i32
          %add3A_94 = arith.addi %add3A_93, %mul3A_92 : i32
          %get3A = arith.index_cast %add3A_94 : i32 to index
          %get3A_95 = arith.constant 0 : index
          %get3A_96 = tpu.vector_load %arg11[%get3A, %get3A_95] {strides = array<i32>} : memref<128x64xi32, #tpu.memory_space<vmem>>, vector<16xi32>,
          %shift_left3A = arith.constant 16 : i32
          %shift_left3A_97 = vector.broadcast %shift_left3A : i32 to vector<16xi32>
          %shift_left3A_98 = arith.shli %get3A_96, %shift_left3A_97 : vector<16xi32>
          %bitcast3A = vector.bitcast %shift_left3A_98 : vector<16xi32> to vector<16xf32>
          %and3A = arith.constant -65536 : i32
          %and3A_99 = vector.broadcast %and3A : i32 to vector<16xi32>
          %and3A_100 = arith.andi %get3A_96, %and3A_99 : vector<16xi32>
          %bitcast3A_101 = vector.bitcast %and3A_100 : vector<16xi32> to vector<16xf32>
          %get3A_102 = arith.index_cast %add3A_94 : i32 to index
          %get3A_103 = arith.constant 0 : index
          %get3A_104 = tpu.vector_load %arg9[%get3A_102, %get3A_103] {strides = array<i32>} : memref<128x128xf32, #tpu.memory_space<vmem>>, vector<16xf32>,
          %mul3A_105 = arith.mulf %get3A_104, %bitcast3A : vector<16xf32>
          %swap3A = arith.index_cast %add3A_94 : i32 to index
          %swap3A_106 = arith.constant 0 : index
          %swap3A_107 = tpu.vector_load %arg9[%swap3A, %swap3A_106] {strides = array<i32>} : memref<128x128xf32, #tpu.memory_space<vmem>>, vector<16xf32>,
          tpu.vector_store %arg9[%swap3A, %swap3A_106], %mul3A_105 {strides = array<i32>} : memref<128x128xf32, #tpu.memory_space<vmem>>, vector<16xf32>,
          %get3A_108 = arith.index_cast %add3A_94 : i32 to index
          %get3A_109 = arith.constant 16 : index
          %get3A_110 = tpu.vector_load %arg9[%get3A_108, %get3A_109] {strides = array<i32>} : memref<128x128xf32, #tpu.memory_space<vmem>>, vector<16xf32>,
          %mul3A_111 = arith.mulf %get3A_110, %bitcast3A_101 : vector<16xf32>
          %swap3A_112 = arith.index_cast %add3A_94 : i32 to index
          %swap3A_113 = arith.constant 16 : index
          %swap3A_114 = tpu.vector_load %arg9[%swap3A_112, %swap3A_113] {strides = array<i32>} : memref<128x128xf32, #tpu.memory_space<vmem>>, vector<16xf32>,
          tpu.vector_store %arg9[%swap3A_112, %swap3A_113], %mul3A_111 {strides = array<i32>} : memref<128x128xf32, #tpu.memory_space<vmem>>, vector<16xf32>,
          %get3A_115 = arith.index_cast %add3A_94 : i32 to index
          %get3A_116 = arith.constant 16 : index
          %get3A_117 = tpu.vector_load %arg11[%get3A_115, %get3A_116] {strides = array<i32>} : memref<128x64xi32, #tpu.memory_space<vmem>>, vector<16xi32>,
          %shift_left3A_118 = arith.constant 16 : i32
          %shift_left3A_119 = vector.broadcast %shift_left3A_118 : i32 to vector<16xi32>
          %shift_left3A_120 = arith.shli %get3A_117, %shift_left3A_119 : vector<16xi32>
          %bitcast3A_121 = vector.bitcast %shift_left3A_120 : vector<16xi32> to vector<16xf32>
          %and3A_122 = arith.constant -65536 : i32
          %and3A_123 = vector.broadcast %and3A_122 : i32 to vector<16xi32>
          %and3A_124 = arith.andi %get3A_117, %and3A_123 : vector<16xi32>
          %bitcast3A_125 = vector.bitcast %and3A_124 : vector<16xi32> to vector<16xf32>
          %get3A_126 = arith.index_cast %add3A_94 : i32 to index
          %get3A_127 = arith.constant 32 : index
          %get3A_128 = tpu.vector_load %arg9[%get3A_126, %get3A_127] {strides = array<i32>} : memref<128x128xf32, #tpu.memory_space<vmem>>, vector<16xf32>,
          %mul3A_129 = arith.mulf %get3A_128, %bitcast3A_121 : vector<16xf32>
          %swap3A_130 = arith.index_cast %add3A_94 : i32 to index
          %swap3A_131 = arith.constant 32 : index
          %swap3A_132 = tpu.vector_load %arg9[%swap3A_130, %swap3A_131] {strides = array<i32>} : memref<128x128xf32, #tpu.memory_space<vmem>>, vector<16xf32>,
          tpu.vector_store %arg9[%swap3A_130, %swap3A_131], %mul3A_129 {strides = array<i32>} : memref<128x128xf32, #tpu.memory_space<vmem>>, vector<16xf32>,
          %get3A_133 = arith.index_cast %add3A_94 : i32 to index
          %get3A_134 = arith.constant 48 : index
          %get3A_135 = tpu.vector_load %arg9[%get3A_133, %get3A_134] {strides = array<i32>} : memref<128x128xf32, #tpu.memory_space<vmem>>, vector<16xf32>,
          %mul3A_136 = arith.mulf %get3A_135, %bitcast3A_125 : vector<16xf32>
          %swap3A_137 = arith.index_cast %add3A_94 : i32 to index
          %swap3A_138 = arith.constant 48 : index
          %swap3A_139 = tpu.vector_load %arg9[%swap3A_137, %swap3A_138] {strides = array<i32>} : memref<128x128xf32, #tpu.memory_space<vmem>>, vector<16xf32>,
          tpu.vector_store %arg9[%swap3A_137, %swap3A_138], %mul3A_136 {strides = array<i32>} : memref<128x128xf32, #tpu.memory_space<vmem>>, vector<16xf32>,
          %get3A_140 = arith.index_cast %add3A_94 : i32 to index
          %get3A_141 = arith.constant 32 : index
          %get3A_142 = tpu.vector_load %arg11[%get3A_140, %get3A_141] {strides = array<i32>} : memref<128x64xi32, #tpu.memory_space<vmem>>, vector<16xi32>,
          %shift_left3A_143 = arith.constant 16 : i32
          %shift_left3A_144 = vector.broadcast %shift_left3A_143 : i32 to vector<16xi32>
          %shift_left3A_145 = arith.shli %get3A_142, %shift_left3A_144 : vector<16xi32>
          %bitcast3A_146 = vector.bitcast %shift_left3A_145 : vector<16xi32> to vector<16xf32>
          %and3A_147 = arith.constant -65536 : i32
          %and3A_148 = vector.broadcast %and3A_147 : i32 to vector<16xi32>
          %and3A_149 = arith.andi %get3A_142, %and3A_148 : vector<16xi32>
          %bitcast3A_150 = vector.bitcast %and3A_149 : vector<16xi32> to vector<16xf32>
          %get3A_151 = arith.index_cast %add3A_94 : i32 to index
          %get3A_152 = arith.constant 64 : index
          %get3A_153 = tpu.vector_load %arg9[%get3A_151, %get3A_152] {strides = array<i32>} : memref<128x128xf32, #tpu.memory_space<vmem>>, vector<16xf32>,
          %mul3A_154 = arith.mulf %get3A_153, %bitcast3A_146 : vector<16xf32>
          %swap3A_155 = arith.index_cast %add3A_94 : i32 to index
          %swap3A_156 = arith.constant 64 : index
          %swap3A_157 = tpu.vector_load %arg9[%swap3A_155, %swap3A_156] {strides = array<i32>} : memref<128x128xf32, #tpu.memory_space<vmem>>, vector<16xf32>,
          tpu.vector_store %arg9[%swap3A_155, %swap3A_156], %mul3A_154 {strides = array<i32>} : memref<128x128xf32, #tpu.memory_space<vmem>>, vector<16xf32>,
          %get3A_158 = arith.index_cast %add3A_94 : i32 to index
          %get3A_159 = arith.constant 80 : index
          %get3A_160 = tpu.vector_load %arg9[%get3A_158, %get3A_159] {strides = array<i32>} : memref<128x128xf32, #tpu.memory_space<vmem>>, vector<16xf32>,
          %mul3A_161 = arith.mulf %get3A_160, %bitcast3A_150 : vector<16xf32>
          %swap3A_162 = arith.index_cast %add3A_94 : i32 to index
          %swap3A_163 = arith.constant 80 : index
          %swap3A_164 = tpu.vector_load %arg9[%swap3A_162, %swap3A_163] {strides = array<i32>} : memref<128x128xf32, #tpu.memory_space<vmem>>, vector<16xf32>,
          tpu.vector_store %arg9[%swap3A_162, %swap3A_163], %mul3A_161 {strides = array<i32>} : memref<128x128xf32, #tpu.memory_space<vmem>>, vector<16xf32>,
          %get3A_165 = arith.index_cast %add3A_94 : i32 to index
          %get3A_166 = arith.constant 48 : index
          %get3A_167 = tpu.vector_load %arg11[%get3A_165, %get3A_166] {strides = array<i32>} : memref<128x64xi32, #tpu.memory_space<vmem>>, vector<16xi32>,
          %shift_left3A_168 = arith.constant 16 : i32
          %shift_left3A_169 = vector.broadcast %shift_left3A_168 : i32 to vector<16xi32>
          %shift_left3A_170 = arith.shli %get3A_167, %shift_left3A_169 : vector<16xi32>
          %bitcast3A_171 = vector.bitcast %shift_left3A_170 : vector<16xi32> to vector<16xf32>
          %and3A_172 = arith.constant -65536 : i32
          %and3A_173 = vector.broadcast %and3A_172 : i32 to vector<16xi32>
          %and3A_174 = arith.andi %get3A_167, %and3A_173 : vector<16xi32>
          %bitcast3A_175 = vector.bitcast %and3A_174 : vector<16xi32> to vector<16xf32>
          %get3A_176 = arith.index_cast %add3A_94 : i32 to index
          %get3A_177 = arith.constant 96 : index
          %get3A_178 = tpu.vector_load %arg9[%get3A_176, %get3A_177] {strides = array<i32>} : memref<128x128xf32, #tpu.memory_space<vmem>>, vector<16xf32>,
          %mul3A_179 = arith.mulf %get3A_178, %bitcast3A_171 : vector<16xf32>
          %swap3A_180 = arith.index_cast %add3A_94 : i32 to index
          %swap3A_181 = arith.constant 96 : index
          %swap3A_182 = tpu.vector_load %arg9[%swap3A_180, %swap3A_181] {strides = array<i32>} : memref<128x128xf32, #tpu.memory_space<vmem>>, vector<16xf32>,
          tpu.vector_store %arg9[%swap3A_180, %swap3A_181], %mul3A_179 {strides = array<i32>} : memref<128x128xf32, #tpu.memory_space<vmem>>, vector<16xf32>,
          %get3A_183 = arith.index_cast %add3A_94 : i32 to index
          %get3A_184 = arith.constant 112 : index
          %get3A_185 = tpu.vector_load %arg9[%get3A_183, %get3A_184] {strides = array<i32>} : memref<128x128xf32, #tpu.memory_space<vmem>>, vector<16xf32>,
          %mul3A_186 = arith.mulf %get3A_185, %bitcast3A_175 : vector<16xf32>
          %swap3A_187 = arith.index_cast %add3A_94 : i32 to index
          %swap3A_188 = arith.constant 112 : index
          %swap3A_189 = tpu.vector_load %arg9[%swap3A_187, %swap3A_188] {strides = array<i32>} : memref<128x128xf32, #tpu.memory_space<vmem>>, vector<16xf32>,
          tpu.vector_store %arg9[%swap3A_187, %swap3A_188], %mul3A_186 {strides = array<i32>} : memref<128x128xf32, #tpu.memory_space<vmem>>, vector<16xf32>,
        }
        %scan3A_83 = arith.constant 128 : i32
        %lt3A_84 = arith.constant 1250 : i32
        %lt3A_85 = arith.cmpi slt, %add3A_43, %lt3A_84 : i32
        %convert_element_type3A_86 = arith.extui %lt3A_85 : i1 to i32
        %cond3A_87 = arith.constant 0 : i32
        %cond3A_88 = arith.cmpi ne, %convert_element_type3A_86, %cond3A_87 : i32
        scf.if %cond3A_88 {
          %sub3A_90 = arith.constant 0 : i32
          %sub3A_91 = arith.subi %add3A_43, %sub3A_90 : i32
          %mul3A_92 = arith.constant 128 : i32
          %mul3A_93 = arith.muli %sub3A_91, %mul3A_92 : i32
          %dma_start3A_94 = arith.constant 0 : i32
          %dma_start3A_95 = tpu.memref_slice %arg4[%mul3A_93, %dma_start3A_94] : memref<161792x64xi32, #tpu.memory_space<hbm>> -> memref<128x64xi32, #tpu.memory_space<hbm>>
          %dma_start3A_96 = arith.constant 0 : i32
          %dma_start3A_97 = tpu.memref_slice %arg4[%mul3A_93, %dma_start3A_96] : memref<161792x64xi32, #tpu.memory_space<hbm>> -> memref<128x64xi32, #tpu.memory_space<hbm>>
          tpu.enqueue_dma source(%dma_start3A_97 : memref<128x64xi32, #tpu.memory_space<hbm>>) target(%arg11 : memref<128x64xi32, #tpu.memory_space<vmem>>) target_semaphore(%arg15 : memref<!tpu.dma_semaphore, #tpu.memory_space<semaphore_mem>>)
        } else {
        }
        %run_scoped3A = arith.constant 1 : i32
        %run_scoped3A_89 = arith.constant 0 : i32
        "tpu.region"() ({
          %run_scoped3A_90 = tpu.sem_alloc : memref<!tpu.dma_semaphore, #tpu.memory_space<semaphore_mem>>
          %dma_start3A_91 = arith.constant 0 : i32
          %dma_start3A_92 = tpu.memref_slice %arg7[%run_scoped3A, %run_scoped3A_89, %dma_start3A_91] : memref<2x1x128xi32, #tpu.memory_space<vmem>> -> memref<1x1x128xi32, #tpu.memory_space<vmem>>
          %dma_start3A_93 = tpu.memref_squeeze %dma_start3A_92 : memref<1x1x128xi32, #tpu.memory_space<vmem>> -> memref<128xi32, #tpu.memory_space<vmem>>
          %dma_start3A_94 = arith.constant 0 : i32
          %dma_start3A_95 = arith.constant 0 : i32
          %dma_start3A_96 = tpu.memref_slice %arg12[%dma_start3A_94, %dma_start3A_95] : memref<10000x128xf32, #tpu.memory_space<vmem_shared>> -> memref<10000x128xf32, #tpu.memory_space<vmem_shared>>
          tpu.enqueue_indirect_dma source(%arg9 : memref<128x128xf32, #tpu.memory_space<vmem>>) target(%dma_start3A_96 : memref<10000x128xf32, #tpu.memory_space<vmem_shared>>) offsets(%dma_start3A_93 : memref<128xi32, #tpu.memory_space<vmem>>) semaphore(%run_scoped3A_90 : memref<!tpu.dma_semaphore, #tpu.memory_space<semaphore_mem>>) {add = true}
          %dma_wait3A_97 = arith.constant 0 : i32
          %dma_wait3A_98 = tpu.memref_slice %arg7[%run_scoped3A, %run_scoped3A_89, %dma_wait3A_97] : memref<2x1x128xi32, #tpu.memory_space<vmem>> -> memref<1x1x128xi32, #tpu.memory_space<vmem>>
          %dma_wait3A_99 = tpu.memref_squeeze %dma_wait3A_98 : memref<1x1x128xi32, #tpu.memory_space<vmem>> -> memref<128xi32, #tpu.memory_space<vmem>>
          %dma_wait3A_100 = arith.constant 0 : i32
          %dma_wait3A_101 = arith.constant 0 : i32
          %dma_wait3A_102 = tpu.memref_slice %arg12[%dma_wait3A_100, %dma_wait3A_101] : memref<10000x128xf32, #tpu.memory_space<vmem_shared>> -> memref<10000x128xf32, #tpu.memory_space<vmem_shared>>
          tpu.wait_indirect_dma semaphore(%run_scoped3A_90 : memref<!tpu.dma_semaphore, #tpu.memory_space<semaphore_mem>>) src(%arg9 : memref<128x128xf32, #tpu.memory_space<vmem>>) dst(%dma_wait3A_102 : memref<10000x128xf32, #tpu.memory_space<vmem_shared>>)
          tpu.yield
        }) : () -> ()
      } else {
      }
      %lt3A_55 = arith.constant 1250 : i32
      %lt3A_56 = arith.cmpi slt, %add3A_45, %lt3A_55 : i32
      %convert_element_type3A_57 = arith.extui %lt3A_56 : i1 to i32
      %cond3A_58 = arith.constant 0 : i32
      %cond3A_59 = arith.cmpi ne, %convert_element_type3A_57, %cond3A_58 : i32
      scf.if %cond3A_59 {
        "tpu.region"() ({
          %run_scoped3A = tpu.sem_alloc : memref<!tpu.dma_semaphore, #tpu.memory_space<semaphore_mem>>
          %dma_start3A_73 = arith.constant 0 : i32
          %dma_start3A_74 = arith.constant 0 : i32
          %dma_start3A_75 = tpu.memref_slice %arg2[%dma_start3A_73, %add3A_45, %dma_start3A_74] : memref<2x2500x128xi32, #tpu.memory_space<hbm>> -> memref<2x1x128xi32, #tpu.memory_space<hbm>>
          %dma_start3A_76 = arith.constant 0 : i32
          %dma_start3A_77 = arith.constant 0 : i32
          %dma_start3A_78 = tpu.memref_slice %arg2[%dma_start3A_76, %add3A_45, %dma_start3A_77] : memref<2x2500x128xi32, #tpu.memory_space<hbm>> -> memref<2x1x128xi32, #tpu.memory_space<hbm>>
          tpu.enqueue_dma source(%dma_start3A_78 : memref<2x1x128xi32, #tpu.memory_space<hbm>>) target(%arg7 : memref<2x1x128xi32, #tpu.memory_space<vmem>>) target_semaphore(%run_scoped3A : memref<!tpu.dma_semaphore, #tpu.memory_space<semaphore_mem>>)
          %dma_wait3A = arith.constant 0 : i32
          %dma_wait3A_79 = arith.constant 0 : i32
          %dma_wait3A_80 = tpu.memref_slice %arg2[%dma_wait3A, %add3A_45, %dma_wait3A_79] : memref<2x2500x128xi32, #tpu.memory_space<hbm>> -> memref<2x1x128xi32, #tpu.memory_space<hbm>>
          %dma_wait3A_81 = arith.constant 0 : i32
          %dma_wait3A_82 = arith.constant 0 : i32
          %dma_wait3A_83 = tpu.memref_slice %arg2[%dma_wait3A_81, %add3A_45, %dma_wait3A_82] : memref<2x2500x128xi32, #tpu.memory_space<hbm>> -> memref<2x1x128xi32, #tpu.memory_space<hbm>>
          tpu.wait_dma2 semaphore(%run_scoped3A : memref<!tpu.dma_semaphore, #tpu.memory_space<semaphore_mem>>) src(%dma_wait3A_83 : memref<2x1x128xi32, #tpu.memory_space<hbm>>) dst(%arg7 : memref<2x1x128xi32, #tpu.memory_space<vmem>>)
          tpu.yield
        }) : () -> ()
        %dma_start3A_65 = arith.constant 0 : i32
        %dma_start3A_66 = arith.constant 0 : i32
        %dma_start3A_67 = arith.constant 0 : i32
        %dma_start3A_68 = tpu.memref_slice %arg7[%dma_start3A_65, %dma_start3A_66, %dma_start3A_67] : memref<2x1x128xi32, #tpu.memory_space<vmem>> -> memref<1x1x128xi32, #tpu.memory_space<vmem>>
        %dma_start3A_69 = tpu.memref_squeeze %dma_start3A_68 : memref<1x1x128xi32, #tpu.memory_space<vmem>> -> memref<128xi32, #tpu.memory_space<vmem>>
        %dma_start3A_70 = arith.constant 0 : i32
        %dma_start3A_71 = arith.constant 0 : i32
        %dma_start3A_72 = tpu.memref_slice %arg3[%dma_start3A_70, %dma_start3A_71] : memref<10000x128xf32, #tpu.memory_space<hbm>> -> memref<10000x128xf32, #tpu.memory_space<hbm>>
        tpu.enqueue_indirect_dma source(%dma_start3A_72 : memref<10000x128xf32, #tpu.memory_space<hbm>>) target(%arg9 : memref<128x128xf32, #tpu.memory_space<vmem>>) offsets(%dma_start3A_69 : memref<128xi32, #tpu.memory_space<vmem>>) semaphore(%arg13 : memref<!tpu.dma_semaphore, #tpu.memory_space<semaphore_mem>>)
      } else {
      }
      %lt3A_60 = arith.constant 1250 : i32
      %lt3A_61 = arith.cmpi slt, %add3A_43, %lt3A_60 : i32
      %convert_element_type3A_62 = arith.extui %lt3A_61 : i1 to i32
      %cond3A_63 = arith.constant 0 : i32
      %cond3A_64 = arith.cmpi ne, %convert_element_type3A_62, %cond3A_63 : i32
      scf.if %cond3A_64 {
        %dma_wait3A = arith.constant 0 : i32
        %dma_wait3A_65 = arith.constant 0 : i32
        %dma_wait3A_66 = arith.constant 0 : i32
        %dma_wait3A_67 = tpu.memref_slice %arg8[%dma_wait3A, %dma_wait3A_65, %dma_wait3A_66] : memref<2x1x128xi32, #tpu.memory_space<vmem>> -> memref<1x1x128xi32, #tpu.memory_space<vmem>>
        %dma_wait3A_68 = tpu.memref_squeeze %dma_wait3A_67 : memref<1x1x128xi32, #tpu.memory_space<vmem>> -> memref<128xi32, #tpu.memory_space<vmem>>
        %dma_wait3A_69 = arith.constant 0 : i32
        %dma_wait3A_70 = arith.constant 0 : i32
        %dma_wait3A_71 = tpu.memref_slice %arg3[%dma_wait3A_69, %dma_wait3A_70] : memref<10000x128xf32, #tpu.memory_space<hbm>> -> memref<10000x128xf32, #tpu.memory_space<hbm>>
        tpu.wait_indirect_dma semaphore(%arg14 : memref<!tpu.dma_semaphore, #tpu.memory_space<semaphore_mem>>) src(%dma_wait3A_71 : memref<10000x128xf32, #tpu.memory_space<hbm>>) dst(%arg10 : memref<128x128xf32, #tpu.memory_space<vmem>>)
        %sub3A = arith.constant 0 : i32
        %sub3A_72 = arith.subi %add3A_43, %sub3A : i32
        %mul3A_73 = arith.constant 128 : i32
        %mul3A_74 = arith.muli %sub3A_72, %mul3A_73 : i32
        %dma_wait3A_75 = arith.constant 0 : i32
        %dma_wait3A_76 = tpu.memref_slice %arg4[%mul3A_74, %dma_wait3A_75] : memref<161792x64xi32, #tpu.memory_space<hbm>> -> memref<128x64xi32, #tpu.memory_space<hbm>>
        %dma_wait3A_77 = arith.constant 0 : i32
        %dma_wait3A_78 = tpu.memref_slice %arg4[%mul3A_74, %dma_wait3A_77] : memref<161792x64xi32, #tpu.memory_space<hbm>> -> memref<128x64xi32, #tpu.memory_space<hbm>>
        tpu.wait_dma2 semaphore(%arg15 : memref<!tpu.dma_semaphore, #tpu.memory_space<semaphore_mem>>) src(%dma_wait3A_78 : memref<128x64xi32, #tpu.memory_space<hbm>>) dst(%arg11 : memref<128x64xi32, #tpu.memory_space<vmem>>)
        %scan3A_79 = arith.constant 0 : i32
        %scan3A_80 = arith.constant 128 : i32
        %scan3A_81 = arith.addi %scan3A_79, %scan3A_80 : i32
        %scan3A_82 = arith.constant 1 : i32
        scf.for %scan3A_90 = %scan3A_79 to %scan3A_81 step %scan3A_82  : i32 {
          %mul3A_91 = arith.constant 1 : i32
          %mul3A_92 = arith.muli %scan3A_90, %mul3A_91 : i32
          %add3A_93 = arith.constant 0 : i32
          %add3A_94 = arith.addi %add3A_93, %mul3A_92 : i32
          %get3A = arith.index_cast %add3A_94 : i32 to index
          %get3A_95 = arith.constant 0 : index
          %get3A_96 = tpu.vector_load %arg11[%get3A, %get3A_95] {strides = array<i32>} : memref<128x64xi32, #tpu.memory_space<vmem>>, vector<16xi32>,
          %shift_left3A = arith.constant 16 : i32
          %shift_left3A_97 = vector.broadcast %shift_left3A : i32 to vector<16xi32>
          %shift_left3A_98 = arith.shli %get3A_96, %shift_left3A_97 : vector<16xi32>
          %bitcast3A = vector.bitcast %shift_left3A_98 : vector<16xi32> to vector<16xf32>
          %and3A = arith.constant -65536 : i32
          %and3A_99 = vector.broadcast %and3A : i32 to vector<16xi32>
          %and3A_100 = arith.andi %get3A_96, %and3A_99 : vector<16xi32>
          %bitcast3A_101 = vector.bitcast %and3A_100 : vector<16xi32> to vector<16xf32>
          %get3A_102 = arith.index_cast %add3A_94 : i32 to index
          %get3A_103 = arith.constant 0 : index
          %get3A_104 = tpu.vector_load %arg10[%get3A_102, %get3A_103] {strides = array<i32>} : memref<128x128xf32, #tpu.memory_space<vmem>>, vector<16xf32>,
          %mul3A_105 = arith.mulf %get3A_104, %bitcast3A : vector<16xf32>
          %swap3A = arith.index_cast %add3A_94 : i32 to index
          %swap3A_106 = arith.constant 0 : index
          %swap3A_107 = tpu.vector_load %arg10[%swap3A, %swap3A_106] {strides = array<i32>} : memref<128x128xf32, #tpu.memory_space<vmem>>, vector<16xf32>,
          tpu.vector_store %arg10[%swap3A, %swap3A_106], %mul3A_105 {strides = array<i32>} : memref<128x128xf32, #tpu.memory_space<vmem>>, vector<16xf32>,
          %get3A_108 = arith.index_cast %add3A_94 : i32 to index
          %get3A_109 = arith.constant 16 : index
          %get3A_110 = tpu.vector_load %arg10[%get3A_108, %get3A_109] {strides = array<i32>} : memref<128x128xf32, #tpu.memory_space<vmem>>, vector<16xf32>,
          %mul3A_111 = arith.mulf %get3A_110, %bitcast3A_101 : vector<16xf32>
          %swap3A_112 = arith.index_cast %add3A_94 : i32 to index
          %swap3A_113 = arith.constant 16 : index
          %swap3A_114 = tpu.vector_load %arg10[%swap3A_112, %swap3A_113] {strides = array<i32>} : memref<128x128xf32, #tpu.memory_space<vmem>>, vector<16xf32>,
          tpu.vector_store %arg10[%swap3A_112, %swap3A_113], %mul3A_111 {strides = array<i32>} : memref<128x128xf32, #tpu.memory_space<vmem>>, vector<16xf32>,
          %get3A_115 = arith.index_cast %add3A_94 : i32 to index
          %get3A_116 = arith.constant 16 : index
          %get3A_117 = tpu.vector_load %arg11[%get3A_115, %get3A_116] {strides = array<i32>} : memref<128x64xi32, #tpu.memory_space<vmem>>, vector<16xi32>,
          %shift_left3A_118 = arith.constant 16 : i32
          %shift_left3A_119 = vector.broadcast %shift_left3A_118 : i32 to vector<16xi32>
          %shift_left3A_120 = arith.shli %get3A_117, %shift_left3A_119 : vector<16xi32>
          %bitcast3A_121 = vector.bitcast %shift_left3A_120 : vector<16xi32> to vector<16xf32>
          %and3A_122 = arith.constant -65536 : i32
          %and3A_123 = vector.broadcast %and3A_122 : i32 to vector<16xi32>
          %and3A_124 = arith.andi %get3A_117, %and3A_123 : vector<16xi32>
          %bitcast3A_125 = vector.bitcast %and3A_124 : vector<16xi32> to vector<16xf32>
          %get3A_126 = arith.index_cast %add3A_94 : i32 to index
          %get3A_127 = arith.constant 32 : index
          %get3A_128 = tpu.vector_load %arg10[%get3A_126, %get3A_127] {strides = array<i32>} : memref<128x128xf32, #tpu.memory_space<vmem>>, vector<16xf32>,
          %mul3A_129 = arith.mulf %get3A_128, %bitcast3A_121 : vector<16xf32>
          %swap3A_130 = arith.index_cast %add3A_94 : i32 to index
          %swap3A_131 = arith.constant 32 : index
          %swap3A_132 = tpu.vector_load %arg10[%swap3A_130, %swap3A_131] {strides = array<i32>} : memref<128x128xf32, #tpu.memory_space<vmem>>, vector<16xf32>,
          tpu.vector_store %arg10[%swap3A_130, %swap3A_131], %mul3A_129 {strides = array<i32>} : memref<128x128xf32, #tpu.memory_space<vmem>>, vector<16xf32>,
          %get3A_133 = arith.index_cast %add3A_94 : i32 to index
          %get3A_134 = arith.constant 48 : index
          %get3A_135 = tpu.vector_load %arg10[%get3A_133, %get3A_134] {strides = array<i32>} : memref<128x128xf32, #tpu.memory_space<vmem>>, vector<16xf32>,
          %mul3A_136 = arith.mulf %get3A_135, %bitcast3A_125 : vector<16xf32>
          %swap3A_137 = arith.index_cast %add3A_94 : i32 to index
          %swap3A_138 = arith.constant 48 : index
          %swap3A_139 = tpu.vector_load %arg10[%swap3A_137, %swap3A_138] {strides = array<i32>} : memref<128x128xf32, #tpu.memory_space<vmem>>, vector<16xf32>,
          tpu.vector_store %arg10[%swap3A_137, %swap3A_138], %mul3A_136 {strides = array<i32>} : memref<128x128xf32, #tpu.memory_space<vmem>>, vector<16xf32>,
          %get3A_140 = arith.index_cast %add3A_94 : i32 to index
          %get3A_141 = arith.constant 32 : index
          %get3A_142 = tpu.vector_load %arg11[%get3A_140, %get3A_141] {strides = array<i32>} : memref<128x64xi32, #tpu.memory_space<vmem>>, vector<16xi32>,
          %shift_left3A_143 = arith.constant 16 : i32
          %shift_left3A_144 = vector.broadcast %shift_left3A_143 : i32 to vector<16xi32>
          %shift_left3A_145 = arith.shli %get3A_142, %shift_left3A_144 : vector<16xi32>
          %bitcast3A_146 = vector.bitcast %shift_left3A_145 : vector<16xi32> to vector<16xf32>
          %and3A_147 = arith.constant -65536 : i32
          %and3A_148 = vector.broadcast %and3A_147 : i32 to vector<16xi32>
          %and3A_149 = arith.andi %get3A_142, %and3A_148 : vector<16xi32>
          %bitcast3A_150 = vector.bitcast %and3A_149 : vector<16xi32> to vector<16xf32>
          %get3A_151 = arith.index_cast %add3A_94 : i32 to index
          %get3A_152 = arith.constant 64 : index
          %get3A_153 = tpu.vector_load %arg10[%get3A_151, %get3A_152] {strides = array<i32>} : memref<128x128xf32, #tpu.memory_space<vmem>>, vector<16xf32>,
          %mul3A_154 = arith.mulf %get3A_153, %bitcast3A_146 : vector<16xf32>
          %swap3A_155 = arith.index_cast %add3A_94 : i32 to index
          %swap3A_156 = arith.constant 64 : index
          %swap3A_157 = tpu.vector_load %arg10[%swap3A_155, %swap3A_156] {strides = array<i32>} : memref<128x128xf32, #tpu.memory_space<vmem>>, vector<16xf32>,
          tpu.vector_store %arg10[%swap3A_155, %swap3A_156], %mul3A_154 {strides = array<i32>} : memref<128x128xf32, #tpu.memory_space<vmem>>, vector<16xf32>,
          %get3A_158 = arith.index_cast %add3A_94 : i32 to index
          %get3A_159 = arith.constant 80 : index
          %get3A_160 = tpu.vector_load %arg10[%get3A_158, %get3A_159] {strides = array<i32>} : memref<128x128xf32, #tpu.memory_space<vmem>>, vector<16xf32>,
          %mul3A_161 = arith.mulf %get3A_160, %bitcast3A_150 : vector<16xf32>
          %swap3A_162 = arith.index_cast %add3A_94 : i32 to index
          %swap3A_163 = arith.constant 80 : index
          %swap3A_164 = tpu.vector_load %arg10[%swap3A_162, %swap3A_163] {strides = array<i32>} : memref<128x128xf32, #tpu.memory_space<vmem>>, vector<16xf32>,
          tpu.vector_store %arg10[%swap3A_162, %swap3A_163], %mul3A_161 {strides = array<i32>} : memref<128x128xf32, #tpu.memory_space<vmem>>, vector<16xf32>,
          %get3A_165 = arith.index_cast %add3A_94 : i32 to index
          %get3A_166 = arith.constant 48 : index
          %get3A_167 = tpu.vector_load %arg11[%get3A_165, %get3A_166] {strides = array<i32>} : memref<128x64xi32, #tpu.memory_space<vmem>>, vector<16xi32>,
          %shift_left3A_168 = arith.constant 16 : i32
          %shift_left3A_169 = vector.broadcast %shift_left3A_168 : i32 to vector<16xi32>
          %shift_left3A_170 = arith.shli %get3A_167, %shift_left3A_169 : vector<16xi32>
          %bitcast3A_171 = vector.bitcast %shift_left3A_170 : vector<16xi32> to vector<16xf32>
          %and3A_172 = arith.constant -65536 : i32
          %and3A_173 = vector.broadcast %and3A_172 : i32 to vector<16xi32>
          %and3A_174 = arith.andi %get3A_167, %and3A_173 : vector<16xi32>
          %bitcast3A_175 = vector.bitcast %and3A_174 : vector<16xi32> to vector<16xf32>
          %get3A_176 = arith.index_cast %add3A_94 : i32 to index
          %get3A_177 = arith.constant 96 : index
          %get3A_178 = tpu.vector_load %arg10[%get3A_176, %get3A_177] {strides = array<i32>} : memref<128x128xf32, #tpu.memory_space<vmem>>, vector<16xf32>,
          %mul3A_179 = arith.mulf %get3A_178, %bitcast3A_171 : vector<16xf32>
          %swap3A_180 = arith.index_cast %add3A_94 : i32 to index
          %swap3A_181 = arith.constant 96 : index
          %swap3A_182 = tpu.vector_load %arg10[%swap3A_180, %swap3A_181] {strides = array<i32>} : memref<128x128xf32, #tpu.memory_space<vmem>>, vector<16xf32>,
          tpu.vector_store %arg10[%swap3A_180, %swap3A_181], %mul3A_179 {strides = array<i32>} : memref<128x128xf32, #tpu.memory_space<vmem>>, vector<16xf32>,
          %get3A_183 = arith.index_cast %add3A_94 : i32 to index
          %get3A_184 = arith.constant 112 : index
          %get3A_185 = tpu.vector_load %arg10[%get3A_183, %get3A_184] {strides = array<i32>} : memref<128x128xf32, #tpu.memory_space<vmem>>, vector<16xf32>,
          %mul3A_186 = arith.mulf %get3A_185, %bitcast3A_175 : vector<16xf32>
          %swap3A_187 = arith.index_cast %add3A_94 : i32 to index
          %swap3A_188 = arith.constant 112 : index
          %swap3A_189 = tpu.vector_load %arg10[%swap3A_187, %swap3A_188] {strides = array<i32>} : memref<128x128xf32, #tpu.memory_space<vmem>>, vector<16xf32>,
          tpu.vector_store %arg10[%swap3A_187, %swap3A_188], %mul3A_186 {strides = array<i32>} : memref<128x128xf32, #tpu.memory_space<vmem>>, vector<16xf32>,
        }
        %scan3A_83 = arith.constant 128 : i32
        %lt3A_84 = arith.constant 1250 : i32
        %lt3A_85 = arith.cmpi slt, %add3A_45, %lt3A_84 : i32
        %convert_element_type3A_86 = arith.extui %lt3A_85 : i1 to i32
        %cond3A_87 = arith.constant 0 : i32
        %cond3A_88 = arith.cmpi ne, %convert_element_type3A_86, %cond3A_87 : i32
        scf.if %cond3A_88 {
          %sub3A_90 = arith.constant 0 : i32
          %sub3A_91 = arith.subi %add3A_45, %sub3A_90 : i32
          %mul3A_92 = arith.constant 128 : i32
          %mul3A_93 = arith.muli %sub3A_91, %mul3A_92 : i32
          %dma_start3A_94 = arith.constant 0 : i32
          %dma_start3A_95 = tpu.memref_slice %arg4[%mul3A_93, %dma_start3A_94] : memref<161792x64xi32, #tpu.memory_space<hbm>> -> memref<128x64xi32, #tpu.memory_space<hbm>>
          %dma_start3A_96 = arith.constant 0 : i32
          %dma_start3A_97 = tpu.memref_slice %arg4[%mul3A_93, %dma_start3A_96] : memref<161792x64xi32, #tpu.memory_space<hbm>> -> memref<128x64xi32, #tpu.memory_space<hbm>>
          tpu.enqueue_dma source(%dma_start3A_97 : memref<128x64xi32, #tpu.memory_space<hbm>>) target(%arg11 : memref<128x64xi32, #tpu.memory_space<vmem>>) target_semaphore(%arg15 : memref<!tpu.dma_semaphore, #tpu.memory_space<semaphore_mem>>)
        } else {
        }
        %run_scoped3A = arith.constant 1 : i32
        %run_scoped3A_89 = arith.constant 0 : i32
        "tpu.region"() ({
          %run_scoped3A_90 = tpu.sem_alloc : memref<!tpu.dma_semaphore, #tpu.memory_space<semaphore_mem>>
          %dma_start3A_91 = arith.constant 0 : i32
          %dma_start3A_92 = tpu.memref_slice %arg8[%run_scoped3A, %run_scoped3A_89, %dma_start3A_91] : memref<2x1x128xi32, #tpu.memory_space<vmem>> -> memref<1x1x128xi32, #tpu.memory_space<vmem>>
          %dma_start3A_93 = tpu.memref_squeeze %dma_start3A_92 : memref<1x1x128xi32, #tpu.memory_space<vmem>> -> memref<128xi32, #tpu.memory_space<vmem>>
          %dma_start3A_94 = arith.constant 0 : i32
          %dma_start3A_95 = arith.constant 0 : i32
          %dma_start3A_96 = tpu.memref_slice %arg12[%dma_start3A_94, %dma_start3A_95] : memref<10000x128xf32, #tpu.memory_space<vmem_shared>> -> memref<10000x128xf32, #tpu.memory_space<vmem_shared>>
          tpu.enqueue_indirect_dma source(%arg10 : memref<128x128xf32, #tpu.memory_space<vmem>>) target(%dma_start3A_96 : memref<10000x128xf32, #tpu.memory_space<vmem_shared>>) offsets(%dma_start3A_93 : memref<128xi32, #tpu.memory_space<vmem>>) semaphore(%run_scoped3A_90 : memref<!tpu.dma_semaphore, #tpu.memory_space<semaphore_mem>>) {add = true}
          %dma_wait3A_97 = arith.constant 0 : i32
          %dma_wait3A_98 = tpu.memref_slice %arg8[%run_scoped3A, %run_scoped3A_89, %dma_wait3A_97] : memref<2x1x128xi32, #tpu.memory_space<vmem>> -> memref<1x1x128xi32, #tpu.memory_space<vmem>>
          %dma_wait3A_99 = tpu.memref_squeeze %dma_wait3A_98 : memref<1x1x128xi32, #tpu.memory_space<vmem>> -> memref<128xi32, #tpu.memory_space<vmem>>
          %dma_wait3A_100 = arith.constant 0 : i32
          %dma_wait3A_101 = arith.constant 0 : i32
          %dma_wait3A_102 = tpu.memref_slice %arg12[%dma_wait3A_100, %dma_wait3A_101] : memref<10000x128xf32, #tpu.memory_space<vmem_shared>> -> memref<10000x128xf32, #tpu.memory_space<vmem_shared>>
          tpu.wait_indirect_dma semaphore(%run_scoped3A_90 : memref<!tpu.dma_semaphore, #tpu.memory_space<semaphore_mem>>) src(%arg10 : memref<128x128xf32, #tpu.memory_space<vmem>>) dst(%dma_wait3A_102 : memref<10000x128xf32, #tpu.memory_space<vmem_shared>>)
          tpu.yield
        }) : () -> ()
      } else {
      }
    }
    %scan3A_23 = arith.constant 20 : i32
    %barrier3A_24 = arith.constant 0 : index
    tpu.barrier barrier_id(%barrier3A_24)
    "tpu.region"() ({
      %run_scoped3A = tpu.sem_alloc : memref<!tpu.dma_semaphore, #tpu.memory_space<semaphore_mem>>
      %dma_start3A_30 = arith.constant 0 : i32
      %dma_start3A_31 = arith.constant 0 : i32
      %dma_start3A_32 = tpu.memref_slice %arg6[%arg0, %dma_start3A_30, %dma_start3A_31] : memref<2x10000x128xf32, #tpu.memory_space<hbm>> -> memref<1x10000x128xf32, #tpu.memory_space<hbm>>
      %dma_start3A_33 = tpu.memref_squeeze %dma_start3A_32 : memref<1x10000x128xf32, #tpu.memory_space<hbm>> -> memref<10000x128xf32, #tpu.memory_space<hbm>>
      %dma_start3A_34 = arith.constant 0 : i32
      %dma_start3A_35 = tpu.memref_slice %dma_start3A_33[%mul3A_2, %dma_start3A_34] : memref<10000x128xf32, #tpu.memory_space<hbm>> -> memref<624x128xf32, #tpu.memory_space<hbm>>
      %dma_start3A_36 = arith.constant 0 : i32
      %dma_start3A_37 = tpu.memref_slice %arg12[%mul3A_2, %dma_start3A_36] : memref<10000x128xf32, #tpu.memory_space<vmem_shared>> -> memref<624x128xf32, #tpu.memory_space<vmem_shared>>
      tpu.enqueue_dma source(%dma_start3A_37 : memref<624x128xf32, #tpu.memory_space<vmem_shared>>) target(%dma_start3A_35 : memref<624x128xf32, #tpu.memory_space<hbm>>) target_semaphore(%run_scoped3A : memref<!tpu.dma_semaphore, #tpu.memory_space<semaphore_mem>>)
      %dma_wait3A = arith.constant 0 : i32
      %dma_wait3A_38 = arith.constant 0 : i32
      %dma_wait3A_39 = tpu.memref_slice %arg6[%arg0, %dma_wait3A, %dma_wait3A_38] : memref<2x10000x128xf32, #tpu.memory_space<hbm>> -> memref<1x10000x128xf32, #tpu.memory_space<hbm>>
      %dma_wait3A_40 = tpu.memref_squeeze %dma_wait3A_39 : memref<1x10000x128xf32, #tpu.memory_space<hbm>> -> memref<10000x128xf32, #tpu.memory_space<hbm>>
      %dma_wait3A_41 = arith.constant 0 : i32
      %dma_wait3A_42 = tpu.memref_slice %dma_wait3A_40[%mul3A_2, %dma_wait3A_41] : memref<10000x128xf32, #tpu.memory_space<hbm>> -> memref<624x128xf32, #tpu.memory_space<hbm>>
      %dma_wait3A_43 = arith.constant 0 : i32
      %dma_wait3A_44 = tpu.memref_slice %arg12[%mul3A_2, %dma_wait3A_43] : memref<10000x128xf32, #tpu.memory_space<vmem_shared>> -> memref<624x128xf32, #tpu.memory_space<vmem_shared>>
      tpu.wait_dma2 semaphore(%run_scoped3A : memref<!tpu.dma_semaphore, #tpu.memory_space<semaphore_mem>>) src(%dma_wait3A_44 : memref<624x128xf32, #tpu.memory_space<vmem_shared>>) dst(%dma_wait3A_42 : memref<624x128xf32, #tpu.memory_space<hbm>>)
      tpu.yield
    }) : () -> ()
    %eq3A_25 = arith.constant 15 : i32
    %eq3A_26 = arith.cmpi eq, %arg1, %eq3A_25 : i32
    %convert_element_type3A_27 = arith.extui %eq3A_26 : i1 to i32
    %cond3A_28 = arith.constant 0 : i32
    %cond3A_29 = arith.cmpi ne, %convert_element_type3A_27, %cond3A_28 : i32
    scf.if %cond3A_29 {
      "tpu.region"() ({
        %run_scoped3A = tpu.sem_alloc : memref<!tpu.dma_semaphore, #tpu.memory_space<semaphore_mem>>
        %dma_start3A_30 = arith.constant 0 : i32
        %dma_start3A_31 = arith.constant 0 : i32
        %dma_start3A_32 = tpu.memref_slice %arg6[%arg0, %dma_start3A_30, %dma_start3A_31] : memref<2x10000x128xf32, #tpu.memory_space<hbm>> -> memref<1x10000x128xf32, #tpu.memory_space<hbm>>
        %dma_start3A_33 = tpu.memref_squeeze %dma_start3A_32 : memref<1x10000x128xf32, #tpu.memory_space<hbm>> -> memref<10000x128xf32, #tpu.memory_space<hbm>>
        %dma_start3A_34 = arith.constant 9984 : i32
        %dma_start3A_35 = arith.constant 0 : i32
        %dma_start3A_36 = tpu.memref_slice %dma_start3A_33[%dma_start3A_34, %dma_start3A_35] : memref<10000x128xf32, #tpu.memory_space<hbm>> -> memref<16x128xf32, #tpu.memory_space<hbm>>
        %dma_start3A_37 = arith.constant 9984 : i32
        %dma_start3A_38 = arith.constant 0 : i32
        %dma_start3A_39 = tpu.memref_slice %arg12[%dma_start3A_37, %dma_start3A_38] : memref<10000x128xf32, #tpu.memory_space<vmem_shared>> -> memref<16x128xf32, #tpu.memory_space<vmem_shared>>
        tpu.enqueue_dma source(%dma_start3A_39 : memref<16x128xf32, #tpu.memory_space<vmem_shared>>) target(%dma_start3A_36 : memref<16x128xf32, #tpu.memory_space<hbm>>) target_semaphore(%run_scoped3A : memref<!tpu.dma_semaphore, #tpu.memory_space<semaphore_mem>>)
        %dma_wait3A = arith.constant 0 : i32
        %dma_wait3A_40 = arith.constant 0 : i32
        %dma_wait3A_41 = tpu.memref_slice %arg6[%arg0, %dma_wait3A, %dma_wait3A_40] : memref<2x10000x128xf32, #tpu.memory_space<hbm>> -> memref<1x10000x128xf32, #tpu.memory_space<hbm>>
        %dma_wait3A_42 = tpu.memref_squeeze %dma_wait3A_41 : memref<1x10000x128xf32, #tpu.memory_space<hbm>> -> memref<10000x128xf32, #tpu.memory_space<hbm>>
        %dma_wait3A_43 = arith.constant 9984 : i32
        %dma_wait3A_44 = arith.constant 0 : i32
        %dma_wait3A_45 = tpu.memref_slice %dma_wait3A_42[%dma_wait3A_43, %dma_wait3A_44] : memref<10000x128xf32, #tpu.memory_space<hbm>> -> memref<16x128xf32, #tpu.memory_space<hbm>>
        %dma_wait3A_46 = arith.constant 9984 : i32
        %dma_wait3A_47 = arith.constant 0 : i32
        %dma_wait3A_48 = tpu.memref_slice %arg12[%dma_wait3A_46, %dma_wait3A_47] : memref<10000x128xf32, #tpu.memory_space<vmem_shared>> -> memref<16x128xf32, #tpu.memory_space<vmem_shared>>
        tpu.wait_dma2 semaphore(%run_scoped3A : memref<!tpu.dma_semaphore, #tpu.memory_space<semaphore_mem>>) src(%dma_wait3A_48 : memref<16x128xf32, #tpu.memory_space<vmem_shared>>) dst(%dma_wait3A_45 : memref<16x128xf32, #tpu.memory_space<hbm>>)
        tpu.yield
      }) : () -> ()
    } else {
    }
    return
  }
}

module attributes {stable_mosaic.version = 14 : i64} {
  func.func @_h_body(%arg0: i32, %arg1: memref<1000x128xf32, #tpu.memory_space<vmem>>, %arg2: memref<128x128xf32, #tpu.memory_space<vmem>>, %arg3: memref<1x128xf32, #tpu.memory_space<vmem>>, %arg4: memref<1000x128xf32, #tpu.memory_space<vmem>>) attributes {dimension_semantics = [#tpu.dimension_semantics<arbitrary>], iteration_bounds = array<i64: 10>, scalar_prefetch = 0 : i64, scratch_operands = 0 : i64, tpu.core_type = #tpu.core_type<tc>, window_params = [{transform_indices = @transform_0, window_bounds = array<i64: 1000, 128>}, {pipeline_mode = #tpu.pipeline_mode<synchronous>, transform_indices = @transform_1, window_bounds = array<i64: 128, 128>}, {pipeline_mode = #tpu.pipeline_mode<synchronous>, transform_indices = @transform_2, window_bounds = array<i64: 1, 128>}, {transform_indices = @transform_3, window_bounds = array<i64: 1000, 128>}]} {
    %get3A = arith.constant 0 : index
    %get3A_0 = arith.constant 0 : index
    %get3A_1 = vector.load %arg1[%get3A, %get3A_0] : memref<1000x128xf32, #tpu.memory_space<vmem>>, vector<1000x128xf32>
    %get3A_2 = arith.constant 0 : index
    %get3A_3 = arith.constant 0 : index
    %get3A_4 = vector.load %arg2[%get3A_2, %get3A_3] : memref<128x128xf32, #tpu.memory_space<vmem>>, vector<128x128xf32>
    %dot_general3A = arith.constant dense<0.000000e+00> : vector<1000x128xf32>
    %dot_general3A_5 = tpu.matmul %get3A_1, %get3A_4, %dot_general3A {dimension_numbers = #tpu.dot_dimension_numbers<[1], [0], [0], [1], [0, 0, 1, 1], [], []>, transpose_lhs_hint = false} : vector<1000x128xf32>, vector<128x128xf32>, vector<1000x128xf32> -> vector<1000x128xf32>
    %get3A_6 = arith.constant 0 : index
    %get3A_7 = arith.constant 0 : index
    %get3A_8 = vector.load %arg3[%get3A_6, %get3A_7] : memref<1x128xf32, #tpu.memory_space<vmem>>, vector<1x128xf32>
    %add3A = vector.broadcast %get3A_8 : vector<1x128xf32> to vector<1000x128xf32>
    %add3A_9 = arith.addf %dot_general3A_5, %add3A : vector<1000x128xf32>
    %swap3A = arith.constant 0 : index
    %swap3A_10 = arith.constant 0 : index
    %swap3A_11 = vector.load %arg4[%swap3A, %swap3A_10] : memref<1000x128xf32, #tpu.memory_space<vmem>>, vector<1000x128xf32>
    tpu.vector_store %arg4[%swap3A, %swap3A_10], %add3A_9 {strides = array<i32>} : memref<1000x128xf32, #tpu.memory_space<vmem>>, vector<1000x128xf32>,
    return
  }
  func.func @transform_0(%arg0: i32) -> (i32, i32) {
    %c0_i32 = arith.constant 0 : i32
    %c0_i32_0 = arith.constant 0 : i32
    return %arg0, %c0_i32 : i32, i32
  }
  func.func @transform_1(%arg0: i32) -> (i32, i32) {
    %c0_i32 = arith.constant 0 : i32
    %c0_i32_0 = arith.constant 0 : i32
    %c0_i32_1 = arith.constant 0 : i32
    return %c0_i32, %c0_i32_0 : i32, i32
  }
  func.func @transform_2(%arg0: i32) -> (i32, i32) {
    %c0_i32 = arith.constant 0 : i32
    %c0_i32_0 = arith.constant 0 : i32
    %c0_i32_1 = arith.constant 0 : i32
    return %c0_i32, %c0_i32_0 : i32, i32
  }
  func.func @transform_3(%arg0: i32) -> (i32, i32) {
    %c0_i32 = arith.constant 0 : i32
    %c0_i32_0 = arith.constant 0 : i32
    return %arg0, %c0_i32 : i32, i32
  }
}

module attributes {stable_mosaic.version = 14 : i64} {
  func.func @_filters_body(%arg0: i32, %arg1: memref<8x256xf32, #tpu.memory_space<vmem>>, %arg2: memref<128x50xbf16, #tpu.memory_space<vmem>>, %arg3: memref<128x1xf32, #tpu.memory_space<vmem>>, %arg4: memref<128x128xf32, #tpu.memory_space<vmem>>, %arg5: memref<1x128xf32, #tpu.memory_space<vmem>>, %arg6: memref<2048x64xi32, #tpu.memory_space<vmem>>) attributes {dimension_semantics = [#tpu.dimension_semantics<arbitrary>], iteration_bounds = array<i64: 79>, scalar_prefetch = 0 : i64, scratch_operands = 0 : i64, tpu.core_type = #tpu.core_type<tc>, window_params = [{transform_indices = @transform_0, window_bounds = array<i64: 8, 256>}, {pipeline_mode = #tpu.pipeline_mode<synchronous>, transform_indices = @transform_1, window_bounds = array<i64: 128, 50>}, {pipeline_mode = #tpu.pipeline_mode<synchronous>, transform_indices = @transform_2, window_bounds = array<i64: 128, 1>}, {pipeline_mode = #tpu.pipeline_mode<synchronous>, transform_indices = @transform_3, window_bounds = array<i64: 128, 128>}, {pipeline_mode = #tpu.pipeline_mode<synchronous>, transform_indices = @transform_4, window_bounds = array<i64: 1, 128>}, {transform_indices = @transform_5, window_bounds = array<i64: 2048, 64>}]} {
    %iota3A = tpu.iota {dimensions = array<i32: 0>} : vector<50x1xi32>
    %convert_element_type3A = arith.sitofp %iota3A : vector<50x1xi32> to vector<50x1xf32>
    %mul3A = arith.constant 0.20408164 : f32
    %mul3A_0 = vector.broadcast %mul3A : f32 to vector<50x1xf32>
    %mul3A_1 = arith.mulf %convert_element_type3A, %mul3A_0 : vector<50x1xf32>
    %get3A = arith.constant 0 : index
    %get3A_2 = arith.constant 0 : index
    %get3A_3 = vector.load %arg1[%get3A, %get3A_2] : memref<8x256xf32, #tpu.memory_space<vmem>>, vector<1x256xf32>
    %sub3A = vector.broadcast %get3A_3 : vector<1x256xf32> to vector<50x256xf32>
    %sub3A_4 = vector.broadcast %mul3A_1 : vector<50x1xf32> to vector<50x256xf32>
    %sub3A_5 = arith.subf %sub3A, %sub3A_4 : vector<50x256xf32>
    %integer_pow3A = arith.mulf %sub3A_5, %sub3A_5 : vector<50x256xf32>
    %mul3A_6 = arith.constant -1.200500e+01 : f32
    %mul3A_7 = vector.broadcast %mul3A_6 : f32 to vector<50x256xf32>
    %mul3A_8 = arith.mulf %mul3A_7, %integer_pow3A : vector<50x256xf32>
    %exp3A = math.exp %mul3A_8 : vector<50x256xf32>
    %convert_element_type3A_9 = arith.truncf %exp3A : vector<50x256xf32> to vector<50x256xbf16>
    %get3A_10 = arith.constant 0 : index
    %get3A_11 = arith.constant 0 : index
    %get3A_12 = vector.load %arg2[%get3A_10, %get3A_11] : memref<128x50xbf16, #tpu.memory_space<vmem>>, vector<128x50xbf16>
    %dot_general3A = arith.constant dense<0.000000e+00> : vector<128x256xf32>
    %dot_general3A_13 = tpu.matmul %get3A_12, %convert_element_type3A_9, %dot_general3A {dimension_numbers = #tpu.dot_dimension_numbers<[1], [0], [0], [1], [0, 0, 1, 1], [], []>, transpose_lhs_hint = false} : vector<128x50xbf16>, vector<50x256xbf16>, vector<128x256xf32> -> vector<128x256xf32>
    %get3A_14 = arith.constant 0 : index
    %get3A_15 = arith.constant 0 : index
    %get3A_16 = vector.load %arg3[%get3A_14, %get3A_15] : memref<128x1xf32, #tpu.memory_space<vmem>>, vector<128x1xf32>
    %add3A = vector.broadcast %get3A_16 : vector<128x1xf32> to vector<128x256xf32>
    %add3A_17 = arith.addf %dot_general3A_13, %add3A : vector<128x256xf32>
    %exp3A_18 = math.exp %add3A_17 : vector<128x256xf32>
    %add3A_19 = arith.constant 1.000000e+00 : f32
    %add3A_20 = vector.broadcast %add3A_19 : f32 to vector<128x256xf32>
    %add3A_21 = arith.addf %add3A_20, %exp3A_18 : vector<128x256xf32>
    %log3A = math.log %add3A_21 : vector<128x256xf32>
    %sub3A_22 = arith.constant 0.693147182 : f32
    %sub3A_23 = vector.broadcast %sub3A_22 : f32 to vector<128x256xf32>
    %sub3A_24 = arith.subf %log3A, %sub3A_23 : vector<128x256xf32>
    %get3A_25 = arith.constant 0 : index
    %get3A_26 = arith.constant 0 : index
    %get3A_27 = vector.load %arg4[%get3A_25, %get3A_26] : memref<128x128xf32, #tpu.memory_space<vmem>>, vector<128x128xf32>
    %dot_general3A_28 = arith.constant dense<0.000000e+00> : vector<256x128xf32>
    %dot_general3A_29 = tpu.matmul %sub3A_24, %get3A_27, %dot_general3A_28 {dimension_numbers = #tpu.dot_dimension_numbers<[0], [0], [1], [1], [0, 1, 1, 1], [], []>, transpose_lhs_hint = false} : vector<128x256xf32>, vector<128x128xf32>, vector<256x128xf32> -> vector<256x128xf32>
    %get3A_30 = arith.constant 0 : index
    %get3A_31 = arith.constant 0 : index
    %get3A_32 = vector.load %arg5[%get3A_30, %get3A_31] : memref<1x128xf32, #tpu.memory_space<vmem>>, vector<1x128xf32>
    %add3A_33 = vector.broadcast %get3A_32 : vector<1x128xf32> to vector<256x128xf32>
    %add3A_34 = arith.addf %dot_general3A_29, %add3A_33 : vector<256x128xf32>
    %bitcast_convert_type3A = tpu.bitcast %add3A_34 : vector<256x128xf32> -> vector<256x128xi32>
    %add3A_35 = arith.constant 32768 : i32
    %add3A_36 = vector.broadcast %add3A_35 : i32 to vector<256x128xi32>
    %add3A_37 = arith.addi %bitcast_convert_type3A, %add3A_36 : vector<256x128xi32>
    %slice3A = vector.extract_strided_slice %add3A_37 {offsets = [0, 0], sizes = [256, 64], strides = [1, 1]} : vector<256x128xi32> to vector<256x64xi32>
    %shift_right_arithmetic3A = arith.constant 16 : i32
    %shift_right_arithmetic3A_38 = vector.broadcast %shift_right_arithmetic3A : i32 to vector<256x64xi32>
    %shift_right_arithmetic3A_39 = arith.shrsi %slice3A, %shift_right_arithmetic3A_38 : vector<256x64xi32>
    %and3A = arith.constant 65535 : i32
    %and3A_40 = vector.broadcast %and3A : i32 to vector<256x64xi32>
    %and3A_41 = arith.andi %shift_right_arithmetic3A_39, %and3A_40 : vector<256x64xi32>
    %slice3A_42 = vector.extract_strided_slice %add3A_37 {offsets = [0, 64], sizes = [256, 64], strides = [1, 1]} : vector<256x128xi32> to vector<256x64xi32>
    %and3A_43 = arith.constant -65536 : i32
    %and3A_44 = vector.broadcast %and3A_43 : i32 to vector<256x64xi32>
    %and3A_45 = arith.andi %slice3A_42, %and3A_44 : vector<256x64xi32>
    %or3A = arith.ori %and3A_41, %and3A_45 : vector<256x64xi32>
    %swap3A = arith.constant 0 : index
    %swap3A_46 = arith.constant 0 : index
    %swap3A_47 = vector.load %arg6[%swap3A, %swap3A_46] : memref<2048x64xi32, #tpu.memory_space<vmem>>, vector<256x64xi32>
    tpu.vector_store %arg6[%swap3A, %swap3A_46], %or3A {strides = array<i32>} : memref<2048x64xi32, #tpu.memory_space<vmem>>, vector<256x64xi32>,
    %get3A_48 = arith.constant 1 : index
    %get3A_49 = arith.constant 0 : index
    %get3A_50 = vector.load %arg1[%get3A_48, %get3A_49] : memref<8x256xf32, #tpu.memory_space<vmem>>, vector<1x256xf32>
    %sub3A_51 = vector.broadcast %get3A_50 : vector<1x256xf32> to vector<50x256xf32>
    %sub3A_52 = vector.broadcast %mul3A_1 : vector<50x1xf32> to vector<50x256xf32>
    %sub3A_53 = arith.subf %sub3A_51, %sub3A_52 : vector<50x256xf32>
    %integer_pow3A_54 = arith.mulf %sub3A_53, %sub3A_53 : vector<50x256xf32>
    %mul3A_55 = arith.constant -1.200500e+01 : f32
    %mul3A_56 = vector.broadcast %mul3A_55 : f32 to vector<50x256xf32>
    %mul3A_57 = arith.mulf %mul3A_56, %integer_pow3A_54 : vector<50x256xf32>
    %exp3A_58 = math.exp %mul3A_57 : vector<50x256xf32>
    %convert_element_type3A_59 = arith.truncf %exp3A_58 : vector<50x256xf32> to vector<50x256xbf16>
    %get3A_60 = arith.constant 0 : index
    %get3A_61 = arith.constant 0 : index
    %get3A_62 = vector.load %arg2[%get3A_60, %get3A_61] : memref<128x50xbf16, #tpu.memory_space<vmem>>, vector<128x50xbf16>
    %dot_general3A_63 = arith.constant dense<0.000000e+00> : vector<128x256xf32>
    %dot_general3A_64 = tpu.matmul %get3A_62, %convert_element_type3A_59, %dot_general3A_63 {dimension_numbers = #tpu.dot_dimension_numbers<[1], [0], [0], [1], [0, 0, 1, 1], [], []>, transpose_lhs_hint = false} : vector<128x50xbf16>, vector<50x256xbf16>, vector<128x256xf32> -> vector<128x256xf32>
    %get3A_65 = arith.constant 0 : index
    %get3A_66 = arith.constant 0 : index
    %get3A_67 = vector.load %arg3[%get3A_65, %get3A_66] : memref<128x1xf32, #tpu.memory_space<vmem>>, vector<128x1xf32>
    %add3A_68 = vector.broadcast %get3A_67 : vector<128x1xf32> to vector<128x256xf32>
    %add3A_69 = arith.addf %dot_general3A_64, %add3A_68 : vector<128x256xf32>
    %exp3A_70 = math.exp %add3A_69 : vector<128x256xf32>
    %add3A_71 = arith.constant 1.000000e+00 : f32
    %add3A_72 = vector.broadcast %add3A_71 : f32 to vector<128x256xf32>
    %add3A_73 = arith.addf %add3A_72, %exp3A_70 : vector<128x256xf32>
    %log3A_74 = math.log %add3A_73 : vector<128x256xf32>
    %sub3A_75 = arith.constant 0.693147182 : f32
    %sub3A_76 = vector.broadcast %sub3A_75 : f32 to vector<128x256xf32>
    %sub3A_77 = arith.subf %log3A_74, %sub3A_76 : vector<128x256xf32>
    %get3A_78 = arith.constant 0 : index
    %get3A_79 = arith.constant 0 : index
    %get3A_80 = vector.load %arg4[%get3A_78, %get3A_79] : memref<128x128xf32, #tpu.memory_space<vmem>>, vector<128x128xf32>
    %dot_general3A_81 = arith.constant dense<0.000000e+00> : vector<256x128xf32>
    %dot_general3A_82 = tpu.matmul %sub3A_77, %get3A_80, %dot_general3A_81 {dimension_numbers = #tpu.dot_dimension_numbers<[0], [0], [1], [1], [0, 1, 1, 1], [], []>, transpose_lhs_hint = false} : vector<128x256xf32>, vector<128x128xf32>, vector<256x128xf32> -> vector<256x128xf32>
    %get3A_83 = arith.constant 0 : index
    %get3A_84 = arith.constant 0 : index
    %get3A_85 = vector.load %arg5[%get3A_83, %get3A_84] : memref<1x128xf32, #tpu.memory_space<vmem>>, vector<1x128xf32>
    %add3A_86 = vector.broadcast %get3A_85 : vector<1x128xf32> to vector<256x128xf32>
    %add3A_87 = arith.addf %dot_general3A_82, %add3A_86 : vector<256x128xf32>
    %bitcast_convert_type3A_88 = tpu.bitcast %add3A_87 : vector<256x128xf32> -> vector<256x128xi32>
    %add3A_89 = arith.constant 32768 : i32
    %add3A_90 = vector.broadcast %add3A_89 : i32 to vector<256x128xi32>
    %add3A_91 = arith.addi %bitcast_convert_type3A_88, %add3A_90 : vector<256x128xi32>
    %slice3A_92 = vector.extract_strided_slice %add3A_91 {offsets = [0, 0], sizes = [256, 64], strides = [1, 1]} : vector<256x128xi32> to vector<256x64xi32>
    %shift_right_arithmetic3A_93 = arith.constant 16 : i32
    %shift_right_arithmetic3A_94 = vector.broadcast %shift_right_arithmetic3A_93 : i32 to vector<256x64xi32>
    %shift_right_arithmetic3A_95 = arith.shrsi %slice3A_92, %shift_right_arithmetic3A_94 : vector<256x64xi32>
    %and3A_96 = arith.constant 65535 : i32
    %and3A_97 = vector.broadcast %and3A_96 : i32 to vector<256x64xi32>
    %and3A_98 = arith.andi %shift_right_arithmetic3A_95, %and3A_97 : vector<256x64xi32>
    %slice3A_99 = vector.extract_strided_slice %add3A_91 {offsets = [0, 64], sizes = [256, 64], strides = [1, 1]} : vector<256x128xi32> to vector<256x64xi32>
    %and3A_100 = arith.constant -65536 : i32
    %and3A_101 = vector.broadcast %and3A_100 : i32 to vector<256x64xi32>
    %and3A_102 = arith.andi %slice3A_99, %and3A_101 : vector<256x64xi32>
    %or3A_103 = arith.ori %and3A_98, %and3A_102 : vector<256x64xi32>
    %swap3A_104 = arith.constant 256 : index
    %swap3A_105 = arith.constant 0 : index
    %swap3A_106 = vector.load %arg6[%swap3A_104, %swap3A_105] : memref<2048x64xi32, #tpu.memory_space<vmem>>, vector<256x64xi32>
    tpu.vector_store %arg6[%swap3A_104, %swap3A_105], %or3A_103 {strides = array<i32>} : memref<2048x64xi32, #tpu.memory_space<vmem>>, vector<256x64xi32>,
    %get3A_107 = arith.constant 2 : index
    %get3A_108 = arith.constant 0 : index
    %get3A_109 = vector.load %arg1[%get3A_107, %get3A_108] : memref<8x256xf32, #tpu.memory_space<vmem>>, vector<1x256xf32>
    %sub3A_110 = vector.broadcast %get3A_109 : vector<1x256xf32> to vector<50x256xf32>
    %sub3A_111 = vector.broadcast %mul3A_1 : vector<50x1xf32> to vector<50x256xf32>
    %sub3A_112 = arith.subf %sub3A_110, %sub3A_111 : vector<50x256xf32>
    %integer_pow3A_113 = arith.mulf %sub3A_112, %sub3A_112 : vector<50x256xf32>
    %mul3A_114 = arith.constant -1.200500e+01 : f32
    %mul3A_115 = vector.broadcast %mul3A_114 : f32 to vector<50x256xf32>
    %mul3A_116 = arith.mulf %mul3A_115, %integer_pow3A_113 : vector<50x256xf32>
    %exp3A_117 = math.exp %mul3A_116 : vector<50x256xf32>
    %convert_element_type3A_118 = arith.truncf %exp3A_117 : vector<50x256xf32> to vector<50x256xbf16>
    %get3A_119 = arith.constant 0 : index
    %get3A_120 = arith.constant 0 : index
    %get3A_121 = vector.load %arg2[%get3A_119, %get3A_120] : memref<128x50xbf16, #tpu.memory_space<vmem>>, vector<128x50xbf16>
    %dot_general3A_122 = arith.constant dense<0.000000e+00> : vector<128x256xf32>
    %dot_general3A_123 = tpu.matmul %get3A_121, %convert_element_type3A_118, %dot_general3A_122 {dimension_numbers = #tpu.dot_dimension_numbers<[1], [0], [0], [1], [0, 0, 1, 1], [], []>, transpose_lhs_hint = false} : vector<128x50xbf16>, vector<50x256xbf16>, vector<128x256xf32> -> vector<128x256xf32>
    %get3A_124 = arith.constant 0 : index
    %get3A_125 = arith.constant 0 : index
    %get3A_126 = vector.load %arg3[%get3A_124, %get3A_125] : memref<128x1xf32, #tpu.memory_space<vmem>>, vector<128x1xf32>
    %add3A_127 = vector.broadcast %get3A_126 : vector<128x1xf32> to vector<128x256xf32>
    %add3A_128 = arith.addf %dot_general3A_123, %add3A_127 : vector<128x256xf32>
    %exp3A_129 = math.exp %add3A_128 : vector<128x256xf32>
    %add3A_130 = arith.constant 1.000000e+00 : f32
    %add3A_131 = vector.broadcast %add3A_130 : f32 to vector<128x256xf32>
    %add3A_132 = arith.addf %add3A_131, %exp3A_129 : vector<128x256xf32>
    %log3A_133 = math.log %add3A_132 : vector<128x256xf32>
    %sub3A_134 = arith.constant 0.693147182 : f32
    %sub3A_135 = vector.broadcast %sub3A_134 : f32 to vector<128x256xf32>
    %sub3A_136 = arith.subf %log3A_133, %sub3A_135 : vector<128x256xf32>
    %get3A_137 = arith.constant 0 : index
    %get3A_138 = arith.constant 0 : index
    %get3A_139 = vector.load %arg4[%get3A_137, %get3A_138] : memref<128x128xf32, #tpu.memory_space<vmem>>, vector<128x128xf32>
    %dot_general3A_140 = arith.constant dense<0.000000e+00> : vector<256x128xf32>
    %dot_general3A_141 = tpu.matmul %sub3A_136, %get3A_139, %dot_general3A_140 {dimension_numbers = #tpu.dot_dimension_numbers<[0], [0], [1], [1], [0, 1, 1, 1], [], []>, transpose_lhs_hint = false} : vector<128x256xf32>, vector<128x128xf32>, vector<256x128xf32> -> vector<256x128xf32>
    %get3A_142 = arith.constant 0 : index
    %get3A_143 = arith.constant 0 : index
    %get3A_144 = vector.load %arg5[%get3A_142, %get3A_143] : memref<1x128xf32, #tpu.memory_space<vmem>>, vector<1x128xf32>
    %add3A_145 = vector.broadcast %get3A_144 : vector<1x128xf32> to vector<256x128xf32>
    %add3A_146 = arith.addf %dot_general3A_141, %add3A_145 : vector<256x128xf32>
    %bitcast_convert_type3A_147 = tpu.bitcast %add3A_146 : vector<256x128xf32> -> vector<256x128xi32>
    %add3A_148 = arith.constant 32768 : i32
    %add3A_149 = vector.broadcast %add3A_148 : i32 to vector<256x128xi32>
    %add3A_150 = arith.addi %bitcast_convert_type3A_147, %add3A_149 : vector<256x128xi32>
    %slice3A_151 = vector.extract_strided_slice %add3A_150 {offsets = [0, 0], sizes = [256, 64], strides = [1, 1]} : vector<256x128xi32> to vector<256x64xi32>
    %shift_right_arithmetic3A_152 = arith.constant 16 : i32
    %shift_right_arithmetic3A_153 = vector.broadcast %shift_right_arithmetic3A_152 : i32 to vector<256x64xi32>
    %shift_right_arithmetic3A_154 = arith.shrsi %slice3A_151, %shift_right_arithmetic3A_153 : vector<256x64xi32>
    %and3A_155 = arith.constant 65535 : i32
    %and3A_156 = vector.broadcast %and3A_155 : i32 to vector<256x64xi32>
    %and3A_157 = arith.andi %shift_right_arithmetic3A_154, %and3A_156 : vector<256x64xi32>
    %slice3A_158 = vector.extract_strided_slice %add3A_150 {offsets = [0, 64], sizes = [256, 64], strides = [1, 1]} : vector<256x128xi32> to vector<256x64xi32>
    %and3A_159 = arith.constant -65536 : i32
    %and3A_160 = vector.broadcast %and3A_159 : i32 to vector<256x64xi32>
    %and3A_161 = arith.andi %slice3A_158, %and3A_160 : vector<256x64xi32>
    %or3A_162 = arith.ori %and3A_157, %and3A_161 : vector<256x64xi32>
    %swap3A_163 = arith.constant 512 : index
    %swap3A_164 = arith.constant 0 : index
    %swap3A_165 = vector.load %arg6[%swap3A_163, %swap3A_164] : memref<2048x64xi32, #tpu.memory_space<vmem>>, vector<256x64xi32>
    tpu.vector_store %arg6[%swap3A_163, %swap3A_164], %or3A_162 {strides = array<i32>} : memref<2048x64xi32, #tpu.memory_space<vmem>>, vector<256x64xi32>,
    %get3A_166 = arith.constant 3 : index
    %get3A_167 = arith.constant 0 : index
    %get3A_168 = vector.load %arg1[%get3A_166, %get3A_167] : memref<8x256xf32, #tpu.memory_space<vmem>>, vector<1x256xf32>
    %sub3A_169 = vector.broadcast %get3A_168 : vector<1x256xf32> to vector<50x256xf32>
    %sub3A_170 = vector.broadcast %mul3A_1 : vector<50x1xf32> to vector<50x256xf32>
    %sub3A_171 = arith.subf %sub3A_169, %sub3A_170 : vector<50x256xf32>
    %integer_pow3A_172 = arith.mulf %sub3A_171, %sub3A_171 : vector<50x256xf32>
    %mul3A_173 = arith.constant -1.200500e+01 : f32
    %mul3A_174 = vector.broadcast %mul3A_173 : f32 to vector<50x256xf32>
    %mul3A_175 = arith.mulf %mul3A_174, %integer_pow3A_172 : vector<50x256xf32>
    %exp3A_176 = math.exp %mul3A_175 : vector<50x256xf32>
    %convert_element_type3A_177 = arith.truncf %exp3A_176 : vector<50x256xf32> to vector<50x256xbf16>
    %get3A_178 = arith.constant 0 : index
    %get3A_179 = arith.constant 0 : index
    %get3A_180 = vector.load %arg2[%get3A_178, %get3A_179] : memref<128x50xbf16, #tpu.memory_space<vmem>>, vector<128x50xbf16>
    %dot_general3A_181 = arith.constant dense<0.000000e+00> : vector<128x256xf32>
    %dot_general3A_182 = tpu.matmul %get3A_180, %convert_element_type3A_177, %dot_general3A_181 {dimension_numbers = #tpu.dot_dimension_numbers<[1], [0], [0], [1], [0, 0, 1, 1], [], []>, transpose_lhs_hint = false} : vector<128x50xbf16>, vector<50x256xbf16>, vector<128x256xf32> -> vector<128x256xf32>
    %get3A_183 = arith.constant 0 : index
    %get3A_184 = arith.constant 0 : index
    %get3A_185 = vector.load %arg3[%get3A_183, %get3A_184] : memref<128x1xf32, #tpu.memory_space<vmem>>, vector<128x1xf32>
    %add3A_186 = vector.broadcast %get3A_185 : vector<128x1xf32> to vector<128x256xf32>
    %add3A_187 = arith.addf %dot_general3A_182, %add3A_186 : vector<128x256xf32>
    %exp3A_188 = math.exp %add3A_187 : vector<128x256xf32>
    %add3A_189 = arith.constant 1.000000e+00 : f32
    %add3A_190 = vector.broadcast %add3A_189 : f32 to vector<128x256xf32>
    %add3A_191 = arith.addf %add3A_190, %exp3A_188 : vector<128x256xf32>
    %log3A_192 = math.log %add3A_191 : vector<128x256xf32>
    %sub3A_193 = arith.constant 0.693147182 : f32
    %sub3A_194 = vector.broadcast %sub3A_193 : f32 to vector<128x256xf32>
    %sub3A_195 = arith.subf %log3A_192, %sub3A_194 : vector<128x256xf32>
    %get3A_196 = arith.constant 0 : index
    %get3A_197 = arith.constant 0 : index
    %get3A_198 = vector.load %arg4[%get3A_196, %get3A_197] : memref<128x128xf32, #tpu.memory_space<vmem>>, vector<128x128xf32>
    %dot_general3A_199 = arith.constant dense<0.000000e+00> : vector<256x128xf32>
    %dot_general3A_200 = tpu.matmul %sub3A_195, %get3A_198, %dot_general3A_199 {dimension_numbers = #tpu.dot_dimension_numbers<[0], [0], [1], [1], [0, 1, 1, 1], [], []>, transpose_lhs_hint = false} : vector<128x256xf32>, vector<128x128xf32>, vector<256x128xf32> -> vector<256x128xf32>
    %get3A_201 = arith.constant 0 : index
    %get3A_202 = arith.constant 0 : index
    %get3A_203 = vector.load %arg5[%get3A_201, %get3A_202] : memref<1x128xf32, #tpu.memory_space<vmem>>, vector<1x128xf32>
    %add3A_204 = vector.broadcast %get3A_203 : vector<1x128xf32> to vector<256x128xf32>
    %add3A_205 = arith.addf %dot_general3A_200, %add3A_204 : vector<256x128xf32>
    %bitcast_convert_type3A_206 = tpu.bitcast %add3A_205 : vector<256x128xf32> -> vector<256x128xi32>
    %add3A_207 = arith.constant 32768 : i32
    %add3A_208 = vector.broadcast %add3A_207 : i32 to vector<256x128xi32>
    %add3A_209 = arith.addi %bitcast_convert_type3A_206, %add3A_208 : vector<256x128xi32>
    %slice3A_210 = vector.extract_strided_slice %add3A_209 {offsets = [0, 0], sizes = [256, 64], strides = [1, 1]} : vector<256x128xi32> to vector<256x64xi32>
    %shift_right_arithmetic3A_211 = arith.constant 16 : i32
    %shift_right_arithmetic3A_212 = vector.broadcast %shift_right_arithmetic3A_211 : i32 to vector<256x64xi32>
    %shift_right_arithmetic3A_213 = arith.shrsi %slice3A_210, %shift_right_arithmetic3A_212 : vector<256x64xi32>
    %and3A_214 = arith.constant 65535 : i32
    %and3A_215 = vector.broadcast %and3A_214 : i32 to vector<256x64xi32>
    %and3A_216 = arith.andi %shift_right_arithmetic3A_213, %and3A_215 : vector<256x64xi32>
    %slice3A_217 = vector.extract_strided_slice %add3A_209 {offsets = [0, 64], sizes = [256, 64], strides = [1, 1]} : vector<256x128xi32> to vector<256x64xi32>
    %and3A_218 = arith.constant -65536 : i32
    %and3A_219 = vector.broadcast %and3A_218 : i32 to vector<256x64xi32>
    %and3A_220 = arith.andi %slice3A_217, %and3A_219 : vector<256x64xi32>
    %or3A_221 = arith.ori %and3A_216, %and3A_220 : vector<256x64xi32>
    %swap3A_222 = arith.constant 768 : index
    %swap3A_223 = arith.constant 0 : index
    %swap3A_224 = vector.load %arg6[%swap3A_222, %swap3A_223] : memref<2048x64xi32, #tpu.memory_space<vmem>>, vector<256x64xi32>
    tpu.vector_store %arg6[%swap3A_222, %swap3A_223], %or3A_221 {strides = array<i32>} : memref<2048x64xi32, #tpu.memory_space<vmem>>, vector<256x64xi32>,
    %get3A_225 = arith.constant 4 : index
    %get3A_226 = arith.constant 0 : index
    %get3A_227 = vector.load %arg1[%get3A_225, %get3A_226] : memref<8x256xf32, #tpu.memory_space<vmem>>, vector<1x256xf32>
    %sub3A_228 = vector.broadcast %get3A_227 : vector<1x256xf32> to vector<50x256xf32>
    %sub3A_229 = vector.broadcast %mul3A_1 : vector<50x1xf32> to vector<50x256xf32>
    %sub3A_230 = arith.subf %sub3A_228, %sub3A_229 : vector<50x256xf32>
    %integer_pow3A_231 = arith.mulf %sub3A_230, %sub3A_230 : vector<50x256xf32>
    %mul3A_232 = arith.constant -1.200500e+01 : f32
    %mul3A_233 = vector.broadcast %mul3A_232 : f32 to vector<50x256xf32>
    %mul3A_234 = arith.mulf %mul3A_233, %integer_pow3A_231 : vector<50x256xf32>
    %exp3A_235 = math.exp %mul3A_234 : vector<50x256xf32>
    %convert_element_type3A_236 = arith.truncf %exp3A_235 : vector<50x256xf32> to vector<50x256xbf16>
    %get3A_237 = arith.constant 0 : index
    %get3A_238 = arith.constant 0 : index
    %get3A_239 = vector.load %arg2[%get3A_237, %get3A_238] : memref<128x50xbf16, #tpu.memory_space<vmem>>, vector<128x50xbf16>
    %dot_general3A_240 = arith.constant dense<0.000000e+00> : vector<128x256xf32>
    %dot_general3A_241 = tpu.matmul %get3A_239, %convert_element_type3A_236, %dot_general3A_240 {dimension_numbers = #tpu.dot_dimension_numbers<[1], [0], [0], [1], [0, 0, 1, 1], [], []>, transpose_lhs_hint = false} : vector<128x50xbf16>, vector<50x256xbf16>, vector<128x256xf32> -> vector<128x256xf32>
    %get3A_242 = arith.constant 0 : index
    %get3A_243 = arith.constant 0 : index
    %get3A_244 = vector.load %arg3[%get3A_242, %get3A_243] : memref<128x1xf32, #tpu.memory_space<vmem>>, vector<128x1xf32>
    %add3A_245 = vector.broadcast %get3A_244 : vector<128x1xf32> to vector<128x256xf32>
    %add3A_246 = arith.addf %dot_general3A_241, %add3A_245 : vector<128x256xf32>
    %exp3A_247 = math.exp %add3A_246 : vector<128x256xf32>
    %add3A_248 = arith.constant 1.000000e+00 : f32
    %add3A_249 = vector.broadcast %add3A_248 : f32 to vector<128x256xf32>
    %add3A_250 = arith.addf %add3A_249, %exp3A_247 : vector<128x256xf32>
    %log3A_251 = math.log %add3A_250 : vector<128x256xf32>
    %sub3A_252 = arith.constant 0.693147182 : f32
    %sub3A_253 = vector.broadcast %sub3A_252 : f32 to vector<128x256xf32>
    %sub3A_254 = arith.subf %log3A_251, %sub3A_253 : vector<128x256xf32>
    %get3A_255 = arith.constant 0 : index
    %get3A_256 = arith.constant 0 : index
    %get3A_257 = vector.load %arg4[%get3A_255, %get3A_256] : memref<128x128xf32, #tpu.memory_space<vmem>>, vector<128x128xf32>
    %dot_general3A_258 = arith.constant dense<0.000000e+00> : vector<256x128xf32>
    %dot_general3A_259 = tpu.matmul %sub3A_254, %get3A_257, %dot_general3A_258 {dimension_numbers = #tpu.dot_dimension_numbers<[0], [0], [1], [1], [0, 1, 1, 1], [], []>, transpose_lhs_hint = false} : vector<128x256xf32>, vector<128x128xf32>, vector<256x128xf32> -> vector<256x128xf32>
    %get3A_260 = arith.constant 0 : index
    %get3A_261 = arith.constant 0 : index
    %get3A_262 = vector.load %arg5[%get3A_260, %get3A_261] : memref<1x128xf32, #tpu.memory_space<vmem>>, vector<1x128xf32>
    %add3A_263 = vector.broadcast %get3A_262 : vector<1x128xf32> to vector<256x128xf32>
    %add3A_264 = arith.addf %dot_general3A_259, %add3A_263 : vector<256x128xf32>
    %bitcast_convert_type3A_265 = tpu.bitcast %add3A_264 : vector<256x128xf32> -> vector<256x128xi32>
    %add3A_266 = arith.constant 32768 : i32
    %add3A_267 = vector.broadcast %add3A_266 : i32 to vector<256x128xi32>
    %add3A_268 = arith.addi %bitcast_convert_type3A_265, %add3A_267 : vector<256x128xi32>
    %slice3A_269 = vector.extract_strided_slice %add3A_268 {offsets = [0, 0], sizes = [256, 64], strides = [1, 1]} : vector<256x128xi32> to vector<256x64xi32>
    %shift_right_arithmetic3A_270 = arith.constant 16 : i32
    %shift_right_arithmetic3A_271 = vector.broadcast %shift_right_arithmetic3A_270 : i32 to vector<256x64xi32>
    %shift_right_arithmetic3A_272 = arith.shrsi %slice3A_269, %shift_right_arithmetic3A_271 : vector<256x64xi32>
    %and3A_273 = arith.constant 65535 : i32
    %and3A_274 = vector.broadcast %and3A_273 : i32 to vector<256x64xi32>
    %and3A_275 = arith.andi %shift_right_arithmetic3A_272, %and3A_274 : vector<256x64xi32>
    %slice3A_276 = vector.extract_strided_slice %add3A_268 {offsets = [0, 64], sizes = [256, 64], strides = [1, 1]} : vector<256x128xi32> to vector<256x64xi32>
    %and3A_277 = arith.constant -65536 : i32
    %and3A_278 = vector.broadcast %and3A_277 : i32 to vector<256x64xi32>
    %and3A_279 = arith.andi %slice3A_276, %and3A_278 : vector<256x64xi32>
    %or3A_280 = arith.ori %and3A_275, %and3A_279 : vector<256x64xi32>
    %swap3A_281 = arith.constant 1024 : index
    %swap3A_282 = arith.constant 0 : index
    %swap3A_283 = vector.load %arg6[%swap3A_281, %swap3A_282] : memref<2048x64xi32, #tpu.memory_space<vmem>>, vector<256x64xi32>
    tpu.vector_store %arg6[%swap3A_281, %swap3A_282], %or3A_280 {strides = array<i32>} : memref<2048x64xi32, #tpu.memory_space<vmem>>, vector<256x64xi32>,
    %get3A_284 = arith.constant 5 : index
    %get3A_285 = arith.constant 0 : index
    %get3A_286 = vector.load %arg1[%get3A_284, %get3A_285] : memref<8x256xf32, #tpu.memory_space<vmem>>, vector<1x256xf32>
    %sub3A_287 = vector.broadcast %get3A_286 : vector<1x256xf32> to vector<50x256xf32>
    %sub3A_288 = vector.broadcast %mul3A_1 : vector<50x1xf32> to vector<50x256xf32>
    %sub3A_289 = arith.subf %sub3A_287, %sub3A_288 : vector<50x256xf32>
    %integer_pow3A_290 = arith.mulf %sub3A_289, %sub3A_289 : vector<50x256xf32>
    %mul3A_291 = arith.constant -1.200500e+01 : f32
    %mul3A_292 = vector.broadcast %mul3A_291 : f32 to vector<50x256xf32>
    %mul3A_293 = arith.mulf %mul3A_292, %integer_pow3A_290 : vector<50x256xf32>
    %exp3A_294 = math.exp %mul3A_293 : vector<50x256xf32>
    %convert_element_type3A_295 = arith.truncf %exp3A_294 : vector<50x256xf32> to vector<50x256xbf16>
    %get3A_296 = arith.constant 0 : index
    %get3A_297 = arith.constant 0 : index
    %get3A_298 = vector.load %arg2[%get3A_296, %get3A_297] : memref<128x50xbf16, #tpu.memory_space<vmem>>, vector<128x50xbf16>
    %dot_general3A_299 = arith.constant dense<0.000000e+00> : vector<128x256xf32>
    %dot_general3A_300 = tpu.matmul %get3A_298, %convert_element_type3A_295, %dot_general3A_299 {dimension_numbers = #tpu.dot_dimension_numbers<[1], [0], [0], [1], [0, 0, 1, 1], [], []>, transpose_lhs_hint = false} : vector<128x50xbf16>, vector<50x256xbf16>, vector<128x256xf32> -> vector<128x256xf32>
    %get3A_301 = arith.constant 0 : index
    %get3A_302 = arith.constant 0 : index
    %get3A_303 = vector.load %arg3[%get3A_301, %get3A_302] : memref<128x1xf32, #tpu.memory_space<vmem>>, vector<128x1xf32>
    %add3A_304 = vector.broadcast %get3A_303 : vector<128x1xf32> to vector<128x256xf32>
    %add3A_305 = arith.addf %dot_general3A_300, %add3A_304 : vector<128x256xf32>
    %exp3A_306 = math.exp %add3A_305 : vector<128x256xf32>
    %add3A_307 = arith.constant 1.000000e+00 : f32
    %add3A_308 = vector.broadcast %add3A_307 : f32 to vector<128x256xf32>
    %add3A_309 = arith.addf %add3A_308, %exp3A_306 : vector<128x256xf32>
    %log3A_310 = math.log %add3A_309 : vector<128x256xf32>
    %sub3A_311 = arith.constant 0.693147182 : f32
    %sub3A_312 = vector.broadcast %sub3A_311 : f32 to vector<128x256xf32>
    %sub3A_313 = arith.subf %log3A_310, %sub3A_312 : vector<128x256xf32>
    %get3A_314 = arith.constant 0 : index
    %get3A_315 = arith.constant 0 : index
    %get3A_316 = vector.load %arg4[%get3A_314, %get3A_315] : memref<128x128xf32, #tpu.memory_space<vmem>>, vector<128x128xf32>
    %dot_general3A_317 = arith.constant dense<0.000000e+00> : vector<256x128xf32>
    %dot_general3A_318 = tpu.matmul %sub3A_313, %get3A_316, %dot_general3A_317 {dimension_numbers = #tpu.dot_dimension_numbers<[0], [0], [1], [1], [0, 1, 1, 1], [], []>, transpose_lhs_hint = false} : vector<128x256xf32>, vector<128x128xf32>, vector<256x128xf32> -> vector<256x128xf32>
    %get3A_319 = arith.constant 0 : index
    %get3A_320 = arith.constant 0 : index
    %get3A_321 = vector.load %arg5[%get3A_319, %get3A_320] : memref<1x128xf32, #tpu.memory_space<vmem>>, vector<1x128xf32>
    %add3A_322 = vector.broadcast %get3A_321 : vector<1x128xf32> to vector<256x128xf32>
    %add3A_323 = arith.addf %dot_general3A_318, %add3A_322 : vector<256x128xf32>
    %bitcast_convert_type3A_324 = tpu.bitcast %add3A_323 : vector<256x128xf32> -> vector<256x128xi32>
    %add3A_325 = arith.constant 32768 : i32
    %add3A_326 = vector.broadcast %add3A_325 : i32 to vector<256x128xi32>
    %add3A_327 = arith.addi %bitcast_convert_type3A_324, %add3A_326 : vector<256x128xi32>
    %slice3A_328 = vector.extract_strided_slice %add3A_327 {offsets = [0, 0], sizes = [256, 64], strides = [1, 1]} : vector<256x128xi32> to vector<256x64xi32>
    %shift_right_arithmetic3A_329 = arith.constant 16 : i32
    %shift_right_arithmetic3A_330 = vector.broadcast %shift_right_arithmetic3A_329 : i32 to vector<256x64xi32>
    %shift_right_arithmetic3A_331 = arith.shrsi %slice3A_328, %shift_right_arithmetic3A_330 : vector<256x64xi32>
    %and3A_332 = arith.constant 65535 : i32
    %and3A_333 = vector.broadcast %and3A_332 : i32 to vector<256x64xi32>
    %and3A_334 = arith.andi %shift_right_arithmetic3A_331, %and3A_333 : vector<256x64xi32>
    %slice3A_335 = vector.extract_strided_slice %add3A_327 {offsets = [0, 64], sizes = [256, 64], strides = [1, 1]} : vector<256x128xi32> to vector<256x64xi32>
    %and3A_336 = arith.constant -65536 : i32
    %and3A_337 = vector.broadcast %and3A_336 : i32 to vector<256x64xi32>
    %and3A_338 = arith.andi %slice3A_335, %and3A_337 : vector<256x64xi32>
    %or3A_339 = arith.ori %and3A_334, %and3A_338 : vector<256x64xi32>
    %swap3A_340 = arith.constant 1280 : index
    %swap3A_341 = arith.constant 0 : index
    %swap3A_342 = vector.load %arg6[%swap3A_340, %swap3A_341] : memref<2048x64xi32, #tpu.memory_space<vmem>>, vector<256x64xi32>
    tpu.vector_store %arg6[%swap3A_340, %swap3A_341], %or3A_339 {strides = array<i32>} : memref<2048x64xi32, #tpu.memory_space<vmem>>, vector<256x64xi32>,
    %get3A_343 = arith.constant 6 : index
    %get3A_344 = arith.constant 0 : index
    %get3A_345 = vector.load %arg1[%get3A_343, %get3A_344] : memref<8x256xf32, #tpu.memory_space<vmem>>, vector<1x256xf32>
    %sub3A_346 = vector.broadcast %get3A_345 : vector<1x256xf32> to vector<50x256xf32>
    %sub3A_347 = vector.broadcast %mul3A_1 : vector<50x1xf32> to vector<50x256xf32>
    %sub3A_348 = arith.subf %sub3A_346, %sub3A_347 : vector<50x256xf32>
    %integer_pow3A_349 = arith.mulf %sub3A_348, %sub3A_348 : vector<50x256xf32>
    %mul3A_350 = arith.constant -1.200500e+01 : f32
    %mul3A_351 = vector.broadcast %mul3A_350 : f32 to vector<50x256xf32>
    %mul3A_352 = arith.mulf %mul3A_351, %integer_pow3A_349 : vector<50x256xf32>
    %exp3A_353 = math.exp %mul3A_352 : vector<50x256xf32>
    %convert_element_type3A_354 = arith.truncf %exp3A_353 : vector<50x256xf32> to vector<50x256xbf16>
    %get3A_355 = arith.constant 0 : index
    %get3A_356 = arith.constant 0 : index
    %get3A_357 = vector.load %arg2[%get3A_355, %get3A_356] : memref<128x50xbf16, #tpu.memory_space<vmem>>, vector<128x50xbf16>
    %dot_general3A_358 = arith.constant dense<0.000000e+00> : vector<128x256xf32>
    %dot_general3A_359 = tpu.matmul %get3A_357, %convert_element_type3A_354, %dot_general3A_358 {dimension_numbers = #tpu.dot_dimension_numbers<[1], [0], [0], [1], [0, 0, 1, 1], [], []>, transpose_lhs_hint = false} : vector<128x50xbf16>, vector<50x256xbf16>, vector<128x256xf32> -> vector<128x256xf32>
    %get3A_360 = arith.constant 0 : index
    %get3A_361 = arith.constant 0 : index
    %get3A_362 = vector.load %arg3[%get3A_360, %get3A_361] : memref<128x1xf32, #tpu.memory_space<vmem>>, vector<128x1xf32>
    %add3A_363 = vector.broadcast %get3A_362 : vector<128x1xf32> to vector<128x256xf32>
    %add3A_364 = arith.addf %dot_general3A_359, %add3A_363 : vector<128x256xf32>
    %exp3A_365 = math.exp %add3A_364 : vector<128x256xf32>
    %add3A_366 = arith.constant 1.000000e+00 : f32
    %add3A_367 = vector.broadcast %add3A_366 : f32 to vector<128x256xf32>
    %add3A_368 = arith.addf %add3A_367, %exp3A_365 : vector<128x256xf32>
    %log3A_369 = math.log %add3A_368 : vector<128x256xf32>
    %sub3A_370 = arith.constant 0.693147182 : f32
    %sub3A_371 = vector.broadcast %sub3A_370 : f32 to vector<128x256xf32>
    %sub3A_372 = arith.subf %log3A_369, %sub3A_371 : vector<128x256xf32>
    %get3A_373 = arith.constant 0 : index
    %get3A_374 = arith.constant 0 : index
    %get3A_375 = vector.load %arg4[%get3A_373, %get3A_374] : memref<128x128xf32, #tpu.memory_space<vmem>>, vector<128x128xf32>
    %dot_general3A_376 = arith.constant dense<0.000000e+00> : vector<256x128xf32>
    %dot_general3A_377 = tpu.matmul %sub3A_372, %get3A_375, %dot_general3A_376 {dimension_numbers = #tpu.dot_dimension_numbers<[0], [0], [1], [1], [0, 1, 1, 1], [], []>, transpose_lhs_hint = false} : vector<128x256xf32>, vector<128x128xf32>, vector<256x128xf32> -> vector<256x128xf32>
    %get3A_378 = arith.constant 0 : index
    %get3A_379 = arith.constant 0 : index
    %get3A_380 = vector.load %arg5[%get3A_378, %get3A_379] : memref<1x128xf32, #tpu.memory_space<vmem>>, vector<1x128xf32>
    %add3A_381 = vector.broadcast %get3A_380 : vector<1x128xf32> to vector<256x128xf32>
    %add3A_382 = arith.addf %dot_general3A_377, %add3A_381 : vector<256x128xf32>
    %bitcast_convert_type3A_383 = tpu.bitcast %add3A_382 : vector<256x128xf32> -> vector<256x128xi32>
    %add3A_384 = arith.constant 32768 : i32
    %add3A_385 = vector.broadcast %add3A_384 : i32 to vector<256x128xi32>
    %add3A_386 = arith.addi %bitcast_convert_type3A_383, %add3A_385 : vector<256x128xi32>
    %slice3A_387 = vector.extract_strided_slice %add3A_386 {offsets = [0, 0], sizes = [256, 64], strides = [1, 1]} : vector<256x128xi32> to vector<256x64xi32>
    %shift_right_arithmetic3A_388 = arith.constant 16 : i32
    %shift_right_arithmetic3A_389 = vector.broadcast %shift_right_arithmetic3A_388 : i32 to vector<256x64xi32>
    %shift_right_arithmetic3A_390 = arith.shrsi %slice3A_387, %shift_right_arithmetic3A_389 : vector<256x64xi32>
    %and3A_391 = arith.constant 65535 : i32
    %and3A_392 = vector.broadcast %and3A_391 : i32 to vector<256x64xi32>
    %and3A_393 = arith.andi %shift_right_arithmetic3A_390, %and3A_392 : vector<256x64xi32>
    %slice3A_394 = vector.extract_strided_slice %add3A_386 {offsets = [0, 64], sizes = [256, 64], strides = [1, 1]} : vector<256x128xi32> to vector<256x64xi32>
    %and3A_395 = arith.constant -65536 : i32
    %and3A_396 = vector.broadcast %and3A_395 : i32 to vector<256x64xi32>
    %and3A_397 = arith.andi %slice3A_394, %and3A_396 : vector<256x64xi32>
    %or3A_398 = arith.ori %and3A_393, %and3A_397 : vector<256x64xi32>
    %swap3A_399 = arith.constant 1536 : index
    %swap3A_400 = arith.constant 0 : index
    %swap3A_401 = vector.load %arg6[%swap3A_399, %swap3A_400] : memref<2048x64xi32, #tpu.memory_space<vmem>>, vector<256x64xi32>
    tpu.vector_store %arg6[%swap3A_399, %swap3A_400], %or3A_398 {strides = array<i32>} : memref<2048x64xi32, #tpu.memory_space<vmem>>, vector<256x64xi32>,
    %get3A_402 = arith.constant 7 : index
    %get3A_403 = arith.constant 0 : index
    %get3A_404 = vector.load %arg1[%get3A_402, %get3A_403] : memref<8x256xf32, #tpu.memory_space<vmem>>, vector<1x256xf32>
    %sub3A_405 = vector.broadcast %get3A_404 : vector<1x256xf32> to vector<50x256xf32>
    %sub3A_406 = vector.broadcast %mul3A_1 : vector<50x1xf32> to vector<50x256xf32>
    %sub3A_407 = arith.subf %sub3A_405, %sub3A_406 : vector<50x256xf32>
    %integer_pow3A_408 = arith.mulf %sub3A_407, %sub3A_407 : vector<50x256xf32>
    %mul3A_409 = arith.constant -1.200500e+01 : f32
    %mul3A_410 = vector.broadcast %mul3A_409 : f32 to vector<50x256xf32>
    %mul3A_411 = arith.mulf %mul3A_410, %integer_pow3A_408 : vector<50x256xf32>
    %exp3A_412 = math.exp %mul3A_411 : vector<50x256xf32>
    %convert_element_type3A_413 = arith.truncf %exp3A_412 : vector<50x256xf32> to vector<50x256xbf16>
    %get3A_414 = arith.constant 0 : index
    %get3A_415 = arith.constant 0 : index
    %get3A_416 = vector.load %arg2[%get3A_414, %get3A_415] : memref<128x50xbf16, #tpu.memory_space<vmem>>, vector<128x50xbf16>
    %dot_general3A_417 = arith.constant dense<0.000000e+00> : vector<128x256xf32>
    %dot_general3A_418 = tpu.matmul %get3A_416, %convert_element_type3A_413, %dot_general3A_417 {dimension_numbers = #tpu.dot_dimension_numbers<[1], [0], [0], [1], [0, 0, 1, 1], [], []>, transpose_lhs_hint = false} : vector<128x50xbf16>, vector<50x256xbf16>, vector<128x256xf32> -> vector<128x256xf32>
    %get3A_419 = arith.constant 0 : index
    %get3A_420 = arith.constant 0 : index
    %get3A_421 = vector.load %arg3[%get3A_419, %get3A_420] : memref<128x1xf32, #tpu.memory_space<vmem>>, vector<128x1xf32>
    %add3A_422 = vector.broadcast %get3A_421 : vector<128x1xf32> to vector<128x256xf32>
    %add3A_423 = arith.addf %dot_general3A_418, %add3A_422 : vector<128x256xf32>
    %exp3A_424 = math.exp %add3A_423 : vector<128x256xf32>
    %add3A_425 = arith.constant 1.000000e+00 : f32
    %add3A_426 = vector.broadcast %add3A_425 : f32 to vector<128x256xf32>
    %add3A_427 = arith.addf %add3A_426, %exp3A_424 : vector<128x256xf32>
    %log3A_428 = math.log %add3A_427 : vector<128x256xf32>
    %sub3A_429 = arith.constant 0.693147182 : f32
    %sub3A_430 = vector.broadcast %sub3A_429 : f32 to vector<128x256xf32>
    %sub3A_431 = arith.subf %log3A_428, %sub3A_430 : vector<128x256xf32>
    %get3A_432 = arith.constant 0 : index
    %get3A_433 = arith.constant 0 : index
    %get3A_434 = vector.load %arg4[%get3A_432, %get3A_433] : memref<128x128xf32, #tpu.memory_space<vmem>>, vector<128x128xf32>
    %dot_general3A_435 = arith.constant dense<0.000000e+00> : vector<256x128xf32>
    %dot_general3A_436 = tpu.matmul %sub3A_431, %get3A_434, %dot_general3A_435 {dimension_numbers = #tpu.dot_dimension_numbers<[0], [0], [1], [1], [0, 1, 1, 1], [], []>, transpose_lhs_hint = false} : vector<128x256xf32>, vector<128x128xf32>, vector<256x128xf32> -> vector<256x128xf32>
    %get3A_437 = arith.constant 0 : index
    %get3A_438 = arith.constant 0 : index
    %get3A_439 = vector.load %arg5[%get3A_437, %get3A_438] : memref<1x128xf32, #tpu.memory_space<vmem>>, vector<1x128xf32>
    %add3A_440 = vector.broadcast %get3A_439 : vector<1x128xf32> to vector<256x128xf32>
    %add3A_441 = arith.addf %dot_general3A_436, %add3A_440 : vector<256x128xf32>
    %bitcast_convert_type3A_442 = tpu.bitcast %add3A_441 : vector<256x128xf32> -> vector<256x128xi32>
    %add3A_443 = arith.constant 32768 : i32
    %add3A_444 = vector.broadcast %add3A_443 : i32 to vector<256x128xi32>
    %add3A_445 = arith.addi %bitcast_convert_type3A_442, %add3A_444 : vector<256x128xi32>
    %slice3A_446 = vector.extract_strided_slice %add3A_445 {offsets = [0, 0], sizes = [256, 64], strides = [1, 1]} : vector<256x128xi32> to vector<256x64xi32>
    %shift_right_arithmetic3A_447 = arith.constant 16 : i32
    %shift_right_arithmetic3A_448 = vector.broadcast %shift_right_arithmetic3A_447 : i32 to vector<256x64xi32>
    %shift_right_arithmetic3A_449 = arith.shrsi %slice3A_446, %shift_right_arithmetic3A_448 : vector<256x64xi32>
    %and3A_450 = arith.constant 65535 : i32
    %and3A_451 = vector.broadcast %and3A_450 : i32 to vector<256x64xi32>
    %and3A_452 = arith.andi %shift_right_arithmetic3A_449, %and3A_451 : vector<256x64xi32>
    %slice3A_453 = vector.extract_strided_slice %add3A_445 {offsets = [0, 64], sizes = [256, 64], strides = [1, 1]} : vector<256x128xi32> to vector<256x64xi32>
    %and3A_454 = arith.constant -65536 : i32
    %and3A_455 = vector.broadcast %and3A_454 : i32 to vector<256x64xi32>
    %and3A_456 = arith.andi %slice3A_453, %and3A_455 : vector<256x64xi32>
    %or3A_457 = arith.ori %and3A_452, %and3A_456 : vector<256x64xi32>
    %swap3A_458 = arith.constant 1792 : index
    %swap3A_459 = arith.constant 0 : index
    %swap3A_460 = vector.load %arg6[%swap3A_458, %swap3A_459] : memref<2048x64xi32, #tpu.memory_space<vmem>>, vector<256x64xi32>
    tpu.vector_store %arg6[%swap3A_458, %swap3A_459], %or3A_457 {strides = array<i32>} : memref<2048x64xi32, #tpu.memory_space<vmem>>, vector<256x64xi32>,
    return
  }
  func.func @transform_0(%arg0: i32) -> (i32, i32) {
    %c0_i32 = arith.constant 0 : i32
    %c0_i32_0 = arith.constant 0 : i32
    return %arg0, %c0_i32 : i32, i32
  }
  func.func @transform_1(%arg0: i32) -> (i32, i32) {
    %c0_i32 = arith.constant 0 : i32
    %c0_i32_0 = arith.constant 0 : i32
    %c0_i32_1 = arith.constant 0 : i32
    return %c0_i32, %c0_i32_0 : i32, i32
  }
  func.func @transform_2(%arg0: i32) -> (i32, i32) {
    %c0_i32 = arith.constant 0 : i32
    %c0_i32_0 = arith.constant 0 : i32
    %c0_i32_1 = arith.constant 0 : i32
    return %c0_i32, %c0_i32_0 : i32, i32
  }
  func.func @transform_3(%arg0: i32) -> (i32, i32) {
    %c0_i32 = arith.constant 0 : i32
    %c0_i32_0 = arith.constant 0 : i32
    %c0_i32_1 = arith.constant 0 : i32
    return %c0_i32, %c0_i32_0 : i32, i32
  }
  func.func @transform_4(%arg0: i32) -> (i32, i32) {
    %c0_i32 = arith.constant 0 : i32
    %c0_i32_0 = arith.constant 0 : i32
    %c0_i32_1 = arith.constant 0 : i32
    return %c0_i32, %c0_i32_0 : i32, i32
  }
  func.func @transform_5(%arg0: i32) -> (i32, i32) {
    %c0_i32 = arith.constant 0 : i32
    %c0_i32_0 = arith.constant 0 : i32
    return %arg0, %c0_i32 : i32, i32
  }
}

module attributes {stable_mosaic.version = 14 : i64} {
  func.func @_out_body(%arg0: i32, %arg1: memref<2x1000x128xf32, #tpu.memory_space<vmem>>, %arg2: memref<2x1000x128xf32, #tpu.memory_space<vmem>>, %arg3: memref<128x128xf32, #tpu.memory_space<vmem>>, %arg4: memref<1x128xf32, #tpu.memory_space<vmem>>, %arg5: memref<128x128xf32, #tpu.memory_space<vmem>>, %arg6: memref<1x128xf32, #tpu.memory_space<vmem>>, %arg7: memref<1000x128xf32, #tpu.memory_space<vmem>>) attributes {dimension_semantics = [#tpu.dimension_semantics<arbitrary>], iteration_bounds = array<i64: 10>, scalar_prefetch = 0 : i64, scratch_operands = 0 : i64, tpu.core_type = #tpu.core_type<tc>, window_params = [{transform_indices = @transform_0, window_bounds = array<i64: 2, 1000, 128>}, {transform_indices = @transform_1, window_bounds = array<i64: 2, 1000, 128>}, {pipeline_mode = #tpu.pipeline_mode<synchronous>, transform_indices = @transform_2, window_bounds = array<i64: 128, 128>}, {pipeline_mode = #tpu.pipeline_mode<synchronous>, transform_indices = @transform_3, window_bounds = array<i64: 1, 128>}, {pipeline_mode = #tpu.pipeline_mode<synchronous>, transform_indices = @transform_4, window_bounds = array<i64: 128, 128>}, {pipeline_mode = #tpu.pipeline_mode<synchronous>, transform_indices = @transform_5, window_bounds = array<i64: 1, 128>}, {transform_indices = @transform_6, window_bounds = array<i64: 1000, 128>}]} {
    %get3A = arith.constant 0 : index
    %get3A_0 = arith.constant 0 : index
    %get3A_1 = arith.constant 0 : index
    %get3A_2 = vector.load %arg1[%get3A, %get3A_0, %get3A_1] : memref<2x1000x128xf32, #tpu.memory_space<vmem>>, vector<1x1000x128xf32>
    %get3A_3 = vector.shape_cast %get3A_2 : vector<1x1000x128xf32> to vector<1000x128xf32>
    %get3A_4 = arith.constant 1 : index
    %get3A_5 = arith.constant 0 : index
    %get3A_6 = arith.constant 0 : index
    %get3A_7 = vector.load %arg1[%get3A_4, %get3A_5, %get3A_6] : memref<2x1000x128xf32, #tpu.memory_space<vmem>>, vector<1x1000x128xf32>
    %get3A_8 = vector.shape_cast %get3A_7 : vector<1x1000x128xf32> to vector<1000x128xf32>
    %add3A = arith.addf %get3A_3, %get3A_8 : vector<1000x128xf32>
    %get3A_9 = arith.constant 0 : index
    %get3A_10 = arith.constant 0 : index
    %get3A_11 = arith.constant 0 : index
    %get3A_12 = vector.load %arg2[%get3A_9, %get3A_10, %get3A_11] : memref<2x1000x128xf32, #tpu.memory_space<vmem>>, vector<1x1000x128xf32>
    %get3A_13 = vector.shape_cast %get3A_12 : vector<1x1000x128xf32> to vector<1000x128xf32>
    %get3A_14 = arith.constant 1 : index
    %get3A_15 = arith.constant 0 : index
    %get3A_16 = arith.constant 0 : index
    %get3A_17 = vector.load %arg2[%get3A_14, %get3A_15, %get3A_16] : memref<2x1000x128xf32, #tpu.memory_space<vmem>>, vector<1x1000x128xf32>
    %get3A_18 = vector.shape_cast %get3A_17 : vector<1x1000x128xf32> to vector<1000x128xf32>
    %add3A_19 = arith.addf %get3A_13, %get3A_18 : vector<1000x128xf32>
    %add3A_20 = arith.addf %add3A, %add3A_19 : vector<1000x128xf32>
    %get3A_21 = arith.constant 0 : index
    %get3A_22 = arith.constant 0 : index
    %get3A_23 = vector.load %arg3[%get3A_21, %get3A_22] : memref<128x128xf32, #tpu.memory_space<vmem>>, vector<128x128xf32>
    %dot_general3A = arith.constant dense<0.000000e+00> : vector<1000x128xf32>
    %dot_general3A_24 = tpu.matmul %add3A_20, %get3A_23, %dot_general3A {dimension_numbers = #tpu.dot_dimension_numbers<[1], [0], [0], [1], [0, 0, 1, 1], [], []>, transpose_lhs_hint = false} : vector<1000x128xf32>, vector<128x128xf32>, vector<1000x128xf32> -> vector<1000x128xf32>
    %get3A_25 = arith.constant 0 : index
    %get3A_26 = arith.constant 0 : index
    %get3A_27 = vector.load %arg4[%get3A_25, %get3A_26] : memref<1x128xf32, #tpu.memory_space<vmem>>, vector<1x128xf32>
    %add3A_28 = vector.broadcast %get3A_27 : vector<1x128xf32> to vector<1000x128xf32>
    %add3A_29 = arith.addf %dot_general3A_24, %add3A_28 : vector<1000x128xf32>
    %max3A = arith.constant 0.000000e+00 : f32
    %max3A_30 = vector.broadcast %max3A : f32 to vector<1000x128xf32>
    %max3A_31 = arith.maximumf %add3A_29, %max3A_30 : vector<1000x128xf32>
    %abs3A = math.absf %add3A_29 : vector<1000x128xf32>
    %neg3A = arith.constant 0.000000e+00 : f32
    %neg3A_32 = vector.broadcast %neg3A : f32 to vector<1000x128xf32>
    %neg3A_33 = arith.subf %neg3A_32, %abs3A : vector<1000x128xf32>
    %exp3A = math.exp %neg3A_33 : vector<1000x128xf32>
    %log1p3A = math.log1p %exp3A : vector<1000x128xf32>
    %add3A_34 = arith.addf %max3A_31, %log1p3A : vector<1000x128xf32>
    %sub3A = arith.constant 0.693147182 : f32
    %sub3A_35 = vector.broadcast %sub3A : f32 to vector<1000x128xf32>
    %sub3A_36 = arith.subf %add3A_34, %sub3A_35 : vector<1000x128xf32>
    %get3A_37 = arith.constant 0 : index
    %get3A_38 = arith.constant 0 : index
    %get3A_39 = vector.load %arg5[%get3A_37, %get3A_38] : memref<128x128xf32, #tpu.memory_space<vmem>>, vector<128x128xf32>
    %dot_general3A_40 = arith.constant dense<0.000000e+00> : vector<1000x128xf32>
    %dot_general3A_41 = tpu.matmul %sub3A_36, %get3A_39, %dot_general3A_40 {dimension_numbers = #tpu.dot_dimension_numbers<[1], [0], [0], [1], [0, 0, 1, 1], [], []>, transpose_lhs_hint = false} : vector<1000x128xf32>, vector<128x128xf32>, vector<1000x128xf32> -> vector<1000x128xf32>
    %get3A_42 = arith.constant 0 : index
    %get3A_43 = arith.constant 0 : index
    %get3A_44 = vector.load %arg6[%get3A_42, %get3A_43] : memref<1x128xf32, #tpu.memory_space<vmem>>, vector<1x128xf32>
    %add3A_45 = vector.broadcast %get3A_44 : vector<1x128xf32> to vector<1000x128xf32>
    %add3A_46 = arith.addf %dot_general3A_41, %add3A_45 : vector<1000x128xf32>
    %swap3A = arith.constant 0 : index
    %swap3A_47 = arith.constant 0 : index
    %swap3A_48 = vector.load %arg7[%swap3A, %swap3A_47] : memref<1000x128xf32, #tpu.memory_space<vmem>>, vector<1000x128xf32>
    tpu.vector_store %arg7[%swap3A, %swap3A_47], %add3A_46 {strides = array<i32>} : memref<1000x128xf32, #tpu.memory_space<vmem>>, vector<1000x128xf32>,
    return
  }
  func.func @transform_0(%arg0: i32) -> (i32, i32, i32) {
    %c0_i32 = arith.constant 0 : i32
    %c0_i32_0 = arith.constant 0 : i32
    %c0_i32_1 = arith.constant 0 : i32
    return %c0_i32, %arg0, %c0_i32_0 : i32, i32, i32
  }
  func.func @transform_1(%arg0: i32) -> (i32, i32, i32) {
    %c0_i32 = arith.constant 0 : i32
    %c0_i32_0 = arith.constant 0 : i32
    %c0_i32_1 = arith.constant 0 : i32
    return %c0_i32, %arg0, %c0_i32_0 : i32, i32, i32
  }
  func.func @transform_2(%arg0: i32) -> (i32, i32) {
    %c0_i32 = arith.constant 0 : i32
    %c0_i32_0 = arith.constant 0 : i32
    %c0_i32_1 = arith.constant 0 : i32
    return %c0_i32, %c0_i32_0 : i32, i32
  }
  func.func @transform_3(%arg0: i32) -> (i32, i32) {
    %c0_i32 = arith.constant 0 : i32
    %c0_i32_0 = arith.constant 0 : i32
    %c0_i32_1 = arith.constant 0 : i32
    return %c0_i32, %c0_i32_0 : i32, i32
  }
  func.func @transform_4(%arg0: i32) -> (i32, i32) {
    %c0_i32 = arith.constant 0 : i32
    %c0_i32_0 = arith.constant 0 : i32
    %c0_i32_1 = arith.constant 0 : i32
    return %c0_i32, %c0_i32_0 : i32, i32
  }
  func.func @transform_5(%arg0: i32) -> (i32, i32) {
    %c0_i32 = arith.constant 0 : i32
    %c0_i32_0 = arith.constant 0 : i32
    %c0_i32_1 = arith.constant 0 : i32
    return %c0_i32, %c0_i32_0 : i32, i32
  }
  func.func @transform_6(%arg0: i32) -> (i32, i32) {
    %c0_i32 = arith.constant 0 : i32
    %c0_i32_0 = arith.constant 0 : i32
    return %arg0, %c0_i32 : i32, i32
  }
}

</mosaic_0001>

<sc_bundles>
// kernel: kernel.11.cloned.1.call-start
scs
__scs_entry_jumppad:
0x0: {  	(pc) =	sbr.rel $0x88, $3  }
0x1: {  	(tag) =	ssettag $0x0;
	lr =	simm.s32 $0x1  }
0x2: {  	[smem:$0x3F94] =	sst lr;
	_ =	strace $0xD0000000  }
0x3: {  	_ = 	snop  }
0x4: {  	_ = 	snop  }
0x5: {  	_ = 	snop  }
0x6: {  	_ = 	snop  }
0x7: {  	_ = 	snop  }
__scs_overlays_trampoline_lowered:
0x8: {  	[smem:$0x3FA3] =	sst s0  }
0x9: {  	[smem:$0x3FA4] =	sst s1  }
0xa: {  	[smem:$0x3FA5] =	sst s2  }
0xb: {  	[smem:$0x3FA6] =	sst s3  }
0xc: {  	[smem:$0x3FA7] =	sst s4  }
0xd: {  	[smem:$0x3FA8] =	sst s5  }
0xe: {  	[smem:$0x3FA9] =	sst s6  }
0xf: {  	[smem:$0x3FAA] =	sst s7  }
0x10: {  	[smem:$0x3FAB] =	sst s8  }
0x11: {  	[smem:$0x3FAC] =	sst s9;
	s0 =	simm.s32 @!p0 $0x0  }
0x12: {  	s1 =	sld [smem:$0x3F92];
	s0 =	simm.s32 @p0 $0x1  }
0x13: {  	[smem:$0x3FAD] =	sst s0;
	s0 =	simm.s32 @!p1 $0x0  }
0x14: {  	s2 =	sld [smem:$0x3F91];
	s0 =	simm.s32 @p1 $0x1  }
0x15: {  	[smem:$0x3FAE] =	sst s0;
	s0 =	simm.s32 @!p2 $0x0  }
0x16: {  	s3 =	sld [smem:$0x3FDB];
	s0 =	simm.s32 @p2 $0x1  }
0x17: {  	s4 =	simm.s32 $0x1BF5;
	[smem:$0x3FB0] =	sst s0  }
0x18: {  	s0 =	sld [smem:$0x3F93];
	_ =	swait.ge [sflag:s4], $0x0  }
0x19: {  	s7 =	sld [smem:$0x3F94]  }
0x1a: {  	s8 =	sadd.s32 $0xFFFFE003, lr  }
0x1b: {  	s9 =	sadd.s32 $0xFFFFFEF7, lr;
	s5 =	simm.s32 $0xFFFFFFFF;
	p2 =	slt.u32 s8, $0xFFFFF086  }
0x1c: {  	p1 =	slt.u32 s9, $0xF7A;
	s5 =	simm.s32 @!p2 $0x0  }
0x1d: {  	s5 =	simm.s32 @p1 $0x1;
	p0 =	seq.s32 s7, s2  }
0x1e: {  	s7 =	smul.u32 @!p0 $0xF7A, s2;
	p2 =	seq.s32 @!p0 s5, $0x0  }
0x1f: {  	s9 =	smul.u32 $0xF7A, s1;
	s8 =	simm.s32 @!p0 $0x1BF5;
	p2 =	por !p2, p0  }
0x20: {  	[sflag:s8] =	ssyncset.s32 @!p0 $0xFFFFF086;
	s6 =	sadd.s32 @!p0 s3, s7;
	s7 =	simm.s32 @!p0 $0x108  }
0x21: {  	s3 =	sadd.s32 s3, s9;
	s6 =	sadd.s32 @!p0 $0x88, s6;
	s7 =	simm.s32 @p2 $0x1082  }
0x22: {  	[simem:s7], [sflag:s8] =	dma.local @!p0 [hbm:s6], $0xF7A  }
0x23: {  	s9 =	sor.u32 $0xD0000000, s2;
	s6 =	simm.s32 $0x108;
	_ =	swait.ge @!p0 [sflag:s8], $0x0  }
0x24: {  	s3 =	sadd.s32 $0x88, s3;
	s6 =	simm.s32 @!p1 $0x1082;
	[sflag:s4] =	ssyncset.s32 $0xFFFFF086  }
0x25: {  	[simem:s6], [sflag:s4] =	dma.local [hbm:s3], $0xF7A  }
0x26: {  	[smem:$0x3F94] =	sst s1;
	(tag) =	ssettag s2;
	_ =	strace s9  }
0x27: {  	s1 =	sld [smem:$0x3FA4]  }
0x28: {  	s2 =	sld [smem:$0x3FA5]  }
0x29: {  	s4 =	sld [smem:$0x3FA7]  }
0x2a: {  	p0 =	seq.s32 s5, $0x0;
	s5 =	sld [smem:$0x3FA8]  }
0x2b: {  	s6 =	sld [smem:$0x3FA9]  }
0x2c: {  	s7 =	sld [smem:$0x3FAA]  }
0x2d: {  	s3 =	simm.s32 $0x108;
	s8 =	sld [smem:$0x3FAB]  }
0x2e: {  	s3 =	simm.s32 @!p0 $0x1082;
	s9 =	sld [smem:$0x3FAC]  }
0x2f: {  	lr =	sadd.s32 s0, s3;
	s0 =	sld [smem:$0x3FA3]  }
0x30: {  	s3 =	sld [smem:$0x3FA6]  }
0x31: {  	[smem:$0x3FAF] =	sst s10  }
0x32: {  	s10 =	sld [smem:$0x3FAD];
	_ =	sdelay $0x3  }
0x33: {  	p0 =	seq.s32 s10, $0x1;
	s10 =	sld [smem:$0x3FAF];
	_ =	sdelay $0x3  }
0x34: {  	[smem:$0x3FAF] =	sst s10  }
0x35: {  	s10 =	sld [smem:$0x3FAE];
	_ =	sdelay $0x3  }
0x36: {  	p1 =	seq.s32 s10, $0x1;
	s10 =	sld [smem:$0x3FAF];
	_ =	sdelay $0x3  }
0x37: {  	[smem:$0x3FAF] =	sst s10  }
0x38: {  	s10 =	sld [smem:$0x3FB0]  }
0x39: {  	_ = 	snop;
	(pc) =	sbr.ind lr, $3  }
0x3a: {  	_ = 	snop  }
0x3b: {  	_ = 	snop  }
0x3c: {  	p2 =	seq.s32 s10, $0x1;
	s10 =	sld [smem:$0x3FAF]  }
0x3d: {  	_ =	shalt  }
0x3e: {  	_ =	shalt  }
0x3f: {  	_ =	shalt  }
0x40: {  	_ =	shalt  }
0x41: {  	_ =	shalt  }
0x42: {  	_ =	shalt  }
0x43: {  	_ =	shalt  }
0x44: {  	_ =	shalt  }
0x45: {  	_ =	shalt  }
0x46: {  	_ =	shalt  }
0x47: {  	_ =	shalt  }
0x48: {  	_ =	shalt  }
0x49: {  	_ =	shalt  }
0x4a: {  	_ =	shalt  }
0x4b: {  	_ =	shalt  }
0x4c: {  	_ =	shalt  }
0x4d: {  	_ =	shalt  }
0x4e: {  	_ =	shalt  }
0x4f: {  	_ =	shalt  }
0x50: {  	_ =	shalt  }
0x51: {  	_ =	shalt  }
0x52: {  	_ =	shalt  }
0x53: {  	_ =	shalt  }
0x54: {  	_ =	shalt  }
0x55: {  	_ =	shalt  }
0x56: {  	_ =	shalt  }
0x57: {  	_ =	shalt  }
0x58: {  	_ =	shalt  }
0x59: {  	_ =	shalt  }
0x5a: {  	_ =	shalt  }
0x5b: {  	_ =	shalt  }
0x5c: {  	_ =	shalt  }
0x5d: {  	_ =	shalt  }
0x5e: {  	_ =	shalt  }
0x5f: {  	_ =	shalt  }
0x60: {  	_ =	shalt  }
0x61: {  	_ =	shalt  }
0x62: {  	_ =	shalt  }
0x63: {  	_ =	shalt  }
0x64: {  	_ =	shalt  }
0x65: {  	_ =	shalt  }
0x66: {  	_ =	shalt  }
0x67: {  	_ =	shalt  }
0x68: {  	_ =	shalt  }
0x69: {  	_ =	shalt  }
0x6a: {  	_ =	shalt  }
0x6b: {  	_ =	shalt  }
0x6c: {  	_ =	shalt  }
0x6d: {  	_ =	shalt  }
0x6e: {  	_ =	shalt  }
0x6f: {  	_ =	shalt  }
0x70: {  	_ =	shalt  }
0x71: {  	_ =	shalt  }
0x72: {  	_ =	shalt  }
0x73: {  	_ =	shalt  }
0x74: {  	_ =	shalt  }
0x75: {  	_ =	shalt  }
0x76: {  	_ =	shalt  }
0x77: {  	_ =	shalt  }
0x78: {  	_ =	shalt  }
0x79: {  	_ =	shalt  }
0x7a: {  	_ =	shalt  }
0x7b: {  	_ =	shalt  }
0x7c: {  	_ =	shalt  }
0x7d: {  	_ =	shalt  }
0x7e: {  	_ =	shalt  }
0x7f: {  	_ =	shalt  }
0x80: {  	_ =	shalt  }
0x81: {  	_ =	shalt  }
0x82: {  	_ =	shalt  }
0x83: {  	_ =	shalt  }
0x84: {  	_ =	shalt  }
0x85: {  	_ =	shalt  }
0x86: {  	_ =	shalt  }
0x87: {  	_ =	shalt  }
.Lfunc_end0:
.L_simem_size_0:
called_computation.1_lowered:
.L_overlay_start_0:
0x88: {  	s2 =	sld [smem:$0x3FD9]  }
0x89: {  	s3 =	sld [smem:$0x3FFE];
	_ =	sdelay $0x1  }
0x8a: {  	s1 =	srdreg.scid  }
0x8b: {  	s0 =	sand.u32 $0x1, s1  }
0x8c: {  	s17 =	sshll.u32 s0, $0xA;
	s2 =	sadd.s32 s3, s2  }
0x8d: {  	s2 =	sadd.s32 s2, s17  }
0x8e: {  	[smem:$0x3FBB] =	sst s2  }
0x8f: {  	_ = 	snop  }
0x90: {  	s2 =	sld [smem:$0x3FD0];
	(tm) =	ssettm $0x1  }
0x91: {  	s18 =	sld [smem:$0x3FFB];
	_ =	sdelay $0x3  }
0x92: {  	_ =	strace s18  }
0x93: {  	s3 =	sld [smem:$0x3FFC];
	_ =	sdelay $0x3  }
0x94: {  	_ =	strace s3  }
0x95: {  	s3 =	sld [smem:$0x3FFD];
	_ =	sdelay $0x3  }
0x96: {  	_ =	strace s3  }
0x97: {  	_ =	strace $0x8FFFFFFF  }
0x98: {  	s19 =	sld [smem:$0x3FDB];
	_ =	sdelay $0x1  }
0x99: {  	s4 =	simm.s32 $_scs_section_size  }
0x9a: {  	s5 =	simm.s32 $_size__tile_overlayer_lowered;
	s6 =	simm.s32 $_tile_overlayer_lowered  }
0x9b: {  	s22 =	simm.s32 $0x1BFF;
	s21 =	sshll.u32 s6, $0x1;
	s3 =	sadd.s32 s4, s19  }
0x9c: {  	s7 =	simm.s32 $0x0;
	s20 =	sshll.u32 s5, $0x1;
	s5 =	sadd.s32 s21, s3  }
0x9d: {  	[timem:s7], [sflag:s22] =	dma.local [hbm:s5], s20  }
0x9e: {  	_ =	swait.ge [sflag:s22], s20  }
0x9f: {  	s4 =	ssub.s32 $0x0, s20;
	[sflag:s22] =	ssyncset.done $0x0  }
0xa0: {  	[sflag:s22] =	ssyncadd.s32 s4;
	_ =	sdelay $0x1  }
0xa1: {  	s23 =	simm.s32 $0x1B8B  }
0xa2: {  	_ =	swait.ge [sflag:s23], $0x1  }
0xa3: {  	[sflag:s23] =	ssyncset.done $0x0  }
0xa4: {  	s25 =	simm.s32 $0x1B8E;
	s24 =	sld [smem:$0x3FFE];
	[sflag:s23] =	ssyncadd.s32 $0xFFFFFFFF  }
0xa5: {  	s26 =	simm.s32 $execute0_lowered;
	[smem:$0x3FD2] =	sst s25  }
0xa6: {  	s5 =	sshll.u32 s26, $0x1;
	_ =	strace $0x80000046;
	[dreg:$0x1] =	wrdreg $0xFFFFFFFF  }
0xa7: {  	s28 =	simm.s32 $_size_execute0_lowered;
	s3 =	sadd.s32 s3, s5;
	[dreg:$0x0] =	wrdreg $0x0  }
0xa8: {  	s5 =	sshll.u32 s28, $0x1;
	[dreg:$0x2] =	wrdreg s3  }
0xa9: {  	[dreg:$0x3] =	wrdreg s5  }
0xaa: {  	[dreg:$0x4] =	wrdreg $0xC0  }
0xab: {  	_ =	task [dreg:s7], $0x5FFFF  }
0xac: {  	[dreg:$0x1] =	wrdreg $0xFFFFFFFF  }
0xad: {  	[dreg:$0x0] =	wrdreg $0x60  }
0xae: {  	[dreg:$0x2] =	wrdreg s24  }
0xaf: {  	[dreg:$0x3] =	wrdreg s2  }
0xb0: {  	[dreg:$0x4] =	wrdreg $0xC2000  }
0xb1: {  	[dreg:$0x5] =	wrdreg $0xA  }
0xb2: {  	_ =	task.clear_ibuf [dreg:s7], $0x6FFFF;
	_ =	strace $0x90000046  }
0xb3: {  	s29 =	simm.s32 $0xA;
	_ =	strace $0x80000048  }
0xb4: {  	_ =	swait.ge [sflag:s29], $0x1  }
0xb5: {  	[sflag:s29] =	ssyncadd.s32 $0xFFFFFFFF  }
0xb6: {  	_ =	strace $0x90000048  }
0xb7: {  	_ =	sfence  }
0xb8: {  	s30 =	sld [smem:$0x0];
	_ =	sdelay $0x2  }
0xb9: {  	s31 =	sshll.u32 s1, $0xD;
	s1 =	sshrl.u32 s1, $0x2  }
0xba: {  	s3 =	sand.u32 $0x4000, s31;
	s1 =	sadd.s32 s1, s30  }
0xbb: {  	s0 =	sor.u32 s3, s0;
	s1 =	sshll.u32 s1, $0x11  }
0xbc: {  	s0 =	sor.u32 s1, s0  }
0xbd: {  	s0 =	sadd.s32 $0x8F2B, s0  }
0xbe: {  	[sflag:s0] =	ssyncadd.remote.s32 $0x1  }
0xbf: {  	_ =	sfence.sel $0xFFFF  }
0xc0: {  	[dreg:$0x0] =	wrdreg $0xFFFFFFFF;
	(pc) =	sbr.abs _section_cstart, $3  }
0xc1: {  	[dreg:$0x1] =	wrdreg $0xFFFFFFFF  }
0xc2: {  	_ =	task.clear_ibuf [dreg:s7], $0x2FFFF;
	_ =	strace $0x9FFFFFFF  }
0xc3: {  	(tm) =	ssettm $0x7FFFFFFF  }
tec
execute0_lowered:
.L_overlay_start_1:
0x0: {  	(tag) =	ssettag $0x1  }
0x1: {  	s0 =	rddreg [dreg:$0x0]  }
0x2: {  	s1 =	rddreg [dreg:$0x1]  }
0x3: {  	s3 =	rddreg [dreg:$0x2]  }
0x4: {  	s4 =	simm.s32 $0x0;
	s5 =	stileid.u32;
	s2 =	srdreg.scid  }
0x5: {  	s17 =	simm.s32 $0x4;
	s19 =	simm.s32 $0x80;
	s20 =	simm.s32 $0x4E400  }
0x6: {  	s21 =	simm.s32 $0x200;
	s28 =	simm.s32 $0x180;
	s29 =	simm.s32 $0x4200  }
0x7: {  	s30 =	simm.s32 $0x0;
	[smem:$0x7FF] =	sst s4;
	s8 =	smul.u32 $0x2700, s5  }
0x8: {  	s2 =	sand.u32 $0x1, s2;
	s13 =	sadd.s32 $0x2400, s0;
	s6 =	sadd.s32 $0x15E00, s0  }
0x9: {  	s10 =	smul.u32 $0x4E000, s5;
	s11 =	sshll.u32 s5, $0x1;
	s26 =	sshll.u32 s5, $0x6  }
0xa: {  	s18 =	sadd.s32 $0x138000, s3;
	p0 =	sne.s32 s5, $0xF;
	_ =	strace $0x80000047  }
0xb: {  	s7 =	smul.u32 $0x27100, s2;
	s9 =	ssub.s32 $0x2, s2;
	s2 =	sor.u32 s2, s11  }
0xc: {  	s18 =	sshrl.u32 @!p0 s18, $0x3;
	[dreg:$0x4] =	wrdreg s8;
	s8 =	sadd.s32 s8, s0  }
0xd: {  	s23 =	sshrl.u32 s9, $0x1;
	s24 =	sshrl.u32 s10, $0x2;
	s10 =	sadd.s32 $0x2B4E00, s0  }
0xe: {  	s14 =	sadd.s32 s7, s0;
	s15 =	ssub.s32 s9, s23;
	s16 =	sadd.s32 s24, s3  }
0xf: {  	s25 =	sadd.s32 $0x28DE00, s8;
	s8 =	sor.u32 $0x1C04, s26;
	s9 =	sadd.s32 $0x4E2, s2  }
.Ltmp0:
0x10: {  	s2 =	sshll.u32 s2, $0xB;
	s23 =	simm.s32 $0x1;
	(pc) =	sbr.rel .LBB2_1-.Ltmp0, $4  }
0x11: {  	s24 =	simm.s32 $0x3;
	s26 =	simm.s32 $0x2;
	[dreg:$0x5] =	wrdreg s25  }
0x12: {  	s31 =	sshll.u32 s9, $0x4;
	s12 =	sadd.s32 s6, s2;
	s14 =	sadd.s32 $0x2B5000, s14  }
0x13: {  	s15 =	smax.u32 s15, $0x1;
	s16 =	sshrl.u32 s16, $0x3;
	s0 =	sand.u32 $0x70, s31  }
0x14: {  	s25 =	simm.s32 $0x5;
	s11 =	sadd.s32 s13, s31;
	s13 =	sadd.s32 s13, s0  }
.LBB2_11:
0x15: {  	[bflag:$0x0] =	sbarrier.arrive $0xFFFF  }
0x16: {  	s0 =	rddreg [dreg:$0x4]  }
0x17: {  	s0 =	sadd.s32 s0, s14  }
0x18: {  	[hbm:s0], [sflag:s8] =	dma.local [spmem:s16], $0x2700  }
0x19: {  	_ =	swait.ge [sflag:s17], $0x2700  }
0x1a: {  	s30 =	sadd.s32 $0x1, s30;
	[sflag:s17] =	ssyncset.done $0x0  }
0x1b: {  	p1 =	sne.s32 s30, s15;
	s0 =	sadd.s32 @!p0 $0x27000, s14;
	[sflag:s17] =	ssyncadd.s32 $0xFFFFD900  }
0x1c: {  	[hbm:s0], [sflag:s8] =	dma.local @!p0 [spmem:s18], $0x100  }
.Ltmp1:
0x1d: {  	_ = 	snop;
	(pc) =	sbr.rel @!p1 .LBB2_12-.Ltmp1, $4  }
0x1e: {  	s0 =	simm.s32 @!p0 $0x4  }
0x1f: {  	_ =	swait.ge @!p0 [sflag:s0], $0x100  }
0x20: {  	[sflag:s0] =	ssyncset.done @!p0 $0x0  }
0x21: {  	[sflag:s0] =	ssyncadd.s32 @!p0 $0xFFFFFF00  }
.LBB2_1:
0x22: {  	s0 =	rddreg [dreg:$0x5]  }
0x23: {  	[spmem:s16], [sflag:s8] =	dma.local [hbm:s0], $0x2700  }
0x24: {  	_ =	swait.ge [sflag:s17], $0x2700  }
0x25: {  	[sflag:s17] =	ssyncset.done $0x0  }
0x26: {  	s0 =	simm.s32 @!p0 $0x4;
	[sflag:s17] =	ssyncadd.s32 $0xFFFFD900  }
0x27: {  	[spmem:s18], [sflag:s8] =	dma.local @!p0 [hbm:s10], $0x100  }
0x28: {  	_ =	swait.ge @!p0 [sflag:s0], $0x100  }
0x29: {  	[sflag:s0] =	ssyncset.done @!p0 $0x0  }
0x2a: {  	[sflag:s0] =	ssyncadd.s32 @!p0 $0xFFFFFF00  }
0x2b: {  	[bflag:$0x0] =	sbarrier.arrive $0xFFFF  }
0x2c: {  	[tilespmem:s4], [sflag:$0x4] =	stream.strided.gather [hbm4b:s11+s19], $0x100, s20, s19, $0x38;
	[tilespmem:$0x1FA80] =	vst v63  }
0x2d: {  	_ =	swait.ge [sflag:s17], $0x100  }
.Ltmp2:
0x2e: {  	[sflag:s17] =	ssyncset.done $0x0;
	(pc) =	sbr.rel .LBB2_2-.Ltmp2, $4  }
0x2f: {  	[sflag:s17] =	ssyncadd.s32 $0xFFFFFF00  }
0x30: {  	[tilespmem:s21], [sflag:$0x1] =	stream.indirect.gather [hbm4b:s1+s19], $0x80, s4, s19, $0xb8;
	[tilespmem:$0x1FA80] =	vst v63  }
0x31: {  	s22 =	simm.s32 $0x8200;
	s31 =	simm.s32 $0x0  }
0x32: {  	[tilespmem:s22], [sflag:$0x3] =	stream.linear.gather [hbm4b:s12+s4], $0x4000, $0x38;
	[tilespmem:$0x1FA80] =	vst v63  }
.LBB2_10:
0x33: {  	s31 =	sadd.s32 $0x1, s31  }
0x34: {  	p1 =	sne.s32 s31, $0x14  }
.Ltmp3:
0x35: {  	_ = 	snop;
	(pc) =	sbr.rel @!p1 .LBB2_11-.Ltmp3, $1  }
0x36: {  	_ =	sdelay $0x3  }
.LBB2_2:
0x37: {  	s0 =	sshll.u32 s31, $0x6  }
0x38: {  	s0 =	sadd.s32 s9, s0  }
0x39: {  	p1 =	sgt.u32 s0, $0x9A3  }
0x3a: {  	s2 =	sshll.u32 @!p1 s0, $0x4  }
0x3b: {  	s2 =	sadd.s32 @!p1 $0x200, s2  }
0x3c: {  	s22 =	simm.s32 @!p1 $0x80;
	s2 =	sand.u32 @!p1 $0x1FF80, s2  }
0x3d: {  	s5 =	simm.s32 @!p1 $0x4E400;
	s7 =	simm.s32 @!p1 $0x100;
	s2 =	sadd.s32 @!p1 s2, s13  }
0x3e: {  	[tilespmem:s7], [sflag:$0x5] =	stream.strided.gather @!p1 [hbm4b:s2+s22], $0x100, s5, s22, $0x38;
	[tilespmem:$0x1FA80] =	vst v63  }
0x3f: {  	s2 =	simm.s32 @!p1 $0x5  }
0x40: {  	_ =	swait.ge @!p1 [sflag:s2], $0x100  }
0x41: {  	[sflag:s2] =	ssyncset.done @!p1 $0x0  }
0x42: {  	[sflag:s2] =	ssyncadd.s32 @!p1 $0xFFFFFF00;
	s2 =	simm.s32 @!p1 $0x4200  }
0x43: {  	[tilespmem:s2], [sflag:$0x2] =	stream.indirect.gather @!p1 [hbm4b:s1+s22], $0x80, s7, s22, $0xb8;
	[tilespmem:$0x1FA80] =	vst v63  }
0x44: {  	_ =	swait.ge [sflag:s23], $0x4000  }
0x45: {  	[sflag:s23] =	ssyncset.done $0x0  }
0x46: {  	[sflag:s23] =	ssyncadd.s32 $0xFFFFC000  }
0x47: {  	_ =	swait.ge [sflag:s24], $0x4000  }
0x48: {  	[sflag:s24] =	ssyncset.done $0x0  }
0x49: {  	s2 =	simm.s32 $0x0;
	[sflag:s24] =	ssyncadd.s32 $0xFFFFC000  }
0x4a: {  	v4 =	vld [tilespmem:s2+$0x8200]  }
0x4b: {  	v2 =	vld [tilespmem:s2+$0x8210]  }
0x4c: {  	v1 =	vld [tilespmem:s2+$0x8220]  }
0x4d: {  	v0 =	vld [tilespmem:s2+$0x8230]  }
0x4e: {  	v8 =	vld [tilespmem:s2+$0x200]  }
0x4f: {  	v7 =	vld [tilespmem:s2+$0x210]  }
0x50: {  	v6 =	vld [tilespmem:s2+$0x220]  }
0x51: {  	v5 =	vld [tilespmem:s2+$0x230]  }
0x52: {  	v3 =	vld [tilespmem:s2+$0x240];
	v10 =	vshll.u32 v4, $0x10  }
0x53: {  	s22 =	simm.s32 $0x200;
	v9 =	vand.u32 $0xFFFF0000, v4;
	v4 =	vld [tilespmem:s2+$0x250];
	v8 =	vmul.f32 v10, v8  }
.LBB2_3:
0x54: {  	p2 =	sne.s32 s22, $0xFE00;
	v7 =	vmul.f32 v9, v7;
	v9 =	vshll.u32 v2, $0x10;
	v10 =	vld [tilespmem:s2+$0x260]  }
0x55: {  	s5 =	sshra.s32 s22, $0x2;
	v2 =	vand.u32 $0xFFFF0000, v2;
	[tilespmem:s2+$0x200] =	vst v8;
	v6 =	vmul.f32 v9, v6;
	v8 =	vld [tilespmem:s2+$0x270]  }
0x56: {  	v9 =	vld [tilespmem:s5+$0x8200];
	[tilespmem:s2+$0x210] =	vst v7;
	v5 =	vmul.f32 v2, v5;
	v7 =	vshll.u32 v1, $0x10  }
0x57: {  	v2 =	vld [tilespmem:s5+$0x8210];
	[tilespmem:s2+$0x220] =	vst v6;
	v6 =	vand.u32 $0xFFFF0000, v1;
	v3 =	vmul.f32 v7, v3  }
0x58: {  	v1 =	vld [tilespmem:s5+$0x8220];
	[tilespmem:s2+$0x230] =	vst v5;
	v4 =	vmul.f32 v6, v4;
	v5 =	vshll.u32 v0, $0x10  }
0x59: {  	[tilespmem:s2+$0x240] =	vst v3;
	v3 =	vand.u32 $0xFFFF0000, v0;
	v0 =	vld [tilespmem:s5+$0x8230];
	v5 =	vmul.f32 v5, v10  }
0x5a: {  	v10 =	vld [tilespmem:s5+$0x200];
	[tilespmem:s2+$0x250] =	vst v4;
	v3 =	vmul.f32 v3, v8  }
.Ltmp4:
0x5b: {  	v7 =	vld [tilespmem:s5+$0x210];
	[tilespmem:s2+$0x260] =	vst v5;
	(pc) =	sbr.rel @p2 .LBB2_3-.Ltmp4, $4  }
0x5c: {  	v6 =	vld [tilespmem:s5+$0x220];
	[tilespmem:s2+$0x270] =	vst v3;
	s2 =	smov.u32 s5  }
0x5d: {  	v5 =	vld [tilespmem:s2+$0x230]  }
0x5e: {  	v4 =	vshll.u32 v9, $0x10;
	v3 =	vld [tilespmem:s2+$0x240]  }
0x5f: {  	s22 =	sadd.s32 $0x200, s22;
	v9 =	vand.u32 $0xFFFF0000, v9;
	v8 =	vmul.f32 v4, v10;
	v4 =	vld [tilespmem:s2+$0x250]  }
0x60: {  	v10 =	vld [tilespmem:s2+$0x260];
	v7 =	vmul.f32 v9, v7;
	v57 =	vshll.u32 v2, $0x10  }
0x61: {  	v58 =	vand.u32 $0xFFFF0000, v2;
	v59 =	vld [tilespmem:s2+$0x270];
	[tilespmem:s2+$0x200] =	vst v8;
	v6 =	vmul.f32 v57, v6  }
0x62: {  	v60 =	vshll.u32 v1, $0x10;
	[tilespmem:s2+$0x210] =	vst v7;
	v2 =	vmul.f32 v58, v5  }
0x63: {  	v61 =	vand.u32 $0xFFFF0000, v1;
	[tilespmem:s2+$0x220] =	vst v6;
	v3 =	vmul.f32 v60, v3  }
0x64: {  	v62 =	vshll.u32 v0, $0x10;
	[tilespmem:s2+$0x230] =	vst v2;
	v1 =	vmul.f32 v61, v4  }
0x65: {  	v63 =	vand.u32 $0xFFFF0000, v0;
	s5 =	sshll.u32 @!p1 s0, $0xE;
	[tilespmem:s2+$0x240] =	vst v3;
	v2 =	vmul.f32 v62, v10  }
0x66: {  	s5 =	sadd.s32 @!p1 $0xFECF8000, s5;
	v0 =	vmul.f32 v63, v59;
	[tilespmem:s2+$0x250] =	vst v1  }
0x67: {  	s7 =	simm.s32 @!p1 $0x8200;
	s5 =	sshrl.u32 @!p1 s5, $0x3;
	[tilespmem:s2+$0x260] =	vst v2  }
0x68: {  	p2 =	sgt.u32 s0, $0x983;
	[tilespmem:s2+$0x270] =	vst v0;
	s2 =	sadd.s32 @!p1 s6, s5;
	s5 =	simm.s32 @!p1 $0x0  }
0x69: {  	[tilespmem:s7], [sflag:$0x3] =	stream.linear.gather @!p1 [hbm4b:s2+s5], $0x4000, $0x38;
	[tilespmem:$0x1FA80] =	vst v63  }
.Ltmp5:
0x6a: {  	_ = 	snop;
	(pc) =	sbr.rel @p2 .LBB2_6-.Ltmp5, $4  }
0x6b: {  	[spmem:s3] =	stream.indirect.scatter.add.f32 [tilespmem:s21], [sflag:$0x5], $0x80, s19, s19, $0xb8;
	[tilespmem:$0x1FA80] =	vst v63  }
0x6c: {  	_ =	swait.ge [sflag:s25], $0x4000  }
0x6d: {  	[sflag:s25] =	ssyncset.done $0x0  }
0x6e: {  	[sflag:s25] =	ssyncadd.s32 $0xFFFFC000  }
0x6f: {  	s2 =	sshll.u32 s0, $0x4  }
0x70: {  	s2 =	sadd.s32 $0x400, s2  }
0x71: {  	s2 =	sand.u32 $0x1FF80, s2  }
0x72: {  	s2 =	sadd.s32 s2, s13  }
0x73: {  	[tilespmem:s4], [sflag:$0x5] =	stream.strided.gather [hbm4b:s2+s19], $0x100, s20, s19, $0x38;
	[tilespmem:$0x1FA80] =	vst v63  }
.Ltmp6:
0x74: {  	_ = 	snop;
	(pc) =	sbr.rel .LBB2_7-.Ltmp6, $4  }
0x75: {  	_ =	swait.ge [sflag:s25], $0x100  }
0x76: {  	[sflag:s25] =	ssyncset.done $0x0  }
0x77: {  	[sflag:s25] =	ssyncadd.s32 $0xFFFFFF00  }
0x78: {  	[tilespmem:s21], [sflag:$0x1] =	stream.indirect.gather [hbm4b:s1+s19], $0x80, s4, s19, $0xb8;
	[tilespmem:$0x1FA80] =	vst v63  }
.LBB2_6:
.Ltmp7:
0x79: {  	(pc) =	sbr.rel @p1 .LBB2_10-.Ltmp7, $1  }
0x7a: {  	_ =	sdelay $0x3  }
.LBB2_7:
0x7b: {  	_ =	swait.ge [sflag:s26], $0x4000  }
0x7c: {  	[sflag:s26] =	ssyncset.done $0x0  }
0x7d: {  	[sflag:s26] =	ssyncadd.s32 $0xFFFFC000  }
0x7e: {  	_ =	swait.ge [sflag:s24], $0x4000  }
0x7f: {  	[sflag:s24] =	ssyncset.done $0x0  }
0x80: {  	s2 =	simm.s32 $0x0;
	[sflag:s24] =	ssyncadd.s32 $0xFFFFC000  }
0x81: {  	v4 =	vld [tilespmem:s2+$0x8200]  }
0x82: {  	v2 =	vld [tilespmem:s2+$0x8210]  }
0x83: {  	v1 =	vld [tilespmem:s2+$0x8220]  }
0x84: {  	v0 =	vld [tilespmem:s2+$0x8230]  }
0x85: {  	v8 =	vld [tilespmem:s2+$0x4200]  }
0x86: {  	v7 =	vld [tilespmem:s2+$0x4210]  }
0x87: {  	v6 =	vld [tilespmem:s2+$0x4220]  }
0x88: {  	v5 =	vld [tilespmem:s2+$0x4230]  }
0x89: {  	v3 =	vld [tilespmem:s2+$0x4240];
	v10 =	vshll.u32 v4, $0x10  }
0x8a: {  	s22 =	simm.s32 $0x200;
	v9 =	vand.u32 $0xFFFF0000, v4;
	v4 =	vld [tilespmem:s2+$0x4250];
	v8 =	vmul.f32 v10, v8  }
.LBB2_8:
0x8b: {  	p1 =	sne.s32 s22, $0xFE00;
	v7 =	vmul.f32 v9, v7;
	v9 =	vshll.u32 v2, $0x10;
	v10 =	vld [tilespmem:s2+$0x4260]  }
0x8c: {  	s5 =	sshra.s32 s22, $0x2;
	v2 =	vand.u32 $0xFFFF0000, v2;
	[tilespmem:s2+$0x4200] =	vst v8;
	v6 =	vmul.f32 v9, v6;
	v8 =	vld [tilespmem:s2+$0x4270]  }
0x8d: {  	v9 =	vld [tilespmem:s5+$0x8200];
	[tilespmem:s2+$0x4210] =	vst v7;
	v5 =	vmul.f32 v2, v5;
	v7 =	vshll.u32 v1, $0x10  }
0x8e: {  	v2 =	vld [tilespmem:s5+$0x8210];
	[tilespmem:s2+$0x4220] =	vst v6;
	v6 =	vand.u32 $0xFFFF0000, v1;
	v3 =	vmul.f32 v7, v3  }
0x8f: {  	v1 =	vld [tilespmem:s5+$0x8220];
	[tilespmem:s2+$0x4230] =	vst v5;
	v4 =	vmul.f32 v6, v4;
	v5 =	vshll.u32 v0, $0x10  }
0x90: {  	[tilespmem:s2+$0x4240] =	vst v3;
	v3 =	vand.u32 $0xFFFF0000, v0;
	v0 =	vld [tilespmem:s5+$0x8230];
	v5 =	vmul.f32 v5, v10  }
0x91: {  	v10 =	vld [tilespmem:s5+$0x4200];
	[tilespmem:s2+$0x4250] =	vst v4;
	v3 =	vmul.f32 v3, v8  }
.Ltmp8:
0x92: {  	v7 =	vld [tilespmem:s5+$0x4210];
	[tilespmem:s2+$0x4260] =	vst v5;
	(pc) =	sbr.rel @p1 .LBB2_8-.Ltmp8, $4  }
0x93: {  	v6 =	vld [tilespmem:s5+$0x4220];
	[tilespmem:s2+$0x4270] =	vst v3;
	s2 =	smov.u32 s5  }
0x94: {  	v5 =	vld [tilespmem:s2+$0x4230]  }
0x95: {  	v4 =	vshll.u32 v9, $0x10;
	v3 =	vld [tilespmem:s2+$0x4240]  }
0x96: {  	s22 =	sadd.s32 $0x200, s22;
	v9 =	vand.u32 $0xFFFF0000, v9;
	v8 =	vmul.f32 v4, v10;
	v4 =	vld [tilespmem:s2+$0x4250]  }
0x97: {  	v10 =	vld [tilespmem:s2+$0x4260];
	v7 =	vmul.f32 v9, v7;
	v57 =	vshll.u32 v2, $0x10  }
0x98: {  	v58 =	vand.u32 $0xFFFF0000, v2;
	v59 =	vld [tilespmem:s2+$0x4270];
	[tilespmem:s2+$0x4200] =	vst v8;
	v6 =	vmul.f32 v57, v6  }
0x99: {  	v60 =	vshll.u32 v1, $0x10;
	[tilespmem:s2+$0x4210] =	vst v7;
	v2 =	vmul.f32 v58, v5  }
0x9a: {  	v61 =	vand.u32 $0xFFFF0000, v1;
	[tilespmem:s2+$0x4220] =	vst v6;
	v3 =	vmul.f32 v60, v3  }
0x9b: {  	v62 =	vshll.u32 v0, $0x10;
	[tilespmem:s2+$0x4230] =	vst v2;
	v1 =	vmul.f32 v61, v4  }
0x9c: {  	v63 =	vand.u32 $0xFFFF0000, v0;
	s0 =	sshll.u32 @!p2 s0, $0xE;
	[tilespmem:s2+$0x4240] =	vst v3;
	v2 =	vmul.f32 v62, v10  }
0x9d: {  	s0 =	sadd.s32 @!p2 $0xFED78000, s0;
	v0 =	vmul.f32 v63, v59;
	[tilespmem:s2+$0x4250] =	vst v1  }
0x9e: {  	s0 =	sshrl.u32 @!p2 s0, $0x3;
	[tilespmem:s2+$0x4260] =	vst v2  }
0x9f: {  	s5 =	simm.s32 @!p2 $0x8200;
	s0 =	sadd.s32 @!p2 s6, s0;
	[tilespmem:s2+$0x4270] =	vst v0;
	s2 =	simm.s32 @!p2 $0x0  }
0xa0: {  	[tilespmem:s5], [sflag:$0x3] =	stream.linear.gather @!p2 [hbm4b:s0+s2], $0x4000, $0x38;
	[tilespmem:$0x1FA80] =	vst v63  }
.Ltmp9:
0xa1: {  	_ = 	snop;
	(pc) =	sbr.rel .LBB2_10-.Ltmp9, $4  }
0xa2: {  	[spmem:s3] =	stream.indirect.scatter.add.f32 [tilespmem:s29], [sflag:$0x4], $0x80, s28, s19, $0xb8;
	[tilespmem:$0x1FA80] =	vst v63  }
0xa3: {  	_ =	swait.ge [sflag:s17], $0x4000  }
0xa4: {  	[sflag:s17] =	ssyncset.done $0x0  }
0xa5: {  	[sflag:s17] =	ssyncadd.s32 $0xFFFFC000  }
.LBB2_12:
0xa6: {  	_ =	sfence.sel $0x180000  }
0xa7: {  	[bflag:$0x0] =	sbarrier.arrive $0xFFFF  }
0xa8: {  	_ =	strace $0x90000047  }
0xa9: {  	s0 =	stileid.u32;
	[bflag:$0x2] =	sbarrier.arrive $0xFFFF  }
0xaa: {  	p0 =	sne.s32 s0, $0x0;
	s0 =	rddreg [dreg:$0x3]  }
0xab: {  	s0 =	sadd.s32 @!p0 $0x100000, s0  }
0xac: {  	[sflag:s0] =	ssyncadd.tile.s32 @!p0 $0x1;
	_ =	shalt  }
.Lfunc_end2:
_tile_overlayer_lowered:
.L_overlay_start_2:
0xad: {  	(tag) =	ssettag $0x2  }
0xae: {  	s0 =	rddreg [dreg:$0x0];
	s2 =	stileid.u32  }
0xaf: {  	s1 =	rddreg [dreg:$0x1];
	p0 =	sne.s32 s2, $0x0  }
0xb0: {  	s3 =	rddreg [dreg:$0x2];
	[bflag:$0x3] =	sbarrier.arrive $0xFFFF;
	s2 =	simm.s32 @!p0 $0x1C04  }
0xb1: {  	[timem:s3], [sflag:s2] =	dma.local @!p0 [hbm:s0], s1  }
0xb2: {  	s0 =	simm.s32 @!p0 $0x4  }
0xb3: {  	_ =	swait.ge @!p0 [sflag:s0], s1  }
0xb4: {  	s1 =	ssub.s32 @!p0 $0x0, s1;
	[sflag:s0] =	ssyncset.done @!p0 $0x0  }
0xb5: {  	[sflag:s0] =	ssyncadd.s32 @!p0 s1  }
0xb6: {  	[bflag:$0x3] =	sbarrier.arrive $0xFFFF  }
0xb7: {  	_ =	shalt  }

// kernel: kernel.8.cloned.1.call-start
scs
__scs_entry_jumppad:
0x0: {  	(pc) =	sbr.rel $0x88, $3  }
0x1: {  	(tag) =	ssettag $0x0;
	lr =	simm.s32 $0x1  }
0x2: {  	[smem:$0x3F94] =	sst lr;
	_ =	strace $0xD0000000  }
0x3: {  	_ = 	snop  }
0x4: {  	_ = 	snop  }
0x5: {  	_ = 	snop  }
0x6: {  	_ = 	snop  }
0x7: {  	_ = 	snop  }
__scs_overlays_trampoline_lowered:
0x8: {  	[smem:$0x3FA3] =	sst s0  }
0x9: {  	[smem:$0x3FA4] =	sst s1  }
0xa: {  	[smem:$0x3FA5] =	sst s2  }
0xb: {  	[smem:$0x3FA6] =	sst s3  }
0xc: {  	[smem:$0x3FA7] =	sst s4  }
0xd: {  	[smem:$0x3FA8] =	sst s5  }
0xe: {  	[smem:$0x3FA9] =	sst s6  }
0xf: {  	[smem:$0x3FAA] =	sst s7  }
0x10: {  	[smem:$0x3FAB] =	sst s8  }
0x11: {  	[smem:$0x3FAC] =	sst s9;
	s0 =	simm.s32 @!p0 $0x0  }
0x12: {  	s1 =	sld [smem:$0x3F92];
	s0 =	simm.s32 @p0 $0x1  }
0x13: {  	[smem:$0x3FAD] =	sst s0;
	s0 =	simm.s32 @!p1 $0x0  }
0x14: {  	s2 =	sld [smem:$0x3F91];
	s0 =	simm.s32 @p1 $0x1  }
0x15: {  	[smem:$0x3FAE] =	sst s0;
	s0 =	simm.s32 @!p2 $0x0  }
0x16: {  	s3 =	sld [smem:$0x3FDB];
	s0 =	simm.s32 @p2 $0x1  }
0x17: {  	s4 =	simm.s32 $0x1BF5;
	[smem:$0x3FB0] =	sst s0  }
0x18: {  	s0 =	sld [smem:$0x3F93];
	_ =	swait.ge [sflag:s4], $0x0  }
0x19: {  	s7 =	sld [smem:$0x3F94]  }
0x1a: {  	s8 =	sadd.s32 $0xFFFFE003, lr  }
0x1b: {  	s9 =	sadd.s32 $0xFFFFFEF7, lr;
	s5 =	simm.s32 $0xFFFFFFFF;
	p2 =	slt.u32 s8, $0xFFFFF086  }
0x1c: {  	p1 =	slt.u32 s9, $0xF7A;
	s5 =	simm.s32 @!p2 $0x0  }
0x1d: {  	s5 =	simm.s32 @p1 $0x1;
	p0 =	seq.s32 s7, s2  }
0x1e: {  	s7 =	smul.u32 @!p0 $0xF7A, s2;
	p2 =	seq.s32 @!p0 s5, $0x0  }
0x1f: {  	s9 =	smul.u32 $0xF7A, s1;
	s8 =	simm.s32 @!p0 $0x1BF5;
	p2 =	por !p2, p0  }
0x20: {  	[sflag:s8] =	ssyncset.s32 @!p0 $0xFFFFF086;
	s6 =	sadd.s32 @!p0 s3, s7;
	s7 =	simm.s32 @!p0 $0x108  }
0x21: {  	s3 =	sadd.s32 s3, s9;
	s6 =	sadd.s32 @!p0 $0x88, s6;
	s7 =	simm.s32 @p2 $0x1082  }
0x22: {  	[simem:s7], [sflag:s8] =	dma.local @!p0 [hbm:s6], $0xF7A  }
0x23: {  	s9 =	sor.u32 $0xD0000000, s2;
	s6 =	simm.s32 $0x108;
	_ =	swait.ge @!p0 [sflag:s8], $0x0  }
0x24: {  	s3 =	sadd.s32 $0x88, s3;
	s6 =	simm.s32 @!p1 $0x1082;
	[sflag:s4] =	ssyncset.s32 $0xFFFFF086  }
0x25: {  	[simem:s6], [sflag:s4] =	dma.local [hbm:s3], $0xF7A  }
0x26: {  	[smem:$0x3F94] =	sst s1;
	(tag) =	ssettag s2;
	_ =	strace s9  }
0x27: {  	s1 =	sld [smem:$0x3FA4]  }
0x28: {  	s2 =	sld [smem:$0x3FA5]  }
0x29: {  	s4 =	sld [smem:$0x3FA7]  }
0x2a: {  	p0 =	seq.s32 s5, $0x0;
	s5 =	sld [smem:$0x3FA8]  }
0x2b: {  	s6 =	sld [smem:$0x3FA9]  }
0x2c: {  	s7 =	sld [smem:$0x3FAA]  }
0x2d: {  	s3 =	simm.s32 $0x108;
	s8 =	sld [smem:$0x3FAB]  }
0x2e: {  	s3 =	simm.s32 @!p0 $0x1082;
	s9 =	sld [smem:$0x3FAC]  }
0x2f: {  	lr =	sadd.s32 s0, s3;
	s0 =	sld [smem:$0x3FA3]  }
0x30: {  	s3 =	sld [smem:$0x3FA6]  }
0x31: {  	[smem:$0x3FAF] =	sst s10  }
0x32: {  	s10 =	sld [smem:$0x3FAD];
	_ =	sdelay $0x3  }
0x33: {  	p0 =	seq.s32 s10, $0x1;
	s10 =	sld [smem:$0x3FAF];
	_ =	sdelay $0x3  }
0x34: {  	[smem:$0x3FAF] =	sst s10  }
0x35: {  	s10 =	sld [smem:$0x3FAE];
	_ =	sdelay $0x3  }
0x36: {  	p1 =	seq.s32 s10, $0x1;
	s10 =	sld [smem:$0x3FAF];
	_ =	sdelay $0x3  }
0x37: {  	[smem:$0x3FAF] =	sst s10  }
0x38: {  	s10 =	sld [smem:$0x3FB0]  }
0x39: {  	_ = 	snop;
	(pc) =	sbr.ind lr, $3  }
0x3a: {  	_ = 	snop  }
0x3b: {  	_ = 	snop  }
0x3c: {  	p2 =	seq.s32 s10, $0x1;
	s10 =	sld [smem:$0x3FAF]  }
0x3d: {  	_ =	shalt  }
0x3e: {  	_ =	shalt  }
0x3f: {  	_ =	shalt  }
0x40: {  	_ =	shalt  }
0x41: {  	_ =	shalt  }
0x42: {  	_ =	shalt  }
0x43: {  	_ =	shalt  }
0x44: {  	_ =	shalt  }
0x45: {  	_ =	shalt  }
0x46: {  	_ =	shalt  }
0x47: {  	_ =	shalt  }
0x48: {  	_ =	shalt  }
0x49: {  	_ =	shalt  }
0x4a: {  	_ =	shalt  }
0x4b: {  	_ =	shalt  }
0x4c: {  	_ =	shalt  }
0x4d: {  	_ =	shalt  }
0x4e: {  	_ =	shalt  }
0x4f: {  	_ =	shalt  }
0x50: {  	_ =	shalt  }
0x51: {  	_ =	shalt  }
0x52: {  	_ =	shalt  }
0x53: {  	_ =	shalt  }
0x54: {  	_ =	shalt  }
0x55: {  	_ =	shalt  }
0x56: {  	_ =	shalt  }
0x57: {  	_ =	shalt  }
0x58: {  	_ =	shalt  }
0x59: {  	_ =	shalt  }
0x5a: {  	_ =	shalt  }
0x5b: {  	_ =	shalt  }
0x5c: {  	_ =	shalt  }
0x5d: {  	_ =	shalt  }
0x5e: {  	_ =	shalt  }
0x5f: {  	_ =	shalt  }
0x60: {  	_ =	shalt  }
0x61: {  	_ =	shalt  }
0x62: {  	_ =	shalt  }
0x63: {  	_ =	shalt  }
0x64: {  	_ =	shalt  }
0x65: {  	_ =	shalt  }
0x66: {  	_ =	shalt  }
0x67: {  	_ =	shalt  }
0x68: {  	_ =	shalt  }
0x69: {  	_ =	shalt  }
0x6a: {  	_ =	shalt  }
0x6b: {  	_ =	shalt  }
0x6c: {  	_ =	shalt  }
0x6d: {  	_ =	shalt  }
0x6e: {  	_ =	shalt  }
0x6f: {  	_ =	shalt  }
0x70: {  	_ =	shalt  }
0x71: {  	_ =	shalt  }
0x72: {  	_ =	shalt  }
0x73: {  	_ =	shalt  }
0x74: {  	_ =	shalt  }
0x75: {  	_ =	shalt  }
0x76: {  	_ =	shalt  }
0x77: {  	_ =	shalt  }
0x78: {  	_ =	shalt  }
0x79: {  	_ =	shalt  }
0x7a: {  	_ =	shalt  }
0x7b: {  	_ =	shalt  }
0x7c: {  	_ =	shalt  }
0x7d: {  	_ =	shalt  }
0x7e: {  	_ =	shalt  }
0x7f: {  	_ =	shalt  }
0x80: {  	_ =	shalt  }
0x81: {  	_ =	shalt  }
0x82: {  	_ =	shalt  }
0x83: {  	_ =	shalt  }
0x84: {  	_ =	shalt  }
0x85: {  	_ =	shalt  }
0x86: {  	_ =	shalt  }
0x87: {  	_ =	shalt  }
.Lfunc_end0:
.L_simem_size_0:
called_computation_lowered:
.L_overlay_start_0:
0x88: {  	s2 =	sld [smem:$0x3FD9]  }
0x89: {  	s3 =	sld [smem:$0x3FFE];
	_ =	sdelay $0x1  }
0x8a: {  	s1 =	srdreg.scid  }
0x8b: {  	s0 =	sand.u32 $0x1, s1  }
0x8c: {  	s17 =	sshll.u32 s0, $0xA;
	s2 =	sadd.s32 s3, s2  }
0x8d: {  	s2 =	sadd.s32 s2, s17  }
0x8e: {  	[smem:$0x3FBB] =	sst s2  }
0x8f: {  	_ = 	snop  }
0x90: {  	s18 =	sld [smem:$0x3FD0];
	(tm) =	ssettm $0x1  }
0x91: {  	s19 =	sld [smem:$0x3FFB];
	_ =	sdelay $0x3  }
0x92: {  	_ =	strace s19  }
0x93: {  	s2 =	sld [smem:$0x3FFC];
	_ =	sdelay $0x3  }
0x94: {  	_ =	strace s2  }
0x95: {  	s2 =	sld [smem:$0x3FFD];
	_ =	sdelay $0x3  }
0x96: {  	_ =	strace s2  }
0x97: {  	_ =	strace $0x8FFFFFFF  }
0x98: {  	s20 =	sld [smem:$0x3FDB];
	_ =	sdelay $0x1  }
0x99: {  	s4 =	simm.s32 $_scs_section_size  }
0x9a: {  	s5 =	simm.s32 $_size__tile_overlayer_lowered;
	s6 =	simm.s32 $_tile_overlayer_lowered  }
0x9b: {  	s7 =	simm.s32 $0x1BFF;
	s21 =	sshll.u32 s6, $0x1;
	s4 =	sadd.s32 s4, s20  }
0x9c: {  	s22 =	simm.s32 $0x0;
	s5 =	sshll.u32 s5, $0x1;
	s6 =	sadd.s32 s21, s4  }
0x9d: {  	[timem:s22], [sflag:s7] =	dma.local [hbm:s6], s5  }
0x9e: {  	_ =	swait.ge [sflag:s7], s5  }
0x9f: {  	s5 =	ssub.s32 $0x0, s5;
	[sflag:s7] =	ssyncset.done $0x0  }
0xa0: {  	[sflag:s7] =	ssyncadd.s32 s5;
	_ =	sdelay $0x1  }
0xa1: {  	s23 =	simm.s32 $0x1B8B  }
0xa2: {  	_ =	swait.ge [sflag:s23], $0x1  }
0xa3: {  	[sflag:s23] =	ssyncset.done $0x0  }
0xa4: {  	[sflag:s23] =	ssyncadd.s32 $0xFFFFFFFF  }
0xa5: {  	s5 =	sld [smem:$0x0]  }
0xa6: {  	s6 =	sand.u32 $0xFFFFFFFE, s1  }
0xa7: {  	p0 =	sne.s32 s1, s6  }
0xa8: {  	s6 =	sshll.u32 @p0 s6, $0xE  }
0xa9: {  	s6 =	sadd.s32 @p0 $0x11B8D, s6;
	s7 =	sshll.u32 @p0 s5, $0x11  }
0xaa: {  	s6 =	sor.u32 @p0 s7, s6  }
0xab: {  	[sflag:s6] =	ssyncadd.remote.s32 @p0 $0x1;
	_ =	sdelay $0x1  }
0xac: {  	s6 =	simm.s32 @p0 $0x1B8D  }
0xad: {  	_ =	swait.eq @p0 [sflag:s6], $0x1  }
0xae: {  	[sflag:s6] =	ssyncadd.s32 @p0 $0xFFFFFFFF  }
0xaf: {  	s7 =	sshll.u32 @!p0 s1, $0xE  }
0xb0: {  	s7 =	sor.u32 @!p0 $0x4000, s7;
	s6 =	simm.s32 @!p0 $0x1B8D  }
0xb1: {  	s5 =	sshll.u32 @!p0 s5, $0x11;
	s7 =	sadd.s32 @!p0 $0x11B8D, s7;
	_ =	swait.eq @!p0 [sflag:s6], $0x1  }
0xb2: {  	s5 =	sor.u32 @!p0 s5, s7;
	[sflag:s6] =	ssyncadd.s32 @!p0 $0xFFFFFFFF  }
0xb3: {  	s25 =	simm.s32 $0x1B8E;
	s24 =	sld [smem:$0x3FFE];
	[sflag:s5] =	ssyncadd.remote.s32 @!p0 $0x1  }
0xb4: {  	s26 =	simm.s32 $execute0_lowered;
	[smem:$0x3FD2] =	sst s25  }
0xb5: {  	s6 =	sshll.u32 s26, $0x1;
	_ =	strace $0x80000049;
	[dreg:$0x1] =	wrdreg $0xFFFFFFFF  }
0xb6: {  	s28 =	simm.s32 $_size_execute0_lowered;
	s4 =	sadd.s32 s4, s6;
	[dreg:$0x0] =	wrdreg $0x0  }
0xb7: {  	s6 =	sshll.u32 s28, $0x1;
	[dreg:$0x2] =	wrdreg s4  }
0xb8: {  	[dreg:$0x3] =	wrdreg s6  }
0xb9: {  	[dreg:$0x4] =	wrdreg $0xC0  }
0xba: {  	_ =	task [dreg:s22], $0x5FFFF  }
0xbb: {  	[dreg:$0x1] =	wrdreg $0xFFFFFFFF  }
0xbc: {  	[dreg:$0x0] =	wrdreg $0x60  }
0xbd: {  	[dreg:$0x2] =	wrdreg s24  }
0xbe: {  	[dreg:$0x3] =	wrdreg s18  }
0xbf: {  	[dreg:$0x4] =	wrdreg $0xC2000  }
0xc0: {  	[dreg:$0x5] =	wrdreg $0x9  }
0xc1: {  	_ =	task.clear_ibuf [dreg:s22], $0x6FFFF;
	_ =	strace $0x90000049  }
0xc2: {  	s29 =	simm.s32 $0x9;
	_ =	strace $0x8000004B  }
0xc3: {  	_ =	swait.ge [sflag:s29], $0x1  }
0xc4: {  	[sflag:s29] =	ssyncadd.s32 $0xFFFFFFFF  }
0xc5: {  	_ =	strace $0x9000004B  }
0xc6: {  	_ =	sfence  }
0xc7: {  	s30 =	sld [smem:$0x0];
	_ =	sdelay $0x2  }
0xc8: {  	s31 =	sshll.u32 s1, $0xD;
	s1 =	sshrl.u32 s1, $0x2  }
0xc9: {  	s4 =	sand.u32 $0x4000, s31;
	s1 =	sadd.s32 s1, s30  }
0xca: {  	s0 =	sor.u32 s4, s0;
	s1 =	sshll.u32 s1, $0x11  }
0xcb: {  	s0 =	sor.u32 s1, s0  }
0xcc: {  	s0 =	sadd.s32 $0x8F2B, s0  }
0xcd: {  	[sflag:s0] =	ssyncadd.remote.s32 $0x1  }
0xce: {  	_ =	sfence.sel $0xFFFF  }
0xcf: {  	[dreg:$0x0] =	wrdreg $0xFFFFFFFF;
	(pc) =	sbr.abs _section_cstart, $3  }
0xd0: {  	[dreg:$0x1] =	wrdreg $0xFFFFFFFF  }
0xd1: {  	_ =	task.clear_ibuf [dreg:s22], $0x2FFFF;
	_ =	strace $0x9FFFFFFF  }
0xd2: {  	(tm) =	ssettm $0x7FFFFFFF  }
0xd3: {  	_ =	shalt  }
tec
execute0_lowered:
.L_overlay_start_1:
0x0: {  	(tag) =	ssettag $0x1  }
0x1: {  	s0 =	rddreg [dreg:$0x0]  }
0x2: {  	s2 =	rddreg [dreg:$0x1]  }
0x3: {  	s3 =	rddreg [dreg:$0x2]  }
0x4: {  	s4 =	simm.s32 $0x0;
	s16 =	stileid.u32;
	s1 =	srdreg.scid  }
0x5: {  	s17 =	simm.s32 $0x4;
	s19 =	simm.s32 $0x80;
	s20 =	simm.s32 $0x4E400  }
0x6: {  	s21 =	simm.s32 $0x200;
	s28 =	simm.s32 $0x180;
	s29 =	simm.s32 $0x4200  }
0x7: {  	s30 =	simm.s32 $0x0;
	[smem:$0x7FF] =	sst s4;
	s10 =	smul.u32 $0x2700, s16  }
0x8: {  	s1 =	sand.u32 $0x1, s1;
	s5 =	sadd.s32 $0x2400, s0;
	s6 =	sadd.s32 $0x303200, s0  }
0x9: {  	s9 =	smul.u32 $0x4E000, s16;
	s24 =	sshll.u32 s16, $0x1;
	s26 =	sshll.u32 s16, $0x6  }
0xa: {  	s18 =	sadd.s32 $0x138000, s3;
	p0 =	sne.s32 s16, $0xF;
	_ =	strace $0x8000004A  }
0xb: {  	s7 =	smul.u32 $0x27100, s1;
	s8 =	ssub.s32 $0x2, s1;
	s18 =	sshrl.u32 @!p0 s18, $0x3  }
0xc: {  	[dreg:$0x4] =	wrdreg s10;
	s10 =	sadd.s32 s10, s0;
	s23 =	sshrl.u32 s8, $0x1  }
0xd: {  	s9 =	sshrl.u32 s9, $0x2;
	s14 =	sadd.s32 s7, s0;
	s8 =	ssub.s32 s8, s23  }
0xe: {  	s7 =	sor.u32 s1, s24;
	s25 =	sadd.s32 s9, s3;
	s10 =	sadd.s32 $0x28DE00, s10  }
0xf: {  	s9 =	sor.u32 $0x1C04, s26;
	s0 =	sadd.s32 $0x2B4E00, s0;
	s23 =	simm.s32 $0x1  }
.Ltmp0:
0x10: {  	s24 =	simm.s32 $0x3;
	[dreg:$0x5] =	wrdreg s10;
	(pc) =	sbr.rel .LBB2_1-.Ltmp0, $4  }
0x11: {  	s26 =	simm.s32 $0x2;
	[dreg:$0x6] =	wrdreg s0;
	s31 =	sshll.u32 s7, $0x4  }
0x12: {  	s12 =	sshll.u32 s7, $0xB;
	s14 =	sadd.s32 $0x57B200, s14;
	s15 =	smax.u32 s8, $0x1  }
0x13: {  	s16 =	sshrl.u32 s25, $0x3;
	s25 =	simm.s32 $0x5;
	s0 =	sand.u32 $0x70, s31  }
0x14: {  	s11 =	sadd.s32 s5, s31;
	s12 =	sadd.s32 s6, s12;
	s13 =	sadd.s32 s5, s0  }
.LBB2_11:
0x15: {  	[bflag:$0x0] =	sbarrier.arrive $0xFFFF  }
0x16: {  	s0 =	rddreg [dreg:$0x4]  }
0x17: {  	s0 =	sadd.s32 s0, s14  }
0x18: {  	[hbm:s0], [sflag:s9] =	dma.local [spmem:s16], $0x2700  }
0x19: {  	_ =	swait.ge [sflag:s17], $0x2700  }
0x1a: {  	s30 =	sadd.s32 $0x1, s30;
	[sflag:s17] =	ssyncset.done $0x0  }
0x1b: {  	p1 =	sne.s32 s30, s15;
	s0 =	sadd.s32 @!p0 $0x27000, s14;
	[sflag:s17] =	ssyncadd.s32 $0xFFFFD900  }
0x1c: {  	[hbm:s0], [sflag:s9] =	dma.local @!p0 [spmem:s18], $0x100  }
.Ltmp1:
0x1d: {  	_ = 	snop;
	(pc) =	sbr.rel @!p1 .LBB2_12-.Ltmp1, $4  }
0x1e: {  	s0 =	simm.s32 @!p0 $0x4  }
0x1f: {  	_ =	swait.ge @!p0 [sflag:s0], $0x100  }
0x20: {  	[sflag:s0] =	ssyncset.done @!p0 $0x0  }
0x21: {  	[sflag:s0] =	ssyncadd.s32 @!p0 $0xFFFFFF00  }
.LBB2_1:
0x22: {  	s0 =	rddreg [dreg:$0x5]  }
0x23: {  	[spmem:s16], [sflag:s9] =	dma.local [hbm:s0], $0x2700  }
0x24: {  	_ =	swait.ge [sflag:s17], $0x2700  }
0x25: {  	[sflag:s17] =	ssyncset.done $0x0  }
0x26: {  	s0 =	rddreg [dreg:$0x6];
	[sflag:s17] =	ssyncadd.s32 $0xFFFFD900  }
0x27: {  	[spmem:s18], [sflag:s9] =	dma.local @!p0 [hbm:s0], $0x100  }
0x28: {  	s0 =	simm.s32 @!p0 $0x4  }
0x29: {  	_ =	swait.ge @!p0 [sflag:s0], $0x100  }
0x2a: {  	[sflag:s0] =	ssyncset.done @!p0 $0x0  }
0x2b: {  	[sflag:s0] =	ssyncadd.s32 @!p0 $0xFFFFFF00  }
0x2c: {  	[bflag:$0x0] =	sbarrier.arrive $0xFFFF  }
0x2d: {  	[tilespmem:s4], [sflag:$0x4] =	stream.strided.gather [hbm4b:s11+s19], $0x100, s20, s19, $0x38;
	[tilespmem:$0x1FA80] =	vst v63  }
0x2e: {  	_ =	swait.ge [sflag:s17], $0x100  }
.Ltmp2:
0x2f: {  	[sflag:s17] =	ssyncset.done $0x0;
	(pc) =	sbr.rel .LBB2_2-.Ltmp2, $4  }
0x30: {  	[sflag:s17] =	ssyncadd.s32 $0xFFFFFF00  }
0x31: {  	[tilespmem:s21], [sflag:$0x1] =	stream.indirect.gather [hbm4b:s2+s19], $0x80, s4, s19, $0xb8;
	[tilespmem:$0x1FA80] =	vst v63  }
0x32: {  	s22 =	simm.s32 $0x8200;
	s31 =	simm.s32 $0x0  }
0x33: {  	[tilespmem:s22], [sflag:$0x3] =	stream.linear.gather [hbm4b:s12+s4], $0x4000, $0x38;
	[tilespmem:$0x1FA80] =	vst v63  }
.LBB2_10:
0x34: {  	s31 =	sadd.s32 $0x1, s31  }
0x35: {  	p1 =	sne.s32 s31, $0x14  }
.Ltmp3:
0x36: {  	_ = 	snop;
	(pc) =	sbr.rel @!p1 .LBB2_11-.Ltmp3, $1  }
0x37: {  	_ =	sdelay $0x3  }
.LBB2_2:
0x38: {  	s0 =	sshll.u32 s31, $0x6  }
0x39: {  	s1 =	sor.u32 s7, s0  }
0x3a: {  	s22 =	sor.u32 $0x20, s1  }
0x3b: {  	p1 =	sgt.u32 s22, $0x4E1  }
0x3c: {  	s0 =	sshll.u32 @!p1 s22, $0x4  }
0x3d: {  	s5 =	simm.s32 @!p1 $0x80;
	s0 =	sand.u32 @!p1 $0x7F80, s0  }
0x3e: {  	s8 =	simm.s32 @!p1 $0x4E400;
	s10 =	simm.s32 @!p1 $0x100;
	s0 =	sadd.s32 @!p1 s0, s13  }
0x3f: {  	[tilespmem:s10], [sflag:$0x5] =	stream.strided.gather @!p1 [hbm4b:s0+s5], $0x100, s8, s5, $0x38;
	[tilespmem:$0x1FA80] =	vst v63  }
0x40: {  	s0 =	simm.s32 @!p1 $0x5  }
0x41: {  	_ =	swait.ge @!p1 [sflag:s0], $0x100  }
0x42: {  	[sflag:s0] =	ssyncset.done @!p1 $0x0  }
0x43: {  	[sflag:s0] =	ssyncadd.s32 @!p1 $0xFFFFFF00;
	s0 =	simm.s32 @!p1 $0x4200  }
0x44: {  	[tilespmem:s0], [sflag:$0x2] =	stream.indirect.gather @!p1 [hbm4b:s2+s5], $0x80, s10, s5, $0xb8;
	[tilespmem:$0x1FA80] =	vst v63  }
0x45: {  	_ =	swait.ge [sflag:s23], $0x4000  }
0x46: {  	[sflag:s23] =	ssyncset.done $0x0  }
0x47: {  	[sflag:s23] =	ssyncadd.s32 $0xFFFFC000  }
0x48: {  	_ =	swait.ge [sflag:s24], $0x4000  }
0x49: {  	[sflag:s24] =	ssyncset.done $0x0  }
0x4a: {  	s5 =	simm.s32 $0x0;
	[sflag:s24] =	ssyncadd.s32 $0xFFFFC000  }
0x4b: {  	v4 =	vld [tilespmem:s5+$0x8200]  }
0x4c: {  	v2 =	vld [tilespmem:s5+$0x8210]  }
0x4d: {  	v1 =	vld [tilespmem:s5+$0x8220]  }
0x4e: {  	v0 =	vld [tilespmem:s5+$0x8230]  }
0x4f: {  	v8 =	vld [tilespmem:s5+$0x200]  }
0x50: {  	v7 =	vld [tilespmem:s5+$0x210]  }
0x51: {  	v6 =	vld [tilespmem:s5+$0x220]  }
0x52: {  	v5 =	vld [tilespmem:s5+$0x230]  }
0x53: {  	v3 =	vld [tilespmem:s5+$0x240];
	v10 =	vshll.u32 v4, $0x10  }
0x54: {  	s8 =	simm.s32 $0x200;
	s0 =	sadd.s32 $0x40, s1;
	v9 =	vand.u32 $0xFFFF0000, v4;
	v4 =	vld [tilespmem:s5+$0x250];
	v8 =	vmul.f32 v10, v8  }
.LBB2_3:
0x55: {  	p2 =	sne.s32 s8, $0xFE00;
	v7 =	vmul.f32 v9, v7;
	v9 =	vshll.u32 v2, $0x10;
	v10 =	vld [tilespmem:s5+$0x260]  }
0x56: {  	s10 =	sshra.s32 s8, $0x2;
	v2 =	vand.u32 $0xFFFF0000, v2;
	[tilespmem:s5+$0x200] =	vst v8;
	v6 =	vmul.f32 v9, v6;
	v8 =	vld [tilespmem:s5+$0x270]  }
0x57: {  	v9 =	vld [tilespmem:s10+$0x8200];
	[tilespmem:s5+$0x210] =	vst v7;
	v5 =	vmul.f32 v2, v5;
	v7 =	vshll.u32 v1, $0x10  }
0x58: {  	v2 =	vld [tilespmem:s10+$0x8210];
	[tilespmem:s5+$0x220] =	vst v6;
	v6 =	vand.u32 $0xFFFF0000, v1;
	v3 =	vmul.f32 v7, v3  }
0x59: {  	v1 =	vld [tilespmem:s10+$0x8220];
	[tilespmem:s5+$0x230] =	vst v5;
	v4 =	vmul.f32 v6, v4;
	v5 =	vshll.u32 v0, $0x10  }
0x5a: {  	[tilespmem:s5+$0x240] =	vst v3;
	v3 =	vand.u32 $0xFFFF0000, v0;
	v0 =	vld [tilespmem:s10+$0x8230];
	v5 =	vmul.f32 v5, v10  }
0x5b: {  	v10 =	vld [tilespmem:s10+$0x200];
	[tilespmem:s5+$0x250] =	vst v4;
	v3 =	vmul.f32 v3, v8  }
.Ltmp4:
0x5c: {  	v7 =	vld [tilespmem:s10+$0x210];
	[tilespmem:s5+$0x260] =	vst v5;
	(pc) =	sbr.rel @p2 .LBB2_3-.Ltmp4, $4  }
0x5d: {  	v6 =	vld [tilespmem:s10+$0x220];
	[tilespmem:s5+$0x270] =	vst v3;
	s5 =	smov.u32 s10  }
0x5e: {  	v5 =	vld [tilespmem:s5+$0x230]  }
0x5f: {  	v4 =	vshll.u32 v9, $0x10;
	v3 =	vld [tilespmem:s5+$0x240]  }
0x60: {  	s8 =	sadd.s32 $0x200, s8;
	v9 =	vand.u32 $0xFFFF0000, v9;
	v8 =	vmul.f32 v4, v10;
	v4 =	vld [tilespmem:s5+$0x250]  }
0x61: {  	v10 =	vld [tilespmem:s5+$0x260];
	v7 =	vmul.f32 v9, v7;
	v57 =	vshll.u32 v2, $0x10  }
0x62: {  	v58 =	vand.u32 $0xFFFF0000, v2;
	v59 =	vld [tilespmem:s5+$0x270];
	[tilespmem:s5+$0x200] =	vst v8;
	v6 =	vmul.f32 v57, v6  }
0x63: {  	v60 =	vshll.u32 v1, $0x10;
	[tilespmem:s5+$0x210] =	vst v7;
	v2 =	vmul.f32 v58, v5  }
0x64: {  	v61 =	vand.u32 $0xFFFF0000, v1;
	[tilespmem:s5+$0x220] =	vst v6;
	v3 =	vmul.f32 v60, v3  }
0x65: {  	v62 =	vshll.u32 v0, $0x10;
	[tilespmem:s5+$0x230] =	vst v2;
	v1 =	vmul.f32 v61, v4  }
0x66: {  	v63 =	vand.u32 $0xFFFF0000, v0;
	[tilespmem:s5+$0x240] =	vst v3;
	v2 =	vmul.f32 v62, v10  }
0x67: {  	v0 =	vmul.f32 v63, v59;
	[tilespmem:s5+$0x250] =	vst v1  }
0x68: {  	s8 =	sshll.u32 @!p1 s22, $0xB;
	s10 =	simm.s32 @!p1 $0x8200;
	[tilespmem:s5+$0x260] =	vst v2  }
0x69: {  	p2 =	sgt.u32 s1, $0x4A1;
	[tilespmem:s5+$0x270] =	vst v0;
	s5 =	sadd.s32 @!p1 s6, s8;
	s8 =	simm.s32 @!p1 $0x0  }
0x6a: {  	[tilespmem:s10], [sflag:$0x3] =	stream.linear.gather @!p1 [hbm4b:s5+s8], $0x4000, $0x38;
	[tilespmem:$0x1FA80] =	vst v63  }
.Ltmp5:
0x6b: {  	_ = 	snop;
	(pc) =	sbr.rel @p2 .LBB2_6-.Ltmp5, $4  }
0x6c: {  	[spmem:s3] =	stream.indirect.scatter.add.f32 [tilespmem:s21], [sflag:$0x5], $0x80, s19, s19, $0xb8;
	[tilespmem:$0x1FA80] =	vst v63  }
0x6d: {  	_ =	swait.ge [sflag:s25], $0x4000  }
0x6e: {  	[sflag:s25] =	ssyncset.done $0x0  }
0x6f: {  	[sflag:s25] =	ssyncadd.s32 $0xFFFFC000  }
0x70: {  	s1 =	sshll.u32 s0, $0x4  }
0x71: {  	s1 =	sand.u32 $0xFF80, s1  }
0x72: {  	s1 =	sadd.s32 s1, s13  }
0x73: {  	[tilespmem:s4], [sflag:$0x5] =	stream.strided.gather [hbm4b:s1+s19], $0x100, s20, s19, $0x38;
	[tilespmem:$0x1FA80] =	vst v63  }
.Ltmp6:
0x74: {  	_ = 	snop;
	(pc) =	sbr.rel .LBB2_7-.Ltmp6, $4  }
0x75: {  	_ =	swait.ge [sflag:s25], $0x100  }
0x76: {  	[sflag:s25] =	ssyncset.done $0x0  }
0x77: {  	[sflag:s25] =	ssyncadd.s32 $0xFFFFFF00  }
0x78: {  	[tilespmem:s21], [sflag:$0x1] =	stream.indirect.gather [hbm4b:s2+s19], $0x80, s4, s19, $0xb8;
	[tilespmem:$0x1FA80] =	vst v63  }
.LBB2_6:
.Ltmp7:
0x79: {  	(pc) =	sbr.rel @p1 .LBB2_10-.Ltmp7, $1  }
0x7a: {  	_ =	sdelay $0x3  }
.LBB2_7:
0x7b: {  	_ =	swait.ge [sflag:s26], $0x4000  }
0x7c: {  	[sflag:s26] =	ssyncset.done $0x0  }
0x7d: {  	[sflag:s26] =	ssyncadd.s32 $0xFFFFC000  }
0x7e: {  	_ =	swait.ge [sflag:s24], $0x4000  }
0x7f: {  	[sflag:s24] =	ssyncset.done $0x0  }
0x80: {  	s1 =	simm.s32 $0x0;
	[sflag:s24] =	ssyncadd.s32 $0xFFFFC000  }
0x81: {  	v4 =	vld [tilespmem:s1+$0x8200]  }
0x82: {  	v2 =	vld [tilespmem:s1+$0x8210]  }
0x83: {  	v1 =	vld [tilespmem:s1+$0x8220]  }
0x84: {  	v0 =	vld [tilespmem:s1+$0x8230]  }
0x85: {  	v8 =	vld [tilespmem:s1+$0x4200]  }
0x86: {  	v7 =	vld [tilespmem:s1+$0x4210]  }
0x87: {  	v6 =	vld [tilespmem:s1+$0x4220]  }
0x88: {  	v5 =	vld [tilespmem:s1+$0x4230]  }
0x89: {  	v3 =	vld [tilespmem:s1+$0x4240];
	v10 =	vshll.u32 v4, $0x10  }
0x8a: {  	s5 =	simm.s32 $0x200;
	v9 =	vand.u32 $0xFFFF0000, v4;
	v4 =	vld [tilespmem:s1+$0x4250];
	v8 =	vmul.f32 v10, v8  }
.LBB2_8:
0x8b: {  	p1 =	sne.s32 s5, $0xFE00;
	v7 =	vmul.f32 v9, v7;
	v9 =	vshll.u32 v2, $0x10;
	v10 =	vld [tilespmem:s1+$0x4260]  }
0x8c: {  	s8 =	sshra.s32 s5, $0x2;
	v2 =	vand.u32 $0xFFFF0000, v2;
	[tilespmem:s1+$0x4200] =	vst v8;
	v6 =	vmul.f32 v9, v6;
	v8 =	vld [tilespmem:s1+$0x4270]  }
0x8d: {  	v9 =	vld [tilespmem:s8+$0x8200];
	[tilespmem:s1+$0x4210] =	vst v7;
	v5 =	vmul.f32 v2, v5;
	v7 =	vshll.u32 v1, $0x10  }
0x8e: {  	v2 =	vld [tilespmem:s8+$0x8210];
	[tilespmem:s1+$0x4220] =	vst v6;
	v6 =	vand.u32 $0xFFFF0000, v1;
	v3 =	vmul.f32 v7, v3  }
0x8f: {  	v1 =	vld [tilespmem:s8+$0x8220];
	[tilespmem:s1+$0x4230] =	vst v5;
	v4 =	vmul.f32 v6, v4;
	v5 =	vshll.u32 v0, $0x10  }
0x90: {  	[tilespmem:s1+$0x4240] =	vst v3;
	v3 =	vand.u32 $0xFFFF0000, v0;
	v0 =	vld [tilespmem:s8+$0x8230];
	v5 =	vmul.f32 v5, v10  }
0x91: {  	v10 =	vld [tilespmem:s8+$0x4200];
	[tilespmem:s1+$0x4250] =	vst v4;
	v3 =	vmul.f32 v3, v8  }
.Ltmp8:
0x92: {  	v7 =	vld [tilespmem:s8+$0x4210];
	[tilespmem:s1+$0x4260] =	vst v5;
	(pc) =	sbr.rel @p1 .LBB2_8-.Ltmp8, $4  }
0x93: {  	v6 =	vld [tilespmem:s8+$0x4220];
	[tilespmem:s1+$0x4270] =	vst v3;
	s1 =	smov.u32 s8  }
0x94: {  	v5 =	vld [tilespmem:s1+$0x4230]  }
0x95: {  	v4 =	vshll.u32 v9, $0x10;
	v3 =	vld [tilespmem:s1+$0x4240]  }
0x96: {  	s5 =	sadd.s32 $0x200, s5;
	v9 =	vand.u32 $0xFFFF0000, v9;
	v8 =	vmul.f32 v4, v10;
	v4 =	vld [tilespmem:s1+$0x4250]  }
0x97: {  	v10 =	vld [tilespmem:s1+$0x4260];
	v7 =	vmul.f32 v9, v7;
	v57 =	vshll.u32 v2, $0x10  }
0x98: {  	v58 =	vand.u32 $0xFFFF0000, v2;
	v59 =	vld [tilespmem:s1+$0x4270];
	[tilespmem:s1+$0x4200] =	vst v8;
	v6 =	vmul.f32 v57, v6  }
0x99: {  	v60 =	vshll.u32 v1, $0x10;
	[tilespmem:s1+$0x4210] =	vst v7;
	v2 =	vmul.f32 v58, v5  }
0x9a: {  	v61 =	vand.u32 $0xFFFF0000, v1;
	[tilespmem:s1+$0x4220] =	vst v6;
	v3 =	vmul.f32 v60, v3  }
0x9b: {  	v62 =	vshll.u32 v0, $0x10;
	[tilespmem:s1+$0x4230] =	vst v2;
	v1 =	vmul.f32 v61, v4  }
0x9c: {  	v63 =	vand.u32 $0xFFFF0000, v0;
	[tilespmem:s1+$0x4240] =	vst v3;
	v2 =	vmul.f32 v62, v10  }
0x9d: {  	v0 =	vmul.f32 v63, v59;
	[tilespmem:s1+$0x4250] =	vst v1  }
0x9e: {  	s0 =	sshll.u32 @!p2 s0, $0xB;
	[tilespmem:s1+$0x4260] =	vst v2  }
0x9f: {  	s5 =	simm.s32 @!p2 $0x8200;
	s0 =	sadd.s32 @!p2 s6, s0;
	[tilespmem:s1+$0x4270] =	vst v0;
	s1 =	simm.s32 @!p2 $0x0  }
0xa0: {  	[tilespmem:s5], [sflag:$0x3] =	stream.linear.gather @!p2 [hbm4b:s0+s1], $0x4000, $0x38;
	[tilespmem:$0x1FA80] =	vst v63  }
.Ltmp9:
0xa1: {  	_ = 	snop;
	(pc) =	sbr.rel .LBB2_10-.Ltmp9, $4  }
0xa2: {  	[spmem:s3] =	stream.indirect.scatter.add.f32 [tilespmem:s29], [sflag:$0x4], $0x80, s28, s19, $0xb8;
	[tilespmem:$0x1FA80] =	vst v63  }
0xa3: {  	_ =	swait.ge [sflag:s17], $0x4000  }
0xa4: {  	[sflag:s17] =	ssyncset.done $0x0  }
0xa5: {  	[sflag:s17] =	ssyncadd.s32 $0xFFFFC000  }
.LBB2_12:
0xa6: {  	_ =	sfence.sel $0x180000  }
0xa7: {  	[bflag:$0x0] =	sbarrier.arrive $0xFFFF  }
0xa8: {  	_ =	strace $0x9000004A  }
0xa9: {  	s0 =	stileid.u32;
	[bflag:$0x2] =	sbarrier.arrive $0xFFFF  }
0xaa: {  	p0 =	sne.s32 s0, $0x0;
	s0 =	rddreg [dreg:$0x3]  }
0xab: {  	s0 =	sadd.s32 @!p0 $0x100000, s0  }
0xac: {  	[sflag:s0] =	ssyncadd.tile.s32 @!p0 $0x1;
	_ =	shalt  }
.Lfunc_end2:
_tile_overlayer_lowered:
.L_overlay_start_2:
0xad: {  	(tag) =	ssettag $0x2  }
0xae: {  	s0 =	rddreg [dreg:$0x0];
	s2 =	stileid.u32  }
0xaf: {  	s1 =	rddreg [dreg:$0x1];
	p0 =	sne.s32 s2, $0x0  }
0xb0: {  	s3 =	rddreg [dreg:$0x2];
	[bflag:$0x3] =	sbarrier.arrive $0xFFFF;
	s2 =	simm.s32 @!p0 $0x1C04  }
0xb1: {  	[timem:s3], [sflag:s2] =	dma.local @!p0 [hbm:s0], s1  }
0xb2: {  	s0 =	simm.s32 @!p0 $0x4  }
0xb3: {  	_ =	swait.ge @!p0 [sflag:s0], s1  }
0xb4: {  	s1 =	ssub.s32 @!p0 $0x0, s1;
	[sflag:s0] =	ssyncset.done @!p0 $0x0  }
0xb5: {  	[sflag:s0] =	ssyncadd.s32 @!p0 s1  }
0xb6: {  	[bflag:$0x3] =	sbarrier.arrive $0xFFFF  }
0xb7: {  	_ =	shalt  }

</sc_bundles>
